<compile_context>
chip_gen: v7x
topology: tpu7x:2x2x1
jax: 0.10.2.dev20260603
libtpu: 0.0.44.dev20260713+nightly
codegen_flags: <defaults>
</compile_context>

<pallas_src>
import functools

import jax
import jax.numpy as jnp
from jax import lax
from jax.experimental import pallas as pl
from jax.experimental.pallas import tpu as pltpu
from jax.experimental.pallas import tpu_sc as plsc

G = 64
NS = 16
NC = 2
K = 128
BN_ROWS = 2000



def _sc_agg(table, comb, zeros, *, n, edge_split):
    ch = table.shape[1]
    ncht = comb.shape[0] if edge_split else comb.shape[0] // 2
    nch_w = ncht // (NS * NC) if edge_split else ncht // NS
    npair = nch_w // 2
    zr = (n // NS) & ~7
    tail = n - NS * zr
    mesh = plsc.VectorSubcoreMesh(core_axis_name="c", subcore_axis_name="s")

    @functools.partial(
        pl.kernel,
        out_type=jax.ShapeDtypeStruct((2 * n, ch), jnp.float32),
        mesh=mesh,
        scratch_types=[
            [pltpu.VMEM((2, K), jnp.int32)] * 2,
            [pltpu.VMEM((K, ch), jnp.float32)] * 2,
            pltpu.VMEM_SHARED((n + 16, ch), jnp.float32),
            [pltpu.SemaphoreType.DMA] * 2,
        ],
    )
    def body(comb_ref, t_ref, z_ref, out_ref, idx, rows, aggsh, sem):
        c = lax.axis_index("c")
        s = lax.axis_index("s")
        pltpu.sync_copy(z_ref.at[pl.ds(0, zr)],
                        aggsh.at[pl.ds(pl.multiple_of(s * zr, 8), zr)])
        @pl.when(s == 0)
        def _():
            pltpu.sync_copy(z_ref.at[pl.ds(0, tail)],
                            aggsh.at[pl.ds(NS * zr, tail)])
        plsc.subcore_barrier()

        if edge_split:
            base = (s * NC + c) * nch_w
        else:
            base = c * ncht + s * nch_w

        def load_idx(b, g):
            pltpu.sync_copy(comb_ref.at[g], idx[b])

        def fire_gather(b):
            pltpu.async_copy(t_ref.at[idx[b].at[0]], rows[b], sem[b])

        def wait_gather(b):
            pltpu.make_async_copy(t_ref.at[pl.ds(0, K)], rows[b], sem[b]).wait()

        def scat(b):
            pltpu.sync_copy(rows[b], aggsh.at[idx[b].at[1]], add=True)

        load_idx(0, base)
        fire_gather(0)

        def pair(jj, carry):
            g0 = base + 2 * jj
            load_idx(1, g0 + 1)
            fire_gather(1)
            wait_gather(0)
            scat(0)
            @pl.when(jj + 1 < nch_w // 2)
            def _():
                load_idx(0, g0 + 2)
                fire_gather(0)
            wait_gather(1)
            scat(1)
            return carry

        lax.fori_loop(0, nch_w // 2, pair, 0)
        plsc.subcore_barrier()
        pltpu.sync_copy(aggsh.at[pl.ds(pl.multiple_of(s * zr, 8), zr)],
                        out_ref.at[pl.ds(pl.multiple_of(c * n + s * zr, 8), zr)])
        @pl.when(s == 0)
        def _():
            pltpu.sync_copy(aggsh.at[pl.ds(NS * zr, tail)],
                            out_ref.at[pl.ds(pl.multiple_of(c * n + NS * zr, 8), tail)])

    return body(comb, table, zeros)



def _pass_a0(x, p01, epsp, w1, b1, *, n):
    cin = x.shape[1]
    h2 = w1.shape[1]
    nb = n // BN_ROWS

    def body(eps_ref, x_ref, a0_ref, a1_ref, w_ref, b_ref, z_ref, s_ref, q_ref):
        i = pl.program_id(0)
        u = x_ref[...] * eps_ref[0, 0] + a0_ref[...] + a1_ref[...]
        z = jnp.dot(u, w_ref[...], preferred_element_type=jnp.float32) + b_ref[...]
        z_ref[...] = z
        @pl.when(i == 0)
        def _():
            s_ref[...] = jnp.zeros_like(s_ref)
            q_ref[...] = jnp.zeros_like(q_ref)
        s_ref[...] += jnp.sum(z, 0, keepdims=True)
        q_ref[...] += jnp.sum(z * z, 0, keepdims=True)

    return pl.pallas_call(
        body,
        grid=(nb,),
        in_specs=[
            pl.BlockSpec((1, 1), lambda i: (0, 0), memory_space=pltpu.SMEM),
            pl.BlockSpec((BN_ROWS, cin), lambda i: (i, 0)),
            pl.BlockSpec((BN_ROWS, cin), lambda i: (i, 0)),
            pl.BlockSpec((BN_ROWS, cin), lambda i: (nb + i, 0)),
            pl.BlockSpec((cin, h2), lambda i: (0, 0)),
            pl.BlockSpec((1, h2), lambda i: (0, 0)),
        ],
        out_specs=[
            pl.BlockSpec((BN_ROWS, h2), lambda i: (i, 0)),
            pl.BlockSpec((1, h2), lambda i: (0, 0)),
            pl.BlockSpec((1, h2), lambda i: (0, 0)),
        ],
        out_shape=[
            jax.ShapeDtypeStruct((n, h2), jnp.float32),
            jax.ShapeDtypeStruct((1, h2), jnp.float32),
            jax.ShapeDtypeStruct((1, h2), jnp.float32),
        ],
    )(epsp, x, p01, p01, w1, b1)


def _pass_a(hsplit, agg, epsp, w1, b1, *, n):
    ch = hsplit.shape[1]
    h2 = w1.shape[1]
    nb = n // BN_ROWS

    def body(eps_ref, h0, h1, a0, a1, w_ref, b_ref, z_ref, s_ref, q_ref):
        i = pl.program_id(0)
        ep = eps_ref[0, 0]
        u0 = h0[...] * ep + a0[...]
        u1 = h1[...] * ep + a1[...]
        z = (jnp.dot(u0, w_ref[:ch], preferred_element_type=jnp.float32)
             + jnp.dot(u1, w_ref[ch:], preferred_element_type=jnp.float32)
             + b_ref[...])
        z_ref[...] = z
        @pl.when(i == 0)
        def _():
            s_ref[...] = jnp.zeros_like(s_ref)
            q_ref[...] = jnp.zeros_like(q_ref)
        s_ref[...] += jnp.sum(z, 0, keepdims=True)
        q_ref[...] += jnp.sum(z * z, 0, keepdims=True)

    return pl.pallas_call(
        body,
        grid=(nb,),
        in_specs=[
            pl.BlockSpec((1, 1), lambda i: (0, 0), memory_space=pltpu.SMEM),
            pl.BlockSpec((BN_ROWS, ch), lambda i: (i, 0)),
            pl.BlockSpec((BN_ROWS, ch), lambda i: (nb + i, 0)),
            pl.BlockSpec((BN_ROWS, ch), lambda i: (i, 0)),
            pl.BlockSpec((BN_ROWS, ch), lambda i: (nb + i, 0)),
            pl.BlockSpec((2 * ch, h2), lambda i: (0, 0)),
            pl.BlockSpec((1, h2), lambda i: (0, 0)),
        ],
        out_specs=[
            pl.BlockSpec((BN_ROWS, h2), lambda i: (i, 0)),
            pl.BlockSpec((1, h2), lambda i: (0, 0)),
            pl.BlockSpec((1, h2), lambda i: (0, 0)),
        ],
        out_shape=[
            jax.ShapeDtypeStruct((n, h2), jnp.float32),
            jax.ShapeDtypeStruct((1, h2), jnp.float32),
            jax.ShapeDtypeStruct((1, h2), jnp.float32),
        ],
    )(epsp, hsplit, hsplit, agg, agg, w1, b1)


def _pass_b(z1, s1, q1, g1, bt1, w2, b2, *, n):
    h2 = z1.shape[1]
    ho = w2.shape[1]
    nb = n // BN_ROWS

    def body(z1_ref, s_ref, q_ref, g_ref, bt_ref, w_ref, b_ref,
             z2_ref, s2_ref, q2_ref):
        i = pl.program_id(0)
        m = s_ref[...] / n
        v = q_ref[...] / n - m * m
        sc = g_ref[...] * lax.rsqrt(v + 1e-5)
        sh = bt_ref[...] - m * sc
        y = jnp.maximum(z1_ref[...] * sc + sh, 0.0)
        z2 = jnp.dot(y, w_ref[...], preferred_element_type=jnp.float32) + b_ref[...]
        z2_ref[...] = z2
        @pl.when(i == 0)
        def _():
            s2_ref[...] = jnp.zeros_like(s2_ref)
            q2_ref[...] = jnp.zeros_like(q2_ref)
        s2_ref[...] += jnp.sum(z2, 0, keepdims=True)
        q2_ref[...] += jnp.sum(z2 * z2, 0, keepdims=True)

    return pl.pallas_call(
        body,
        grid=(nb,),
        in_specs=[
            pl.BlockSpec((BN_ROWS, h2), lambda i: (i, 0)),
            pl.BlockSpec((1, h2), lambda i: (0, 0)),
            pl.BlockSpec((1, h2), lambda i: (0, 0)),
            pl.BlockSpec((1, h2), lambda i: (0, 0)),
            pl.BlockSpec((1, h2), lambda i: (0, 0)),
            pl.BlockSpec((h2, ho), lambda i: (0, 0)),
            pl.BlockSpec((1, ho), lambda i: (0, 0)),
        ],
        out_specs=[
            pl.BlockSpec((BN_ROWS, ho), lambda i: (i, 0)),
            pl.BlockSpec((1, ho), lambda i: (0, 0)),
            pl.BlockSpec((1, ho), lambda i: (0, 0)),
        ],
        out_shape=[
            jax.ShapeDtypeStruct((n, ho), jnp.float32),
            jax.ShapeDtypeStruct((1, ho), jnp.float32),
            jax.ShapeDtypeStruct((1, ho), jnp.float32),
        ],
    )(z1, s1, q1, g1, bt1, w2, b2)


def _pass_c_split(z2, s2, q2, g, bt, *, n):
    h = z2.shape[1]
    ch = h // 2
    nb = n // BN_ROWS

    def body(z_ref, s_ref, q_ref, g_ref, bt_ref, out_ref):
        m = s_ref[...] / n
        v = q_ref[...] / n - m * m
        sc = g_ref[...] * lax.rsqrt(v + 1e-5)
        sh = bt_ref[...] - m * sc
        out_ref[...] = jnp.maximum(z_ref[...] * sc + sh, 0.0)

    return pl.pallas_call(
        body,
        grid=(nb, 2),
        in_specs=[
            pl.BlockSpec((BN_ROWS, ch), lambda i, hh: (i, hh)),
            pl.BlockSpec((1, ch), lambda i, hh: (0, hh)),
            pl.BlockSpec((1, ch), lambda i, hh: (0, hh)),
            pl.BlockSpec((1, ch), lambda i, hh: (0, hh)),
            pl.BlockSpec((1, ch), lambda i, hh: (0, hh)),
        ],
        out_specs=pl.BlockSpec((BN_ROWS, ch), lambda i, hh: (hh * nb + i, 0)),
        out_shape=jax.ShapeDtypeStruct((2 * n, ch), jnp.float32),
    )(z2, s2, q2, g, bt)


def _pass_c_pool(z2, s2, q2, g, bt, batch2d, *, n):
    h = z2.shape[1]
    nb = n // BN_ROWS

    def body(z_ref, s_ref, q_ref, g_ref, bt_ref, b_ref, out_ref):
        i = pl.program_id(0)
        m = s_ref[...] / n
        v = q_ref[...] / n - m * m
        sc = g_ref[...] * lax.rsqrt(v + 1e-5)
        sh = bt_ref[...] - m * sc
        hrows = jnp.maximum(z_ref[...] * sc + sh, 0.0)
        seg = lax.broadcasted_iota(jnp.int32, (G, BN_ROWS), 0)
        onehot = (seg == b_ref[0]).astype(jnp.float32)
        @pl.when(i == 0)
        def _():
            out_ref[...] = jnp.zeros_like(out_ref)
        out_ref[...] += jnp.dot(onehot, hrows, preferred_element_type=jnp.float32)

    return pl.pallas_call(
        body,
        grid=(nb,),
        in_specs=[
            pl.BlockSpec((BN_ROWS, h), lambda i: (i, 0)),
            pl.BlockSpec((1, h), lambda i: (0, 0)),
            pl.BlockSpec((1, h), lambda i: (0, 0)),
            pl.BlockSpec((1, h), lambda i: (0, 0)),
            pl.BlockSpec((1, h), lambda i: (0, 0)),
            pl.BlockSpec((1, 1, BN_ROWS), lambda i: (i, 0, 0)),
        ],
        out_specs=pl.BlockSpec((G, h), lambda i: (0, 0)),
        out_shape=jax.ShapeDtypeStruct((G, h), jnp.float32),
    )(z2, s2, q2, g, bt, batch2d)


def _head(pooled, w1, b1, g1, bt1, w2, b2):
    h = pooled.shape[1]
    out = w2.shape[1]

    def body(p_ref, w1_ref, b1_ref, g_ref, bt_ref, w2_ref, b2_ref, o_ref):
        y = jnp.dot(p_ref[...], w1_ref[...],
                    preferred_element_type=jnp.float32) + b1_ref[...]
        m = jnp.mean(y, 0, keepdims=True)
        v = jnp.mean(y * y, 0, keepdims=True) - m * m
        y = jnp.maximum(g_ref[...] * (y - m) * lax.rsqrt(v + 1e-5) + bt_ref[...], 0.0)
        y2 = jnp.dot(y, w2_ref[...], preferred_element_type=jnp.float32) + b2_ref[...]
        mx = jnp.max(y2, axis=-1, keepdims=True)
        lse = mx + jnp.log(jnp.sum(jnp.exp(y2 - mx), axis=-1, keepdims=True))
        o_ref[...] = y2 - lse

    return pl.pallas_call(
        body,
        out_shape=jax.ShapeDtypeStruct((G, out), jnp.float32),
    )(pooled, w1, b1, g1, bt1, w2, b2)



def kernel(x, edge_index, batch, params):
    n = x.shape[0]
    e = edge_index.shape[1]
    src = edge_index[0]
    dst = edge_index[1]
    grp = 2 * K * NS * NC
    e2 = -(-e // grp) * grp
    src_p = jnp.concatenate([src, jnp.arange(e2 - e, dtype=jnp.int32) % n])
    dst_p = jnp.concatenate([dst, n + (jnp.arange(e2 - e, dtype=jnp.int32) % 16)])
    sb = src_p.reshape(-1, 1, K)
    db = dst_p.reshape(-1, 1, K)
    comb0 = jnp.concatenate([sb, db], 1)
    comb = jnp.concatenate([comb0,
                            jnp.concatenate([sb + n, db], 1)], 0)
    zeros = jnp.zeros((n // NS, 128), jnp.float32)
    batch3d = batch.reshape(n // BN_ROWS, 1, BN_ROWS)

    def row(a):
        return a.reshape(1, -1)

    hsplit = None
    z2 = s2 = q2 = None
    for i in range(3):
        p = params[f"conv{i}"]
        epsp = (1.0 + p["eps"]).reshape(1, 1)
        if i == 0:
            p01 = _sc_agg(x, comb0, zeros, n=n, edge_split=True)
            z1, s1, q1 = _pass_a0(x, p01, epsp, p["W1"], row(p["b1"]), n=n)
        else:
            hsplit = _pass_c_split(z2, s2, q2, row(params[f"bn{i-1}_g"]),
                                   row(params[f"bn{i-1}_b"]), n=n)
            agg = _sc_agg(hsplit, comb, zeros, n=n, edge_split=False)
            z1, s1, q1 = _pass_a(hsplit, agg, epsp, p["W1"], row(p["b1"]), n=n)
        z2, s2, q2 = _pass_b(z1, s1, q1, row(p["g1"]), row(p["bt1"]),
                             p["W2"], row(p["b2"]), n=n)

    pooled = _pass_c_pool(z2, s2, q2, row(params["bn2_g"]), row(params["bn2_b"]),
                          batch3d, n=n)
    return _head(pooled, params["lin1_W"], row(params["lin1_b"]),
                 row(params["bn1_g"]), row(params["bn1_b"]),
                 params["lin2_W"], row(params["lin2_b"]))

# --- scband reference (transcript-rebuilt; emitter-appended) ---
"""Pipeline reference for scband-gin-31791347925501 (READ-ONLY COPY).

The authoritative reference and input builder live on the scoring server;
editing this copy changes nothing except your own understanding.
"""

import jax, jax.numpy as jnp
import numpy as np

N = 10000
E = 320000
IN = 128
H = 256
OUT = 64
L = 3
G = 64  # number of graphs in the batch


def _dense(key, fan_in, fan_out):
    kw, kb = jax.random.split(key)
    bound = 1.0 / np.sqrt(fan_in)
    W = jax.random.uniform(kw, (fan_in, fan_out), jnp.float32, -bound, bound)
    b = jax.random.uniform(kb, (fan_out,), jnp.float32, -bound, bound)
    return W, b


def setup_inputs(seed: int = 0) -> dict:
    key = jax.random.key(seed)
    ks = jax.random.split(key, 8 + 4 * L)
    x = jax.random.normal(ks[0], (N, IN), dtype=jnp.float32)
    edge_index = jax.random.randint(ks[1], (2, E), 0, N, dtype=jnp.int32)
    batch = jnp.sort(jax.random.randint(ks[2], (N,), 0, G, dtype=jnp.int32))
    params = {}
    c_in = IN
    for i in range(L):
        k0, k1 = jax.random.split(ks[3 + i])
        W1, b1 = _dense(k0, c_in, 2 * H)
        W2, b2 = _dense(k1, 2 * H, H)
        params[f"conv{i}"] = {
            "eps": jnp.zeros((), jnp.float32),  # train_eps=True, init 0
            "W1": W1, "b1": b1,
            "g1": jnp.ones((2 * H,), jnp.float32), "bt1": jnp.zeros((2 * H,), jnp.float32),
            "W2": W2, "b2": b2,
        }
        params[f"bn{i}_g"] = jnp.ones((H,), jnp.float32)
        params[f"bn{i}_b"] = jnp.zeros((H,), jnp.float32)
        c_in = H
    W, b = _dense(ks[3 + L], H, H)
    params["lin1_W"], params["lin1_b"] = W, b
    params["bn1_g"] = jnp.ones((H,), jnp.float32)
    params["bn1_b"] = jnp.zeros((H,), jnp.float32)
    W, b = _dense(ks[4 + L], H, OUT)
    params["lin2_W"], params["lin2_b"] = W, b
    return {"x": x, "edge_index": edge_index, "batch": batch, "params": params}


def _bn(z, g, b):
    # BatchNorm1d in training mode: batch statistics, biased variance
    m = jnp.mean(z, axis=0)
    v = jnp.var(z, axis=0)
    return g * (z - m) / jnp.sqrt(v + 1e-5) + b


def reference(x, edge_index, batch, params):
    src = edge_index[0]
    dst = edge_index[1]
    h = x
    for i in range(L):
        p = params[f"conv{i}"]
        # GINConv: mlp((1 + eps) * x + sum_{j in N(i)} x_j)
        agg = jax.ops.segment_sum(h[src], dst, num_segments=N)
        z = (1.0 + p["eps"]) * h + agg
        z = z @ p["W1"] + p["b1"]
        z = jax.nn.relu(_bn(z, p["g1"], p["bt1"]))
        z = z @ p["W2"] + p["b2"]
        h = jax.nn.relu(_bn(z, params[f"bn{i}_g"], params[f"bn{i}_b"]))
    pooled = jax.ops.segment_sum(h, batch, num_segments=G)
    y = pooled @ params["lin1_W"] + params["lin1_b"]
    y = jax.nn.relu(_bn(y, params["bn1_g"], params["bn1_b"]))
    # dropout is identity in eval mode
    y = y @ params["lin2_W"] + params["lin2_b"]
    return jax.nn.log_softmax(y, axis=-1)

if __name__ == "__main__":
    import jax
    _d = setup_inputs()
    print(jax.jit(kernel)(*tuple(_d.values())))

</pallas_src>

<mosaic_0001>
#map = affine_map<(d0, d1) -> (0, 0, 0)>
#map1 = affine_map<(d0, d1) -> (0, 0)>
module attributes {stable_mosaic.version = 14 : i64} {
  func.func @body(%arg0: i32, %arg1: i32, %arg2: memref<5120x2x128xi32, #tpu.memory_space<hbm>>, %arg3: memref<20000x128xf32, #tpu.memory_space<hbm>>, %arg4: memref<625x128xf32, #tpu.memory_space<hbm>>, %arg5: memref<20000x128xf32, #tpu.memory_space<hbm>>, %arg6: memref<2x128xi32, #tpu.memory_space<vmem>>, %arg7: memref<2x128xi32, #tpu.memory_space<vmem>>, %arg8: memref<128x128xf32, #tpu.memory_space<vmem>>, %arg9: memref<128x128xf32, #tpu.memory_space<vmem>>, %arg10: memref<10016x128xf32, #tpu.memory_space<vmem_shared>>, %arg11: memref<!tpu.dma_semaphore, #tpu.memory_space<semaphore_mem>>, %arg12: memref<!tpu.dma_semaphore, #tpu.memory_space<semaphore_mem>>) attributes {dimension_semantics = [#tpu.dimension_semantics<core_parallel>, #tpu.dimension_semantics<subcore_parallel>], iteration_bounds = array<i64: 2, 16>, scalar_prefetch = 0 : i64, scratch_operands = 7 : i64, tpu.core_type = #tpu.core_type<sc_vector_subcore>, window_params = [{transform_indices = #map}, {transform_indices = #map1}, {transform_indices = #map1}, {transform_indices = #map1}]} {
    %mul3A = arith.constant 624 : i32
    %mul3A_0 = arith.muli %arg1, %mul3A : i32
    %multiple_of3A = tpu.assume_multiple %mul3A_0, 8 : i32
    "tpu.region"() ({
      %run_scoped3A = tpu.sem_alloc : memref<!tpu.dma_semaphore, #tpu.memory_space<semaphore_mem>>
      %dma_start3A_33 = arith.constant 0 : i32
      %dma_start3A_34 = tpu.memref_slice %arg10[%multiple_of3A, %dma_start3A_33] : memref<10016x128xf32, #tpu.memory_space<vmem_shared>> -> memref<624x128xf32, #tpu.memory_space<vmem_shared>>
      %dma_start3A_35 = arith.constant 0 : i32
      %dma_start3A_36 = arith.constant 0 : i32
      %dma_start3A_37 = tpu.memref_slice %arg4[%dma_start3A_35, %dma_start3A_36] : memref<625x128xf32, #tpu.memory_space<hbm>> -> memref<624x128xf32, #tpu.memory_space<hbm>>
      tpu.enqueue_dma source(%dma_start3A_37 : memref<624x128xf32, #tpu.memory_space<hbm>>) target(%dma_start3A_34 : memref<624x128xf32, #tpu.memory_space<vmem_shared>>) target_semaphore(%run_scoped3A : memref<!tpu.dma_semaphore, #tpu.memory_space<semaphore_mem>>)
      %dma_wait3A = arith.constant 0 : i32
      %dma_wait3A_38 = tpu.memref_slice %arg10[%multiple_of3A, %dma_wait3A] : memref<10016x128xf32, #tpu.memory_space<vmem_shared>> -> memref<624x128xf32, #tpu.memory_space<vmem_shared>>
      %dma_wait3A_39 = arith.constant 0 : i32
      %dma_wait3A_40 = arith.constant 0 : i32
      %dma_wait3A_41 = tpu.memref_slice %arg4[%dma_wait3A_39, %dma_wait3A_40] : memref<625x128xf32, #tpu.memory_space<hbm>> -> memref<624x128xf32, #tpu.memory_space<hbm>>
      tpu.wait_dma2 semaphore(%run_scoped3A : memref<!tpu.dma_semaphore, #tpu.memory_space<semaphore_mem>>) src(%dma_wait3A_41 : memref<624x128xf32, #tpu.memory_space<hbm>>) dst(%dma_wait3A_38 : memref<624x128xf32, #tpu.memory_space<vmem_shared>>)
      tpu.yield
    }) : () -> ()
    %eq3A = arith.constant 0 : i32
    %eq3A_1 = arith.cmpi eq, %arg1, %eq3A : i32
    %convert_element_type3A = arith.extui %eq3A_1 : i1 to i32
    %cond3A = arith.constant 0 : i32
    %cond3A_2 = arith.cmpi ne, %convert_element_type3A, %cond3A : i32
    scf.if %cond3A_2 {
      "tpu.region"() ({
        %run_scoped3A = tpu.sem_alloc : memref<!tpu.dma_semaphore, #tpu.memory_space<semaphore_mem>>
        %dma_start3A_33 = arith.constant 9984 : i32
        %dma_start3A_34 = arith.constant 0 : i32
        %dma_start3A_35 = tpu.memref_slice %arg10[%dma_start3A_33, %dma_start3A_34] : memref<10016x128xf32, #tpu.memory_space<vmem_shared>> -> memref<16x128xf32, #tpu.memory_space<vmem_shared>>
        %dma_start3A_36 = arith.constant 0 : i32
        %dma_start3A_37 = arith.constant 0 : i32
        %dma_start3A_38 = tpu.memref_slice %arg4[%dma_start3A_36, %dma_start3A_37] : memref<625x128xf32, #tpu.memory_space<hbm>> -> memref<16x128xf32, #tpu.memory_space<hbm>>
        tpu.enqueue_dma source(%dma_start3A_38 : memref<16x128xf32, #tpu.memory_space<hbm>>) target(%dma_start3A_35 : memref<16x128xf32, #tpu.memory_space<vmem_shared>>) target_semaphore(%run_scoped3A : memref<!tpu.dma_semaphore, #tpu.memory_space<semaphore_mem>>)
        %dma_wait3A = arith.constant 9984 : i32
        %dma_wait3A_39 = arith.constant 0 : i32
        %dma_wait3A_40 = tpu.memref_slice %arg10[%dma_wait3A, %dma_wait3A_39] : memref<10016x128xf32, #tpu.memory_space<vmem_shared>> -> memref<16x128xf32, #tpu.memory_space<vmem_shared>>
        %dma_wait3A_41 = arith.constant 0 : i32
        %dma_wait3A_42 = arith.constant 0 : i32
        %dma_wait3A_43 = tpu.memref_slice %arg4[%dma_wait3A_41, %dma_wait3A_42] : memref<625x128xf32, #tpu.memory_space<hbm>> -> memref<16x128xf32, #tpu.memory_space<hbm>>
        tpu.wait_dma2 semaphore(%run_scoped3A : memref<!tpu.dma_semaphore, #tpu.memory_space<semaphore_mem>>) src(%dma_wait3A_43 : memref<16x128xf32, #tpu.memory_space<hbm>>) dst(%dma_wait3A_40 : memref<16x128xf32, #tpu.memory_space<vmem_shared>>)
        tpu.yield
      }) : () -> ()
    } else {
    }
    %barrier3A = arith.constant 0 : index
    tpu.barrier barrier_id(%barrier3A)
    %mul3A_3 = arith.constant 2560 : i32
    %mul3A_4 = arith.muli %arg0, %mul3A_3 : i32
    %mul3A_5 = arith.constant 160 : i32
    %mul3A_6 = arith.muli %arg1, %mul3A_5 : i32
    %add3A = arith.addi %mul3A_4, %mul3A_6 : i32
    "tpu.region"() ({
      %run_scoped3A = tpu.sem_alloc : memref<!tpu.dma_semaphore, #tpu.memory_space<semaphore_mem>>
      %dma_start3A_33 = arith.constant 0 : i32
      %dma_start3A_34 = arith.constant 0 : i32
      %dma_start3A_35 = tpu.memref_slice %arg2[%add3A, %dma_start3A_33, %dma_start3A_34] : memref<5120x2x128xi32, #tpu.memory_space<hbm>> -> memref<1x2x128xi32, #tpu.memory_space<hbm>>
      %dma_start3A_36 = tpu.memref_squeeze %dma_start3A_35 : memref<1x2x128xi32, #tpu.memory_space<hbm>> -> memref<2x128xi32, #tpu.memory_space<hbm>>
      %dma_start3A_37 = arith.constant 0 : i32
      %dma_start3A_38 = arith.constant 0 : i32
      %dma_start3A_39 = tpu.memref_slice %arg2[%add3A, %dma_start3A_37, %dma_start3A_38] : memref<5120x2x128xi32, #tpu.memory_space<hbm>> -> memref<1x2x128xi32, #tpu.memory_space<hbm>>
      %dma_start3A_40 = tpu.memref_squeeze %dma_start3A_39 : memref<1x2x128xi32, #tpu.memory_space<hbm>> -> memref<2x128xi32, #tpu.memory_space<hbm>>
      tpu.enqueue_dma source(%dma_start3A_40 : memref<2x128xi32, #tpu.memory_space<hbm>>) target(%arg6 : memref<2x128xi32, #tpu.memory_space<vmem>>) target_semaphore(%run_scoped3A : memref<!tpu.dma_semaphore, #tpu.memory_space<semaphore_mem>>)
      %dma_wait3A = arith.constant 0 : i32
      %dma_wait3A_41 = arith.constant 0 : i32
      %dma_wait3A_42 = tpu.memref_slice %arg2[%add3A, %dma_wait3A, %dma_wait3A_41] : memref<5120x2x128xi32, #tpu.memory_space<hbm>> -> memref<1x2x128xi32, #tpu.memory_space<hbm>>
      %dma_wait3A_43 = tpu.memref_squeeze %dma_wait3A_42 : memref<1x2x128xi32, #tpu.memory_space<hbm>> -> memref<2x128xi32, #tpu.memory_space<hbm>>
      %dma_wait3A_44 = arith.constant 0 : i32
      %dma_wait3A_45 = arith.constant 0 : i32
      %dma_wait3A_46 = tpu.memref_slice %arg2[%add3A, %dma_wait3A_44, %dma_wait3A_45] : memref<5120x2x128xi32, #tpu.memory_space<hbm>> -> memref<1x2x128xi32, #tpu.memory_space<hbm>>
      %dma_wait3A_47 = tpu.memref_squeeze %dma_wait3A_46 : memref<1x2x128xi32, #tpu.memory_space<hbm>> -> memref<2x128xi32, #tpu.memory_space<hbm>>
      tpu.wait_dma2 semaphore(%run_scoped3A : memref<!tpu.dma_semaphore, #tpu.memory_space<semaphore_mem>>) src(%dma_wait3A_47 : memref<2x128xi32, #tpu.memory_space<hbm>>) dst(%arg6 : memref<2x128xi32, #tpu.memory_space<vmem>>)
      tpu.yield
    }) : () -> ()
    %dma_start3A = arith.constant 0 : i32
    %dma_start3A_7 = arith.constant 0 : i32
    %dma_start3A_8 = tpu.memref_slice %arg6[%dma_start3A, %dma_start3A_7] : memref<2x128xi32, #tpu.memory_space<vmem>> -> memref<1x128xi32, #tpu.memory_space<vmem>>
    %dma_start3A_9 = tpu.memref_squeeze %dma_start3A_8 : memref<1x128xi32, #tpu.memory_space<vmem>> -> memref<128xi32, #tpu.memory_space<vmem>>
    %dma_start3A_10 = arith.constant 0 : i32
    %dma_start3A_11 = arith.constant 0 : i32
    %dma_start3A_12 = tpu.memref_slice %arg3[%dma_start3A_10, %dma_start3A_11] : memref<20000x128xf32, #tpu.memory_space<hbm>> -> memref<20000x128xf32, #tpu.memory_space<hbm>>
    tpu.enqueue_indirect_dma source(%dma_start3A_12 : memref<20000x128xf32, #tpu.memory_space<hbm>>) target(%arg8 : memref<128x128xf32, #tpu.memory_space<vmem>>) offsets(%dma_start3A_9 : memref<128xi32, #tpu.memory_space<vmem>>) semaphore(%arg11 : memref<!tpu.dma_semaphore, #tpu.memory_space<semaphore_mem>>)
    %scan3A = arith.constant 0 : i32
    %scan3A_13 = arith.constant 0 : i32
    %scan3A_14 = arith.constant 80 : i32
    %scan3A_15 = arith.addi %scan3A_13, %scan3A_14 : i32
    %scan3A_16 = arith.constant 1 : i32
    scf.for %scan3A_33 = %scan3A_13 to %scan3A_15 step %scan3A_16  : i32 {
      %mul3A_34 = arith.constant 2 : i32
      %mul3A_35 = arith.muli %mul3A_34, %scan3A_33 : i32
      %add3A_36 = arith.addi %add3A, %mul3A_35 : i32
      %add3A_37 = arith.constant 1 : i32
      %add3A_38 = arith.addi %add3A_36, %add3A_37 : i32
      "tpu.region"() ({
        %run_scoped3A_64 = tpu.sem_alloc : memref<!tpu.dma_semaphore, #tpu.memory_space<semaphore_mem>>
        %dma_start3A_65 = arith.constant 0 : i32
        %dma_start3A_66 = arith.constant 0 : i32
        %dma_start3A_67 = tpu.memref_slice %arg2[%add3A_38, %dma_start3A_65, %dma_start3A_66] : memref<5120x2x128xi32, #tpu.memory_space<hbm>> -> memref<1x2x128xi32, #tpu.memory_space<hbm>>
        %dma_start3A_68 = tpu.memref_squeeze %dma_start3A_67 : memref<1x2x128xi32, #tpu.memory_space<hbm>> -> memref<2x128xi32, #tpu.memory_space<hbm>>
        %dma_start3A_69 = arith.constant 0 : i32
        %dma_start3A_70 = arith.constant 0 : i32
        %dma_start3A_71 = tpu.memref_slice %arg2[%add3A_38, %dma_start3A_69, %dma_start3A_70] : memref<5120x2x128xi32, #tpu.memory_space<hbm>> -> memref<1x2x128xi32, #tpu.memory_space<hbm>>
        %dma_start3A_72 = tpu.memref_squeeze %dma_start3A_71 : memref<1x2x128xi32, #tpu.memory_space<hbm>> -> memref<2x128xi32, #tpu.memory_space<hbm>>
        tpu.enqueue_dma source(%dma_start3A_72 : memref<2x128xi32, #tpu.memory_space<hbm>>) target(%arg7 : memref<2x128xi32, #tpu.memory_space<vmem>>) target_semaphore(%run_scoped3A_64 : memref<!tpu.dma_semaphore, #tpu.memory_space<semaphore_mem>>)
        %dma_wait3A_73 = arith.constant 0 : i32
        %dma_wait3A_74 = arith.constant 0 : i32
        %dma_wait3A_75 = tpu.memref_slice %arg2[%add3A_38, %dma_wait3A_73, %dma_wait3A_74] : memref<5120x2x128xi32, #tpu.memory_space<hbm>> -> memref<1x2x128xi32, #tpu.memory_space<hbm>>
        %dma_wait3A_76 = tpu.memref_squeeze %dma_wait3A_75 : memref<1x2x128xi32, #tpu.memory_space<hbm>> -> memref<2x128xi32, #tpu.memory_space<hbm>>
        %dma_wait3A_77 = arith.constant 0 : i32
        %dma_wait3A_78 = arith.constant 0 : i32
        %dma_wait3A_79 = tpu.memref_slice %arg2[%add3A_38, %dma_wait3A_77, %dma_wait3A_78] : memref<5120x2x128xi32, #tpu.memory_space<hbm>> -> memref<1x2x128xi32, #tpu.memory_space<hbm>>
        %dma_wait3A_80 = tpu.memref_squeeze %dma_wait3A_79 : memref<1x2x128xi32, #tpu.memory_space<hbm>> -> memref<2x128xi32, #tpu.memory_space<hbm>>
        tpu.wait_dma2 semaphore(%run_scoped3A_64 : memref<!tpu.dma_semaphore, #tpu.memory_space<semaphore_mem>>) src(%dma_wait3A_80 : memref<2x128xi32, #tpu.memory_space<hbm>>) dst(%arg7 : memref<2x128xi32, #tpu.memory_space<vmem>>)
        tpu.yield
      }) : () -> ()
      %dma_start3A_39 = arith.constant 0 : i32
      %dma_start3A_40 = arith.constant 0 : i32
      %dma_start3A_41 = tpu.memref_slice %arg7[%dma_start3A_39, %dma_start3A_40] : memref<2x128xi32, #tpu.memory_space<vmem>> -> memref<1x128xi32, #tpu.memory_space<vmem>>
      %dma_start3A_42 = tpu.memref_squeeze %dma_start3A_41 : memref<1x128xi32, #tpu.memory_space<vmem>> -> memref<128xi32, #tpu.memory_space<vmem>>
      %dma_start3A_43 = arith.constant 0 : i32
      %dma_start3A_44 = arith.constant 0 : i32
      %dma_start3A_45 = tpu.memref_slice %arg3[%dma_start3A_43, %dma_start3A_44] : memref<20000x128xf32, #tpu.memory_space<hbm>> -> memref<20000x128xf32, #tpu.memory_space<hbm>>
      tpu.enqueue_indirect_dma source(%dma_start3A_45 : memref<20000x128xf32, #tpu.memory_space<hbm>>) target(%arg9 : memref<128x128xf32, #tpu.memory_space<vmem>>) offsets(%dma_start3A_42 : memref<128xi32, #tpu.memory_space<vmem>>) semaphore(%arg12 : memref<!tpu.dma_semaphore, #tpu.memory_space<semaphore_mem>>)
      %dma_wait3A = arith.constant 0 : i32
      %dma_wait3A_46 = arith.constant 0 : i32
      %dma_wait3A_47 = tpu.memref_slice %arg3[%dma_wait3A, %dma_wait3A_46] : memref<20000x128xf32, #tpu.memory_space<hbm>> -> memref<128x128xf32, #tpu.memory_space<hbm>>
      %dma_wait3A_48 = arith.constant 0 : i32
      %dma_wait3A_49 = arith.constant 0 : i32
      %dma_wait3A_50 = tpu.memref_slice %arg3[%dma_wait3A_48, %dma_wait3A_49] : memref<20000x128xf32, #tpu.memory_space<hbm>> -> memref<128x128xf32, #tpu.memory_space<hbm>>
      tpu.wait_dma2 semaphore(%arg11 : memref<!tpu.dma_semaphore, #tpu.memory_space<semaphore_mem>>) src(%dma_wait3A_50 : memref<128x128xf32, #tpu.memory_space<hbm>>) dst(%arg8 : memref<128x128xf32, #tpu.memory_space<vmem>>)
      %run_scoped3A = arith.constant 1 : i32
      "tpu.region"() ({
        %run_scoped3A_64 = tpu.sem_alloc : memref<!tpu.dma_semaphore, #tpu.memory_space<semaphore_mem>>
        %dma_start3A_65 = arith.constant 0 : i32
        %dma_start3A_66 = tpu.memref_slice %arg6[%run_scoped3A, %dma_start3A_65] : memref<2x128xi32, #tpu.memory_space<vmem>> -> memref<1x128xi32, #tpu.memory_space<vmem>>
        %dma_start3A_67 = tpu.memref_squeeze %dma_start3A_66 : memref<1x128xi32, #tpu.memory_space<vmem>> -> memref<128xi32, #tpu.memory_space<vmem>>
        %dma_start3A_68 = arith.constant 0 : i32
        %dma_start3A_69 = arith.constant 0 : i32
        %dma_start3A_70 = tpu.memref_slice %arg10[%dma_start3A_68, %dma_start3A_69] : memref<10016x128xf32, #tpu.memory_space<vmem_shared>> -> memref<10016x128xf32, #tpu.memory_space<vmem_shared>>
        tpu.enqueue_indirect_dma source(%arg8 : memref<128x128xf32, #tpu.memory_space<vmem>>) target(%dma_start3A_70 : memref<10016x128xf32, #tpu.memory_space<vmem_shared>>) offsets(%dma_start3A_67 : memref<128xi32, #tpu.memory_space<vmem>>) semaphore(%run_scoped3A_64 : memref<!tpu.dma_semaphore, #tpu.memory_space<semaphore_mem>>) {add = true}
        %dma_wait3A_71 = arith.constant 0 : i32
        %dma_wait3A_72 = tpu.memref_slice %arg6[%run_scoped3A, %dma_wait3A_71] : memref<2x128xi32, #tpu.memory_space<vmem>> -> memref<1x128xi32, #tpu.memory_space<vmem>>
        %dma_wait3A_73 = tpu.memref_squeeze %dma_wait3A_72 : memref<1x128xi32, #tpu.memory_space<vmem>> -> memref<128xi32, #tpu.memory_space<vmem>>
        %dma_wait3A_74 = arith.constant 0 : i32
        %dma_wait3A_75 = arith.constant 0 : i32
        %dma_wait3A_76 = tpu.memref_slice %arg10[%dma_wait3A_74, %dma_wait3A_75] : memref<10016x128xf32, #tpu.memory_space<vmem_shared>> -> memref<10016x128xf32, #tpu.memory_space<vmem_shared>>
        tpu.wait_indirect_dma semaphore(%run_scoped3A_64 : memref<!tpu.dma_semaphore, #tpu.memory_space<semaphore_mem>>) src(%arg8 : memref<128x128xf32, #tpu.memory_space<vmem>>) dst(%dma_wait3A_76 : memref<10016x128xf32, #tpu.memory_space<vmem_shared>>)
        tpu.yield
      }) : () -> ()
      %add3A_51 = arith.constant 1 : i32
      %add3A_52 = arith.addi %scan3A_33, %add3A_51 : i32
      %lt3A = arith.constant 80 : i32
      %lt3A_53 = arith.cmpi slt, %add3A_52, %lt3A : i32
      %convert_element_type3A_54 = arith.extui %lt3A_53 : i1 to i32
      %cond3A_55 = arith.constant 0 : i32
      %cond3A_56 = arith.cmpi ne, %convert_element_type3A_54, %cond3A_55 : i32
      scf.if %cond3A_56 {
        %add3A_64 = arith.constant 2 : i32
        %add3A_65 = arith.addi %add3A_36, %add3A_64 : i32
        "tpu.region"() ({
          %run_scoped3A_73 = tpu.sem_alloc : memref<!tpu.dma_semaphore, #tpu.memory_space<semaphore_mem>>
          %dma_start3A_74 = arith.constant 0 : i32
          %dma_start3A_75 = arith.constant 0 : i32
          %dma_start3A_76 = tpu.memref_slice %arg2[%add3A_65, %dma_start3A_74, %dma_start3A_75] : memref<5120x2x128xi32, #tpu.memory_space<hbm>> -> memref<1x2x128xi32, #tpu.memory_space<hbm>>
          %dma_start3A_77 = tpu.memref_squeeze %dma_start3A_76 : memref<1x2x128xi32, #tpu.memory_space<hbm>> -> memref<2x128xi32, #tpu.memory_space<hbm>>
          %dma_start3A_78 = arith.constant 0 : i32
          %dma_start3A_79 = arith.constant 0 : i32
          %dma_start3A_80 = tpu.memref_slice %arg2[%add3A_65, %dma_start3A_78, %dma_start3A_79] : memref<5120x2x128xi32, #tpu.memory_space<hbm>> -> memref<1x2x128xi32, #tpu.memory_space<hbm>>
          %dma_start3A_81 = tpu.memref_squeeze %dma_start3A_80 : memref<1x2x128xi32, #tpu.memory_space<hbm>> -> memref<2x128xi32, #tpu.memory_space<hbm>>
          tpu.enqueue_dma source(%dma_start3A_81 : memref<2x128xi32, #tpu.memory_space<hbm>>) target(%arg6 : memref<2x128xi32, #tpu.memory_space<vmem>>) target_semaphore(%run_scoped3A_73 : memref<!tpu.dma_semaphore, #tpu.memory_space<semaphore_mem>>)
          %dma_wait3A_82 = arith.constant 0 : i32
          %dma_wait3A_83 = arith.constant 0 : i32
          %dma_wait3A_84 = tpu.memref_slice %arg2[%add3A_65, %dma_wait3A_82, %dma_wait3A_83] : memref<5120x2x128xi32, #tpu.memory_space<hbm>> -> memref<1x2x128xi32, #tpu.memory_space<hbm>>
          %dma_wait3A_85 = tpu.memref_squeeze %dma_wait3A_84 : memref<1x2x128xi32, #tpu.memory_space<hbm>> -> memref<2x128xi32, #tpu.memory_space<hbm>>
          %dma_wait3A_86 = arith.constant 0 : i32
          %dma_wait3A_87 = arith.constant 0 : i32
          %dma_wait3A_88 = tpu.memref_slice %arg2[%add3A_65, %dma_wait3A_86, %dma_wait3A_87] : memref<5120x2x128xi32, #tpu.memory_space<hbm>> -> memref<1x2x128xi32, #tpu.memory_space<hbm>>
          %dma_wait3A_89 = tpu.memref_squeeze %dma_wait3A_88 : memref<1x2x128xi32, #tpu.memory_space<hbm>> -> memref<2x128xi32, #tpu.memory_space<hbm>>
          tpu.wait_dma2 semaphore(%run_scoped3A_73 : memref<!tpu.dma_semaphore, #tpu.memory_space<semaphore_mem>>) src(%dma_wait3A_89 : memref<2x128xi32, #tpu.memory_space<hbm>>) dst(%arg6 : memref<2x128xi32, #tpu.memory_space<vmem>>)
          tpu.yield
        }) : () -> ()
        %dma_start3A_66 = arith.constant 0 : i32
        %dma_start3A_67 = arith.constant 0 : i32
        %dma_start3A_68 = tpu.memref_slice %arg6[%dma_start3A_66, %dma_start3A_67] : memref<2x128xi32, #tpu.memory_space<vmem>> -> memref<1x128xi32, #tpu.memory_space<vmem>>
        %dma_start3A_69 = tpu.memref_squeeze %dma_start3A_68 : memref<1x128xi32, #tpu.memory_space<vmem>> -> memref<128xi32, #tpu.memory_space<vmem>>
        %dma_start3A_70 = arith.constant 0 : i32
        %dma_start3A_71 = arith.constant 0 : i32
        %dma_start3A_72 = tpu.memref_slice %arg3[%dma_start3A_70, %dma_start3A_71] : memref<20000x128xf32, #tpu.memory_space<hbm>> -> memref<20000x128xf32, #tpu.memory_space<hbm>>
        tpu.enqueue_indirect_dma source(%dma_start3A_72 : memref<20000x128xf32, #tpu.memory_space<hbm>>) target(%arg8 : memref<128x128xf32, #tpu.memory_space<vmem>>) offsets(%dma_start3A_69 : memref<128xi32, #tpu.memory_space<vmem>>) semaphore(%arg11 : memref<!tpu.dma_semaphore, #tpu.memory_space<semaphore_mem>>)
      } else {
      }
      %dma_wait3A_57 = arith.constant 0 : i32
      %dma_wait3A_58 = arith.constant 0 : i32
      %dma_wait3A_59 = tpu.memref_slice %arg3[%dma_wait3A_57, %dma_wait3A_58] : memref<20000x128xf32, #tpu.memory_space<hbm>> -> memref<128x128xf32, #tpu.memory_space<hbm>>
      %dma_wait3A_60 = arith.constant 0 : i32
      %dma_wait3A_61 = arith.constant 0 : i32
      %dma_wait3A_62 = tpu.memref_slice %arg3[%dma_wait3A_60, %dma_wait3A_61] : memref<20000x128xf32, #tpu.memory_space<hbm>> -> memref<128x128xf32, #tpu.memory_space<hbm>>
      tpu.wait_dma2 semaphore(%arg12 : memref<!tpu.dma_semaphore, #tpu.memory_space<semaphore_mem>>) src(%dma_wait3A_62 : memref<128x128xf32, #tpu.memory_space<hbm>>) dst(%arg9 : memref<128x128xf32, #tpu.memory_space<vmem>>)
      %run_scoped3A_63 = arith.constant 1 : i32
      "tpu.region"() ({
        %run_scoped3A_64 = tpu.sem_alloc : memref<!tpu.dma_semaphore, #tpu.memory_space<semaphore_mem>>
        %dma_start3A_65 = arith.constant 0 : i32
        %dma_start3A_66 = tpu.memref_slice %arg7[%run_scoped3A_63, %dma_start3A_65] : memref<2x128xi32, #tpu.memory_space<vmem>> -> memref<1x128xi32, #tpu.memory_space<vmem>>
        %dma_start3A_67 = tpu.memref_squeeze %dma_start3A_66 : memref<1x128xi32, #tpu.memory_space<vmem>> -> memref<128xi32, #tpu.memory_space<vmem>>
        %dma_start3A_68 = arith.constant 0 : i32
        %dma_start3A_69 = arith.constant 0 : i32
        %dma_start3A_70 = tpu.memref_slice %arg10[%dma_start3A_68, %dma_start3A_69] : memref<10016x128xf32, #tpu.memory_space<vmem_shared>> -> memref<10016x128xf32, #tpu.memory_space<vmem_shared>>
        tpu.enqueue_indirect_dma source(%arg9 : memref<128x128xf32, #tpu.memory_space<vmem>>) target(%dma_start3A_70 : memref<10016x128xf32, #tpu.memory_space<vmem_shared>>) offsets(%dma_start3A_67 : memref<128xi32, #tpu.memory_space<vmem>>) semaphore(%run_scoped3A_64 : memref<!tpu.dma_semaphore, #tpu.memory_space<semaphore_mem>>) {add = true}
        %dma_wait3A_71 = arith.constant 0 : i32
        %dma_wait3A_72 = tpu.memref_slice %arg7[%run_scoped3A_63, %dma_wait3A_71] : memref<2x128xi32, #tpu.memory_space<vmem>> -> memref<1x128xi32, #tpu.memory_space<vmem>>
        %dma_wait3A_73 = tpu.memref_squeeze %dma_wait3A_72 : memref<1x128xi32, #tpu.memory_space<vmem>> -> memref<128xi32, #tpu.memory_space<vmem>>
        %dma_wait3A_74 = arith.constant 0 : i32
        %dma_wait3A_75 = arith.constant 0 : i32
        %dma_wait3A_76 = tpu.memref_slice %arg10[%dma_wait3A_74, %dma_wait3A_75] : memref<10016x128xf32, #tpu.memory_space<vmem_shared>> -> memref<10016x128xf32, #tpu.memory_space<vmem_shared>>
        tpu.wait_indirect_dma semaphore(%run_scoped3A_64 : memref<!tpu.dma_semaphore, #tpu.memory_space<semaphore_mem>>) src(%arg9 : memref<128x128xf32, #tpu.memory_space<vmem>>) dst(%dma_wait3A_76 : memref<10016x128xf32, #tpu.memory_space<vmem_shared>>)
        tpu.yield
      }) : () -> ()
    }
    %scan3A_17 = arith.constant 80 : i32
    %barrier3A_18 = arith.constant 0 : index
    tpu.barrier barrier_id(%barrier3A_18)
    %mul3A_19 = arith.constant 624 : i32
    %mul3A_20 = arith.muli %arg1, %mul3A_19 : i32
    %multiple_of3A_21 = tpu.assume_multiple %mul3A_20, 8 : i32
    %mul3A_22 = arith.constant 10000 : i32
    %mul3A_23 = arith.muli %arg0, %mul3A_22 : i32
    %mul3A_24 = arith.constant 624 : i32
    %mul3A_25 = arith.muli %arg1, %mul3A_24 : i32
    %add3A_26 = arith.addi %mul3A_23, %mul3A_25 : i32
    %multiple_of3A_27 = tpu.assume_multiple %add3A_26, 8 : i32
    "tpu.region"() ({
      %run_scoped3A = tpu.sem_alloc : memref<!tpu.dma_semaphore, #tpu.memory_space<semaphore_mem>>
      %dma_start3A_33 = arith.constant 0 : i32
      %dma_start3A_34 = tpu.memref_slice %arg5[%multiple_of3A_27, %dma_start3A_33] : memref<20000x128xf32, #tpu.memory_space<hbm>> -> memref<624x128xf32, #tpu.memory_space<hbm>>
      %dma_start3A_35 = arith.constant 0 : i32
      %dma_start3A_36 = tpu.memref_slice %arg10[%multiple_of3A_21, %dma_start3A_35] : memref<10016x128xf32, #tpu.memory_space<vmem_shared>> -> memref<624x128xf32, #tpu.memory_space<vmem_shared>>
      tpu.enqueue_dma source(%dma_start3A_36 : memref<624x128xf32, #tpu.memory_space<vmem_shared>>) target(%dma_start3A_34 : memref<624x128xf32, #tpu.memory_space<hbm>>) target_semaphore(%run_scoped3A : memref<!tpu.dma_semaphore, #tpu.memory_space<semaphore_mem>>)
      %dma_wait3A = arith.constant 0 : i32
      %dma_wait3A_37 = tpu.memref_slice %arg5[%multiple_of3A_27, %dma_wait3A] : memref<20000x128xf32, #tpu.memory_space<hbm>> -> memref<624x128xf32, #tpu.memory_space<hbm>>
      %dma_wait3A_38 = arith.constant 0 : i32
      %dma_wait3A_39 = tpu.memref_slice %arg10[%multiple_of3A_21, %dma_wait3A_38] : memref<10016x128xf32, #tpu.memory_space<vmem_shared>> -> memref<624x128xf32, #tpu.memory_space<vmem_shared>>
      tpu.wait_dma2 semaphore(%run_scoped3A : memref<!tpu.dma_semaphore, #tpu.memory_space<semaphore_mem>>) src(%dma_wait3A_39 : memref<624x128xf32, #tpu.memory_space<vmem_shared>>) dst(%dma_wait3A_37 : memref<624x128xf32, #tpu.memory_space<hbm>>)
      tpu.yield
    }) : () -> ()
    %eq3A_28 = arith.constant 0 : i32
    %eq3A_29 = arith.cmpi eq, %arg1, %eq3A_28 : i32
    %convert_element_type3A_30 = arith.extui %eq3A_29 : i1 to i32
    %cond3A_31 = arith.constant 0 : i32
    %cond3A_32 = arith.cmpi ne, %convert_element_type3A_30, %cond3A_31 : i32
    scf.if %cond3A_32 {
      %mul3A_33 = arith.constant 10000 : i32
      %mul3A_34 = arith.muli %arg0, %mul3A_33 : i32
      %add3A_35 = arith.constant 9984 : i32
      %add3A_36 = arith.addi %mul3A_34, %add3A_35 : i32
      %multiple_of3A_37 = tpu.assume_multiple %add3A_36, 8 : i32
      "tpu.region"() ({
        %run_scoped3A = tpu.sem_alloc : memref<!tpu.dma_semaphore, #tpu.memory_space<semaphore_mem>>
        %dma_start3A_38 = arith.constant 0 : i32
        %dma_start3A_39 = tpu.memref_slice %arg5[%multiple_of3A_37, %dma_start3A_38] : memref<20000x128xf32, #tpu.memory_space<hbm>> -> memref<16x128xf32, #tpu.memory_space<hbm>>
        %dma_start3A_40 = arith.constant 9984 : i32
        %dma_start3A_41 = arith.constant 0 : i32
        %dma_start3A_42 = tpu.memref_slice %arg10[%dma_start3A_40, %dma_start3A_41] : memref<10016x128xf32, #tpu.memory_space<vmem_shared>> -> memref<16x128xf32, #tpu.memory_space<vmem_shared>>
        tpu.enqueue_dma source(%dma_start3A_42 : memref<16x128xf32, #tpu.memory_space<vmem_shared>>) target(%dma_start3A_39 : memref<16x128xf32, #tpu.memory_space<hbm>>) target_semaphore(%run_scoped3A : memref<!tpu.dma_semaphore, #tpu.memory_space<semaphore_mem>>)
        %dma_wait3A = arith.constant 0 : i32
        %dma_wait3A_43 = tpu.memref_slice %arg5[%multiple_of3A_37, %dma_wait3A] : memref<20000x128xf32, #tpu.memory_space<hbm>> -> memref<16x128xf32, #tpu.memory_space<hbm>>
        %dma_wait3A_44 = arith.constant 9984 : i32
        %dma_wait3A_45 = arith.constant 0 : i32
        %dma_wait3A_46 = tpu.memref_slice %arg10[%dma_wait3A_44, %dma_wait3A_45] : memref<10016x128xf32, #tpu.memory_space<vmem_shared>> -> memref<16x128xf32, #tpu.memory_space<vmem_shared>>
        tpu.wait_dma2 semaphore(%run_scoped3A : memref<!tpu.dma_semaphore, #tpu.memory_space<semaphore_mem>>) src(%dma_wait3A_46 : memref<16x128xf32, #tpu.memory_space<vmem_shared>>) dst(%dma_wait3A_43 : memref<16x128xf32, #tpu.memory_space<hbm>>)
        tpu.yield
      }) : () -> ()
    } else {
    }
    return
  }
}

#map = affine_map<(d0, d1) -> (0, 0, 0)>
#map1 = affine_map<(d0, d1) -> (0, 0)>
module attributes {stable_mosaic.version = 14 : i64} {
  func.func @body(%arg0: i32, %arg1: i32, %arg2: memref<2560x2x128xi32, #tpu.memory_space<hbm>>, %arg3: memref<10000x128xf32, #tpu.memory_space<hbm>>, %arg4: memref<625x128xf32, #tpu.memory_space<hbm>>, %arg5: memref<20000x128xf32, #tpu.memory_space<hbm>>, %arg6: memref<2x128xi32, #tpu.memory_space<vmem>>, %arg7: memref<2x128xi32, #tpu.memory_space<vmem>>, %arg8: memref<128x128xf32, #tpu.memory_space<vmem>>, %arg9: memref<128x128xf32, #tpu.memory_space<vmem>>, %arg10: memref<10016x128xf32, #tpu.memory_space<vmem_shared>>, %arg11: memref<!tpu.dma_semaphore, #tpu.memory_space<semaphore_mem>>, %arg12: memref<!tpu.dma_semaphore, #tpu.memory_space<semaphore_mem>>) attributes {dimension_semantics = [#tpu.dimension_semantics<core_parallel>, #tpu.dimension_semantics<subcore_parallel>], iteration_bounds = array<i64: 2, 16>, scalar_prefetch = 0 : i64, scratch_operands = 7 : i64, tpu.core_type = #tpu.core_type<sc_vector_subcore>, window_params = [{transform_indices = #map}, {transform_indices = #map1}, {transform_indices = #map1}, {transform_indices = #map1}]} {
    %mul3A = arith.constant 624 : i32
    %mul3A_0 = arith.muli %arg1, %mul3A : i32
    %multiple_of3A = tpu.assume_multiple %mul3A_0, 8 : i32
    "tpu.region"() ({
      %run_scoped3A = tpu.sem_alloc : memref<!tpu.dma_semaphore, #tpu.memory_space<semaphore_mem>>
      %dma_start3A_33 = arith.constant 0 : i32
      %dma_start3A_34 = tpu.memref_slice %arg10[%multiple_of3A, %dma_start3A_33] : memref<10016x128xf32, #tpu.memory_space<vmem_shared>> -> memref<624x128xf32, #tpu.memory_space<vmem_shared>>
      %dma_start3A_35 = arith.constant 0 : i32
      %dma_start3A_36 = arith.constant 0 : i32
      %dma_start3A_37 = tpu.memref_slice %arg4[%dma_start3A_35, %dma_start3A_36] : memref<625x128xf32, #tpu.memory_space<hbm>> -> memref<624x128xf32, #tpu.memory_space<hbm>>
      tpu.enqueue_dma source(%dma_start3A_37 : memref<624x128xf32, #tpu.memory_space<hbm>>) target(%dma_start3A_34 : memref<624x128xf32, #tpu.memory_space<vmem_shared>>) target_semaphore(%run_scoped3A : memref<!tpu.dma_semaphore, #tpu.memory_space<semaphore_mem>>)
      %dma_wait3A = arith.constant 0 : i32
      %dma_wait3A_38 = tpu.memref_slice %arg10[%multiple_of3A, %dma_wait3A] : memref<10016x128xf32, #tpu.memory_space<vmem_shared>> -> memref<624x128xf32, #tpu.memory_space<vmem_shared>>
      %dma_wait3A_39 = arith.constant 0 : i32
      %dma_wait3A_40 = arith.constant 0 : i32
      %dma_wait3A_41 = tpu.memref_slice %arg4[%dma_wait3A_39, %dma_wait3A_40] : memref<625x128xf32, #tpu.memory_space<hbm>> -> memref<624x128xf32, #tpu.memory_space<hbm>>
      tpu.wait_dma2 semaphore(%run_scoped3A : memref<!tpu.dma_semaphore, #tpu.memory_space<semaphore_mem>>) src(%dma_wait3A_41 : memref<624x128xf32, #tpu.memory_space<hbm>>) dst(%dma_wait3A_38 : memref<624x128xf32, #tpu.memory_space<vmem_shared>>)
      tpu.yield
    }) : () -> ()
    %eq3A = arith.constant 0 : i32
    %eq3A_1 = arith.cmpi eq, %arg1, %eq3A : i32
    %convert_element_type3A = arith.extui %eq3A_1 : i1 to i32
    %cond3A = arith.constant 0 : i32
    %cond3A_2 = arith.cmpi ne, %convert_element_type3A, %cond3A : i32
    scf.if %cond3A_2 {
      "tpu.region"() ({
        %run_scoped3A = tpu.sem_alloc : memref<!tpu.dma_semaphore, #tpu.memory_space<semaphore_mem>>
        %dma_start3A_33 = arith.constant 9984 : i32
        %dma_start3A_34 = arith.constant 0 : i32
        %dma_start3A_35 = tpu.memref_slice %arg10[%dma_start3A_33, %dma_start3A_34] : memref<10016x128xf32, #tpu.memory_space<vmem_shared>> -> memref<16x128xf32, #tpu.memory_space<vmem_shared>>
        %dma_start3A_36 = arith.constant 0 : i32
        %dma_start3A_37 = arith.constant 0 : i32
        %dma_start3A_38 = tpu.memref_slice %arg4[%dma_start3A_36, %dma_start3A_37] : memref<625x128xf32, #tpu.memory_space<hbm>> -> memref<16x128xf32, #tpu.memory_space<hbm>>
        tpu.enqueue_dma source(%dma_start3A_38 : memref<16x128xf32, #tpu.memory_space<hbm>>) target(%dma_start3A_35 : memref<16x128xf32, #tpu.memory_space<vmem_shared>>) target_semaphore(%run_scoped3A : memref<!tpu.dma_semaphore, #tpu.memory_space<semaphore_mem>>)
        %dma_wait3A = arith.constant 9984 : i32
        %dma_wait3A_39 = arith.constant 0 : i32
        %dma_wait3A_40 = tpu.memref_slice %arg10[%dma_wait3A, %dma_wait3A_39] : memref<10016x128xf32, #tpu.memory_space<vmem_shared>> -> memref<16x128xf32, #tpu.memory_space<vmem_shared>>
        %dma_wait3A_41 = arith.constant 0 : i32
        %dma_wait3A_42 = arith.constant 0 : i32
        %dma_wait3A_43 = tpu.memref_slice %arg4[%dma_wait3A_41, %dma_wait3A_42] : memref<625x128xf32, #tpu.memory_space<hbm>> -> memref<16x128xf32, #tpu.memory_space<hbm>>
        tpu.wait_dma2 semaphore(%run_scoped3A : memref<!tpu.dma_semaphore, #tpu.memory_space<semaphore_mem>>) src(%dma_wait3A_43 : memref<16x128xf32, #tpu.memory_space<hbm>>) dst(%dma_wait3A_40 : memref<16x128xf32, #tpu.memory_space<vmem_shared>>)
        tpu.yield
      }) : () -> ()
    } else {
    }
    %barrier3A = arith.constant 0 : index
    tpu.barrier barrier_id(%barrier3A)
    %mul3A_3 = arith.constant 2 : i32
    %mul3A_4 = arith.muli %arg1, %mul3A_3 : i32
    %add3A = arith.addi %mul3A_4, %arg0 : i32
    %mul3A_5 = arith.constant 80 : i32
    %mul3A_6 = arith.muli %add3A, %mul3A_5 : i32
    "tpu.region"() ({
      %run_scoped3A = tpu.sem_alloc : memref<!tpu.dma_semaphore, #tpu.memory_space<semaphore_mem>>
      %dma_start3A_33 = arith.constant 0 : i32
      %dma_start3A_34 = arith.constant 0 : i32
      %dma_start3A_35 = tpu.memref_slice %arg2[%mul3A_6, %dma_start3A_33, %dma_start3A_34] : memref<2560x2x128xi32, #tpu.memory_space<hbm>> -> memref<1x2x128xi32, #tpu.memory_space<hbm>>
      %dma_start3A_36 = tpu.memref_squeeze %dma_start3A_35 : memref<1x2x128xi32, #tpu.memory_space<hbm>> -> memref<2x128xi32, #tpu.memory_space<hbm>>
      %dma_start3A_37 = arith.constant 0 : i32
      %dma_start3A_38 = arith.constant 0 : i32
      %dma_start3A_39 = tpu.memref_slice %arg2[%mul3A_6, %dma_start3A_37, %dma_start3A_38] : memref<2560x2x128xi32, #tpu.memory_space<hbm>> -> memref<1x2x128xi32, #tpu.memory_space<hbm>>
      %dma_start3A_40 = tpu.memref_squeeze %dma_start3A_39 : memref<1x2x128xi32, #tpu.memory_space<hbm>> -> memref<2x128xi32, #tpu.memory_space<hbm>>
      tpu.enqueue_dma source(%dma_start3A_40 : memref<2x128xi32, #tpu.memory_space<hbm>>) target(%arg6 : memref<2x128xi32, #tpu.memory_space<vmem>>) target_semaphore(%run_scoped3A : memref<!tpu.dma_semaphore, #tpu.memory_space<semaphore_mem>>)
      %dma_wait3A = arith.constant 0 : i32
      %dma_wait3A_41 = arith.constant 0 : i32
      %dma_wait3A_42 = tpu.memref_slice %arg2[%mul3A_6, %dma_wait3A, %dma_wait3A_41] : memref<2560x2x128xi32, #tpu.memory_space<hbm>> -> memref<1x2x128xi32, #tpu.memory_space<hbm>>
      %dma_wait3A_43 = tpu.memref_squeeze %dma_wait3A_42 : memref<1x2x128xi32, #tpu.memory_space<hbm>> -> memref<2x128xi32, #tpu.memory_space<hbm>>
      %dma_wait3A_44 = arith.constant 0 : i32
      %dma_wait3A_45 = arith.constant 0 : i32
      %dma_wait3A_46 = tpu.memref_slice %arg2[%mul3A_6, %dma_wait3A_44, %dma_wait3A_45] : memref<2560x2x128xi32, #tpu.memory_space<hbm>> -> memref<1x2x128xi32, #tpu.memory_space<hbm>>
      %dma_wait3A_47 = tpu.memref_squeeze %dma_wait3A_46 : memref<1x2x128xi32, #tpu.memory_space<hbm>> -> memref<2x128xi32, #tpu.memory_space<hbm>>
      tpu.wait_dma2 semaphore(%run_scoped3A : memref<!tpu.dma_semaphore, #tpu.memory_space<semaphore_mem>>) src(%dma_wait3A_47 : memref<2x128xi32, #tpu.memory_space<hbm>>) dst(%arg6 : memref<2x128xi32, #tpu.memory_space<vmem>>)
      tpu.yield
    }) : () -> ()
    %dma_start3A = arith.constant 0 : i32
    %dma_start3A_7 = arith.constant 0 : i32
    %dma_start3A_8 = tpu.memref_slice %arg6[%dma_start3A, %dma_start3A_7] : memref<2x128xi32, #tpu.memory_space<vmem>> -> memref<1x128xi32, #tpu.memory_space<vmem>>
    %dma_start3A_9 = tpu.memref_squeeze %dma_start3A_8 : memref<1x128xi32, #tpu.memory_space<vmem>> -> memref<128xi32, #tpu.memory_space<vmem>>
    %dma_start3A_10 = arith.constant 0 : i32
    %dma_start3A_11 = arith.constant 0 : i32
    %dma_start3A_12 = tpu.memref_slice %arg3[%dma_start3A_10, %dma_start3A_11] : memref<10000x128xf32, #tpu.memory_space<hbm>> -> memref<10000x128xf32, #tpu.memory_space<hbm>>
    tpu.enqueue_indirect_dma source(%dma_start3A_12 : memref<10000x128xf32, #tpu.memory_space<hbm>>) target(%arg8 : memref<128x128xf32, #tpu.memory_space<vmem>>) offsets(%dma_start3A_9 : memref<128xi32, #tpu.memory_space<vmem>>) semaphore(%arg11 : memref<!tpu.dma_semaphore, #tpu.memory_space<semaphore_mem>>)
    %scan3A = arith.constant 0 : i32
    %scan3A_13 = arith.constant 0 : i32
    %scan3A_14 = arith.constant 40 : i32
    %scan3A_15 = arith.addi %scan3A_13, %scan3A_14 : i32
    %scan3A_16 = arith.constant 1 : i32
    scf.for %scan3A_33 = %scan3A_13 to %scan3A_15 step %scan3A_16  : i32 {
      %mul3A_34 = arith.constant 2 : i32
      %mul3A_35 = arith.muli %mul3A_34, %scan3A_33 : i32
      %add3A_36 = arith.addi %mul3A_6, %mul3A_35 : i32
      %add3A_37 = arith.constant 1 : i32
      %add3A_38 = arith.addi %add3A_36, %add3A_37 : i32
      "tpu.region"() ({
        %run_scoped3A_64 = tpu.sem_alloc : memref<!tpu.dma_semaphore, #tpu.memory_space<semaphore_mem>>
        %dma_start3A_65 = arith.constant 0 : i32
        %dma_start3A_66 = arith.constant 0 : i32
        %dma_start3A_67 = tpu.memref_slice %arg2[%add3A_38, %dma_start3A_65, %dma_start3A_66] : memref<2560x2x128xi32, #tpu.memory_space<hbm>> -> memref<1x2x128xi32, #tpu.memory_space<hbm>>
        %dma_start3A_68 = tpu.memref_squeeze %dma_start3A_67 : memref<1x2x128xi32, #tpu.memory_space<hbm>> -> memref<2x128xi32, #tpu.memory_space<hbm>>
        %dma_start3A_69 = arith.constant 0 : i32
        %dma_start3A_70 = arith.constant 0 : i32
        %dma_start3A_71 = tpu.memref_slice %arg2[%add3A_38, %dma_start3A_69, %dma_start3A_70] : memref<2560x2x128xi32, #tpu.memory_space<hbm>> -> memref<1x2x128xi32, #tpu.memory_space<hbm>>
        %dma_start3A_72 = tpu.memref_squeeze %dma_start3A_71 : memref<1x2x128xi32, #tpu.memory_space<hbm>> -> memref<2x128xi32, #tpu.memory_space<hbm>>
        tpu.enqueue_dma source(%dma_start3A_72 : memref<2x128xi32, #tpu.memory_space<hbm>>) target(%arg7 : memref<2x128xi32, #tpu.memory_space<vmem>>) target_semaphore(%run_scoped3A_64 : memref<!tpu.dma_semaphore, #tpu.memory_space<semaphore_mem>>)
        %dma_wait3A_73 = arith.constant 0 : i32
        %dma_wait3A_74 = arith.constant 0 : i32
        %dma_wait3A_75 = tpu.memref_slice %arg2[%add3A_38, %dma_wait3A_73, %dma_wait3A_74] : memref<2560x2x128xi32, #tpu.memory_space<hbm>> -> memref<1x2x128xi32, #tpu.memory_space<hbm>>
        %dma_wait3A_76 = tpu.memref_squeeze %dma_wait3A_75 : memref<1x2x128xi32, #tpu.memory_space<hbm>> -> memref<2x128xi32, #tpu.memory_space<hbm>>
        %dma_wait3A_77 = arith.constant 0 : i32
        %dma_wait3A_78 = arith.constant 0 : i32
        %dma_wait3A_79 = tpu.memref_slice %arg2[%add3A_38, %dma_wait3A_77, %dma_wait3A_78] : memref<2560x2x128xi32, #tpu.memory_space<hbm>> -> memref<1x2x128xi32, #tpu.memory_space<hbm>>
        %dma_wait3A_80 = tpu.memref_squeeze %dma_wait3A_79 : memref<1x2x128xi32, #tpu.memory_space<hbm>> -> memref<2x128xi32, #tpu.memory_space<hbm>>
        tpu.wait_dma2 semaphore(%run_scoped3A_64 : memref<!tpu.dma_semaphore, #tpu.memory_space<semaphore_mem>>) src(%dma_wait3A_80 : memref<2x128xi32, #tpu.memory_space<hbm>>) dst(%arg7 : memref<2x128xi32, #tpu.memory_space<vmem>>)
        tpu.yield
      }) : () -> ()
      %dma_start3A_39 = arith.constant 0 : i32
      %dma_start3A_40 = arith.constant 0 : i32
      %dma_start3A_41 = tpu.memref_slice %arg7[%dma_start3A_39, %dma_start3A_40] : memref<2x128xi32, #tpu.memory_space<vmem>> -> memref<1x128xi32, #tpu.memory_space<vmem>>
      %dma_start3A_42 = tpu.memref_squeeze %dma_start3A_41 : memref<1x128xi32, #tpu.memory_space<vmem>> -> memref<128xi32, #tpu.memory_space<vmem>>
      %dma_start3A_43 = arith.constant 0 : i32
      %dma_start3A_44 = arith.constant 0 : i32
      %dma_start3A_45 = tpu.memref_slice %arg3[%dma_start3A_43, %dma_start3A_44] : memref<10000x128xf32, #tpu.memory_space<hbm>> -> memref<10000x128xf32, #tpu.memory_space<hbm>>
      tpu.enqueue_indirect_dma source(%dma_start3A_45 : memref<10000x128xf32, #tpu.memory_space<hbm>>) target(%arg9 : memref<128x128xf32, #tpu.memory_space<vmem>>) offsets(%dma_start3A_42 : memref<128xi32, #tpu.memory_space<vmem>>) semaphore(%arg12 : memref<!tpu.dma_semaphore, #tpu.memory_space<semaphore_mem>>)
      %dma_wait3A = arith.constant 0 : i32
      %dma_wait3A_46 = arith.constant 0 : i32
      %dma_wait3A_47 = tpu.memref_slice %arg3[%dma_wait3A, %dma_wait3A_46] : memref<10000x128xf32, #tpu.memory_space<hbm>> -> memref<128x128xf32, #tpu.memory_space<hbm>>
      %dma_wait3A_48 = arith.constant 0 : i32
      %dma_wait3A_49 = arith.constant 0 : i32
      %dma_wait3A_50 = tpu.memref_slice %arg3[%dma_wait3A_48, %dma_wait3A_49] : memref<10000x128xf32, #tpu.memory_space<hbm>> -> memref<128x128xf32, #tpu.memory_space<hbm>>
      tpu.wait_dma2 semaphore(%arg11 : memref<!tpu.dma_semaphore, #tpu.memory_space<semaphore_mem>>) src(%dma_wait3A_50 : memref<128x128xf32, #tpu.memory_space<hbm>>) dst(%arg8 : memref<128x128xf32, #tpu.memory_space<vmem>>)
      %run_scoped3A = arith.constant 1 : i32
      "tpu.region"() ({
        %run_scoped3A_64 = tpu.sem_alloc : memref<!tpu.dma_semaphore, #tpu.memory_space<semaphore_mem>>
        %dma_start3A_65 = arith.constant 0 : i32
        %dma_start3A_66 = tpu.memref_slice %arg6[%run_scoped3A, %dma_start3A_65] : memref<2x128xi32, #tpu.memory_space<vmem>> -> memref<1x128xi32, #tpu.memory_space<vmem>>
        %dma_start3A_67 = tpu.memref_squeeze %dma_start3A_66 : memref<1x128xi32, #tpu.memory_space<vmem>> -> memref<128xi32, #tpu.memory_space<vmem>>
        %dma_start3A_68 = arith.constant 0 : i32
        %dma_start3A_69 = arith.constant 0 : i32
        %dma_start3A_70 = tpu.memref_slice %arg10[%dma_start3A_68, %dma_start3A_69] : memref<10016x128xf32, #tpu.memory_space<vmem_shared>> -> memref<10016x128xf32, #tpu.memory_space<vmem_shared>>
        tpu.enqueue_indirect_dma source(%arg8 : memref<128x128xf32, #tpu.memory_space<vmem>>) target(%dma_start3A_70 : memref<10016x128xf32, #tpu.memory_space<vmem_shared>>) offsets(%dma_start3A_67 : memref<128xi32, #tpu.memory_space<vmem>>) semaphore(%run_scoped3A_64 : memref<!tpu.dma_semaphore, #tpu.memory_space<semaphore_mem>>) {add = true}
        %dma_wait3A_71 = arith.constant 0 : i32
        %dma_wait3A_72 = tpu.memref_slice %arg6[%run_scoped3A, %dma_wait3A_71] : memref<2x128xi32, #tpu.memory_space<vmem>> -> memref<1x128xi32, #tpu.memory_space<vmem>>
        %dma_wait3A_73 = tpu.memref_squeeze %dma_wait3A_72 : memref<1x128xi32, #tpu.memory_space<vmem>> -> memref<128xi32, #tpu.memory_space<vmem>>
        %dma_wait3A_74 = arith.constant 0 : i32
        %dma_wait3A_75 = arith.constant 0 : i32
        %dma_wait3A_76 = tpu.memref_slice %arg10[%dma_wait3A_74, %dma_wait3A_75] : memref<10016x128xf32, #tpu.memory_space<vmem_shared>> -> memref<10016x128xf32, #tpu.memory_space<vmem_shared>>
        tpu.wait_indirect_dma semaphore(%run_scoped3A_64 : memref<!tpu.dma_semaphore, #tpu.memory_space<semaphore_mem>>) src(%arg8 : memref<128x128xf32, #tpu.memory_space<vmem>>) dst(%dma_wait3A_76 : memref<10016x128xf32, #tpu.memory_space<vmem_shared>>)
        tpu.yield
      }) : () -> ()
      %add3A_51 = arith.constant 1 : i32
      %add3A_52 = arith.addi %scan3A_33, %add3A_51 : i32
      %lt3A = arith.constant 40 : i32
      %lt3A_53 = arith.cmpi slt, %add3A_52, %lt3A : i32
      %convert_element_type3A_54 = arith.extui %lt3A_53 : i1 to i32
      %cond3A_55 = arith.constant 0 : i32
      %cond3A_56 = arith.cmpi ne, %convert_element_type3A_54, %cond3A_55 : i32
      scf.if %cond3A_56 {
        %add3A_64 = arith.constant 2 : i32
        %add3A_65 = arith.addi %add3A_36, %add3A_64 : i32
        "tpu.region"() ({
          %run_scoped3A_73 = tpu.sem_alloc : memref<!tpu.dma_semaphore, #tpu.memory_space<semaphore_mem>>
          %dma_start3A_74 = arith.constant 0 : i32
          %dma_start3A_75 = arith.constant 0 : i32
          %dma_start3A_76 = tpu.memref_slice %arg2[%add3A_65, %dma_start3A_74, %dma_start3A_75] : memref<2560x2x128xi32, #tpu.memory_space<hbm>> -> memref<1x2x128xi32, #tpu.memory_space<hbm>>
          %dma_start3A_77 = tpu.memref_squeeze %dma_start3A_76 : memref<1x2x128xi32, #tpu.memory_space<hbm>> -> memref<2x128xi32, #tpu.memory_space<hbm>>
          %dma_start3A_78 = arith.constant 0 : i32
          %dma_start3A_79 = arith.constant 0 : i32
          %dma_start3A_80 = tpu.memref_slice %arg2[%add3A_65, %dma_start3A_78, %dma_start3A_79] : memref<2560x2x128xi32, #tpu.memory_space<hbm>> -> memref<1x2x128xi32, #tpu.memory_space<hbm>>
          %dma_start3A_81 = tpu.memref_squeeze %dma_start3A_80 : memref<1x2x128xi32, #tpu.memory_space<hbm>> -> memref<2x128xi32, #tpu.memory_space<hbm>>
          tpu.enqueue_dma source(%dma_start3A_81 : memref<2x128xi32, #tpu.memory_space<hbm>>) target(%arg6 : memref<2x128xi32, #tpu.memory_space<vmem>>) target_semaphore(%run_scoped3A_73 : memref<!tpu.dma_semaphore, #tpu.memory_space<semaphore_mem>>)
          %dma_wait3A_82 = arith.constant 0 : i32
          %dma_wait3A_83 = arith.constant 0 : i32
          %dma_wait3A_84 = tpu.memref_slice %arg2[%add3A_65, %dma_wait3A_82, %dma_wait3A_83] : memref<2560x2x128xi32, #tpu.memory_space<hbm>> -> memref<1x2x128xi32, #tpu.memory_space<hbm>>
          %dma_wait3A_85 = tpu.memref_squeeze %dma_wait3A_84 : memref<1x2x128xi32, #tpu.memory_space<hbm>> -> memref<2x128xi32, #tpu.memory_space<hbm>>
          %dma_wait3A_86 = arith.constant 0 : i32
          %dma_wait3A_87 = arith.constant 0 : i32
          %dma_wait3A_88 = tpu.memref_slice %arg2[%add3A_65, %dma_wait3A_86, %dma_wait3A_87] : memref<2560x2x128xi32, #tpu.memory_space<hbm>> -> memref<1x2x128xi32, #tpu.memory_space<hbm>>
          %dma_wait3A_89 = tpu.memref_squeeze %dma_wait3A_88 : memref<1x2x128xi32, #tpu.memory_space<hbm>> -> memref<2x128xi32, #tpu.memory_space<hbm>>
          tpu.wait_dma2 semaphore(%run_scoped3A_73 : memref<!tpu.dma_semaphore, #tpu.memory_space<semaphore_mem>>) src(%dma_wait3A_89 : memref<2x128xi32, #tpu.memory_space<hbm>>) dst(%arg6 : memref<2x128xi32, #tpu.memory_space<vmem>>)
          tpu.yield
        }) : () -> ()
        %dma_start3A_66 = arith.constant 0 : i32
        %dma_start3A_67 = arith.constant 0 : i32
        %dma_start3A_68 = tpu.memref_slice %arg6[%dma_start3A_66, %dma_start3A_67] : memref<2x128xi32, #tpu.memory_space<vmem>> -> memref<1x128xi32, #tpu.memory_space<vmem>>
        %dma_start3A_69 = tpu.memref_squeeze %dma_start3A_68 : memref<1x128xi32, #tpu.memory_space<vmem>> -> memref<128xi32, #tpu.memory_space<vmem>>
        %dma_start3A_70 = arith.constant 0 : i32
        %dma_start3A_71 = arith.constant 0 : i32
        %dma_start3A_72 = tpu.memref_slice %arg3[%dma_start3A_70, %dma_start3A_71] : memref<10000x128xf32, #tpu.memory_space<hbm>> -> memref<10000x128xf32, #tpu.memory_space<hbm>>
        tpu.enqueue_indirect_dma source(%dma_start3A_72 : memref<10000x128xf32, #tpu.memory_space<hbm>>) target(%arg8 : memref<128x128xf32, #tpu.memory_space<vmem>>) offsets(%dma_start3A_69 : memref<128xi32, #tpu.memory_space<vmem>>) semaphore(%arg11 : memref<!tpu.dma_semaphore, #tpu.memory_space<semaphore_mem>>)
      } else {
      }
      %dma_wait3A_57 = arith.constant 0 : i32
      %dma_wait3A_58 = arith.constant 0 : i32
      %dma_wait3A_59 = tpu.memref_slice %arg3[%dma_wait3A_57, %dma_wait3A_58] : memref<10000x128xf32, #tpu.memory_space<hbm>> -> memref<128x128xf32, #tpu.memory_space<hbm>>
      %dma_wait3A_60 = arith.constant 0 : i32
      %dma_wait3A_61 = arith.constant 0 : i32
      %dma_wait3A_62 = tpu.memref_slice %arg3[%dma_wait3A_60, %dma_wait3A_61] : memref<10000x128xf32, #tpu.memory_space<hbm>> -> memref<128x128xf32, #tpu.memory_space<hbm>>
      tpu.wait_dma2 semaphore(%arg12 : memref<!tpu.dma_semaphore, #tpu.memory_space<semaphore_mem>>) src(%dma_wait3A_62 : memref<128x128xf32, #tpu.memory_space<hbm>>) dst(%arg9 : memref<128x128xf32, #tpu.memory_space<vmem>>)
      %run_scoped3A_63 = arith.constant 1 : i32
      "tpu.region"() ({
        %run_scoped3A_64 = tpu.sem_alloc : memref<!tpu.dma_semaphore, #tpu.memory_space<semaphore_mem>>
        %dma_start3A_65 = arith.constant 0 : i32
        %dma_start3A_66 = tpu.memref_slice %arg7[%run_scoped3A_63, %dma_start3A_65] : memref<2x128xi32, #tpu.memory_space<vmem>> -> memref<1x128xi32, #tpu.memory_space<vmem>>
        %dma_start3A_67 = tpu.memref_squeeze %dma_start3A_66 : memref<1x128xi32, #tpu.memory_space<vmem>> -> memref<128xi32, #tpu.memory_space<vmem>>
        %dma_start3A_68 = arith.constant 0 : i32
        %dma_start3A_69 = arith.constant 0 : i32
        %dma_start3A_70 = tpu.memref_slice %arg10[%dma_start3A_68, %dma_start3A_69] : memref<10016x128xf32, #tpu.memory_space<vmem_shared>> -> memref<10016x128xf32, #tpu.memory_space<vmem_shared>>
        tpu.enqueue_indirect_dma source(%arg9 : memref<128x128xf32, #tpu.memory_space<vmem>>) target(%dma_start3A_70 : memref<10016x128xf32, #tpu.memory_space<vmem_shared>>) offsets(%dma_start3A_67 : memref<128xi32, #tpu.memory_space<vmem>>) semaphore(%run_scoped3A_64 : memref<!tpu.dma_semaphore, #tpu.memory_space<semaphore_mem>>) {add = true}
        %dma_wait3A_71 = arith.constant 0 : i32
        %dma_wait3A_72 = tpu.memref_slice %arg7[%run_scoped3A_63, %dma_wait3A_71] : memref<2x128xi32, #tpu.memory_space<vmem>> -> memref<1x128xi32, #tpu.memory_space<vmem>>
        %dma_wait3A_73 = tpu.memref_squeeze %dma_wait3A_72 : memref<1x128xi32, #tpu.memory_space<vmem>> -> memref<128xi32, #tpu.memory_space<vmem>>
        %dma_wait3A_74 = arith.constant 0 : i32
        %dma_wait3A_75 = arith.constant 0 : i32
        %dma_wait3A_76 = tpu.memref_slice %arg10[%dma_wait3A_74, %dma_wait3A_75] : memref<10016x128xf32, #tpu.memory_space<vmem_shared>> -> memref<10016x128xf32, #tpu.memory_space<vmem_shared>>
        tpu.wait_indirect_dma semaphore(%run_scoped3A_64 : memref<!tpu.dma_semaphore, #tpu.memory_space<semaphore_mem>>) src(%arg9 : memref<128x128xf32, #tpu.memory_space<vmem>>) dst(%dma_wait3A_76 : memref<10016x128xf32, #tpu.memory_space<vmem_shared>>)
        tpu.yield
      }) : () -> ()
    }
    %scan3A_17 = arith.constant 40 : i32
    %barrier3A_18 = arith.constant 0 : index
    tpu.barrier barrier_id(%barrier3A_18)
    %mul3A_19 = arith.constant 624 : i32
    %mul3A_20 = arith.muli %arg1, %mul3A_19 : i32
    %multiple_of3A_21 = tpu.assume_multiple %mul3A_20, 8 : i32
    %mul3A_22 = arith.constant 10000 : i32
    %mul3A_23 = arith.muli %arg0, %mul3A_22 : i32
    %mul3A_24 = arith.constant 624 : i32
    %mul3A_25 = arith.muli %arg1, %mul3A_24 : i32
    %add3A_26 = arith.addi %mul3A_23, %mul3A_25 : i32
    %multiple_of3A_27 = tpu.assume_multiple %add3A_26, 8 : i32
    "tpu.region"() ({
      %run_scoped3A = tpu.sem_alloc : memref<!tpu.dma_semaphore, #tpu.memory_space<semaphore_mem>>
      %dma_start3A_33 = arith.constant 0 : i32
      %dma_start3A_34 = tpu.memref_slice %arg5[%multiple_of3A_27, %dma_start3A_33] : memref<20000x128xf32, #tpu.memory_space<hbm>> -> memref<624x128xf32, #tpu.memory_space<hbm>>
      %dma_start3A_35 = arith.constant 0 : i32
      %dma_start3A_36 = tpu.memref_slice %arg10[%multiple_of3A_21, %dma_start3A_35] : memref<10016x128xf32, #tpu.memory_space<vmem_shared>> -> memref<624x128xf32, #tpu.memory_space<vmem_shared>>
      tpu.enqueue_dma source(%dma_start3A_36 : memref<624x128xf32, #tpu.memory_space<vmem_shared>>) target(%dma_start3A_34 : memref<624x128xf32, #tpu.memory_space<hbm>>) target_semaphore(%run_scoped3A : memref<!tpu.dma_semaphore, #tpu.memory_space<semaphore_mem>>)
      %dma_wait3A = arith.constant 0 : i32
      %dma_wait3A_37 = tpu.memref_slice %arg5[%multiple_of3A_27, %dma_wait3A] : memref<20000x128xf32, #tpu.memory_space<hbm>> -> memref<624x128xf32, #tpu.memory_space<hbm>>
      %dma_wait3A_38 = arith.constant 0 : i32
      %dma_wait3A_39 = tpu.memref_slice %arg10[%multiple_of3A_21, %dma_wait3A_38] : memref<10016x128xf32, #tpu.memory_space<vmem_shared>> -> memref<624x128xf32, #tpu.memory_space<vmem_shared>>
      tpu.wait_dma2 semaphore(%run_scoped3A : memref<!tpu.dma_semaphore, #tpu.memory_space<semaphore_mem>>) src(%dma_wait3A_39 : memref<624x128xf32, #tpu.memory_space<vmem_shared>>) dst(%dma_wait3A_37 : memref<624x128xf32, #tpu.memory_space<hbm>>)
      tpu.yield
    }) : () -> ()
    %eq3A_28 = arith.constant 0 : i32
    %eq3A_29 = arith.cmpi eq, %arg1, %eq3A_28 : i32
    %convert_element_type3A_30 = arith.extui %eq3A_29 : i1 to i32
    %cond3A_31 = arith.constant 0 : i32
    %cond3A_32 = arith.cmpi ne, %convert_element_type3A_30, %cond3A_31 : i32
    scf.if %cond3A_32 {
      %mul3A_33 = arith.constant 10000 : i32
      %mul3A_34 = arith.muli %arg0, %mul3A_33 : i32
      %add3A_35 = arith.constant 9984 : i32
      %add3A_36 = arith.addi %mul3A_34, %add3A_35 : i32
      %multiple_of3A_37 = tpu.assume_multiple %add3A_36, 8 : i32
      "tpu.region"() ({
        %run_scoped3A = tpu.sem_alloc : memref<!tpu.dma_semaphore, #tpu.memory_space<semaphore_mem>>
        %dma_start3A_38 = arith.constant 0 : i32
        %dma_start3A_39 = tpu.memref_slice %arg5[%multiple_of3A_37, %dma_start3A_38] : memref<20000x128xf32, #tpu.memory_space<hbm>> -> memref<16x128xf32, #tpu.memory_space<hbm>>
        %dma_start3A_40 = arith.constant 9984 : i32
        %dma_start3A_41 = arith.constant 0 : i32
        %dma_start3A_42 = tpu.memref_slice %arg10[%dma_start3A_40, %dma_start3A_41] : memref<10016x128xf32, #tpu.memory_space<vmem_shared>> -> memref<16x128xf32, #tpu.memory_space<vmem_shared>>
        tpu.enqueue_dma source(%dma_start3A_42 : memref<16x128xf32, #tpu.memory_space<vmem_shared>>) target(%dma_start3A_39 : memref<16x128xf32, #tpu.memory_space<hbm>>) target_semaphore(%run_scoped3A : memref<!tpu.dma_semaphore, #tpu.memory_space<semaphore_mem>>)
        %dma_wait3A = arith.constant 0 : i32
        %dma_wait3A_43 = tpu.memref_slice %arg5[%multiple_of3A_37, %dma_wait3A] : memref<20000x128xf32, #tpu.memory_space<hbm>> -> memref<16x128xf32, #tpu.memory_space<hbm>>
        %dma_wait3A_44 = arith.constant 9984 : i32
        %dma_wait3A_45 = arith.constant 0 : i32
        %dma_wait3A_46 = tpu.memref_slice %arg10[%dma_wait3A_44, %dma_wait3A_45] : memref<10016x128xf32, #tpu.memory_space<vmem_shared>> -> memref<16x128xf32, #tpu.memory_space<vmem_shared>>
        tpu.wait_dma2 semaphore(%run_scoped3A : memref<!tpu.dma_semaphore, #tpu.memory_space<semaphore_mem>>) src(%dma_wait3A_46 : memref<16x128xf32, #tpu.memory_space<vmem_shared>>) dst(%dma_wait3A_43 : memref<16x128xf32, #tpu.memory_space<hbm>>)
        tpu.yield
      }) : () -> ()
    } else {
    }
    return
  }
}

#map = affine_map<(d0, d1) -> (0, 0, 0)>
#map1 = affine_map<(d0, d1) -> (0, 0)>
module attributes {stable_mosaic.version = 14 : i64} {
  func.func @body(%arg0: i32, %arg1: i32, %arg2: memref<5120x2x128xi32, #tpu.memory_space<hbm>>, %arg3: memref<20000x128xf32, #tpu.memory_space<hbm>>, %arg4: memref<625x128xf32, #tpu.memory_space<hbm>>, %arg5: memref<20000x128xf32, #tpu.memory_space<hbm>>, %arg6: memref<2x128xi32, #tpu.memory_space<vmem>>, %arg7: memref<2x128xi32, #tpu.memory_space<vmem>>, %arg8: memref<128x128xf32, #tpu.memory_space<vmem>>, %arg9: memref<128x128xf32, #tpu.memory_space<vmem>>, %arg10: memref<10016x128xf32, #tpu.memory_space<vmem_shared>>, %arg11: memref<!tpu.dma_semaphore, #tpu.memory_space<semaphore_mem>>, %arg12: memref<!tpu.dma_semaphore, #tpu.memory_space<semaphore_mem>>) attributes {dimension_semantics = [#tpu.dimension_semantics<core_parallel>, #tpu.dimension_semantics<subcore_parallel>], iteration_bounds = array<i64: 2, 16>, scalar_prefetch = 0 : i64, scratch_operands = 7 : i64, tpu.core_type = #tpu.core_type<sc_vector_subcore>, window_params = [{transform_indices = #map}, {transform_indices = #map1}, {transform_indices = #map1}, {transform_indices = #map1}]} {
    %mul3A = arith.constant 624 : i32
    %mul3A_0 = arith.muli %arg1, %mul3A : i32
    %multiple_of3A = tpu.assume_multiple %mul3A_0, 8 : i32
    "tpu.region"() ({
      %run_scoped3A = tpu.sem_alloc : memref<!tpu.dma_semaphore, #tpu.memory_space<semaphore_mem>>
      %dma_start3A_33 = arith.constant 0 : i32
      %dma_start3A_34 = tpu.memref_slice %arg10[%multiple_of3A, %dma_start3A_33] : memref<10016x128xf32, #tpu.memory_space<vmem_shared>> -> memref<624x128xf32, #tpu.memory_space<vmem_shared>>
      %dma_start3A_35 = arith.constant 0 : i32
      %dma_start3A_36 = arith.constant 0 : i32
      %dma_start3A_37 = tpu.memref_slice %arg4[%dma_start3A_35, %dma_start3A_36] : memref<625x128xf32, #tpu.memory_space<hbm>> -> memref<624x128xf32, #tpu.memory_space<hbm>>
      tpu.enqueue_dma source(%dma_start3A_37 : memref<624x128xf32, #tpu.memory_space<hbm>>) target(%dma_start3A_34 : memref<624x128xf32, #tpu.memory_space<vmem_shared>>) target_semaphore(%run_scoped3A : memref<!tpu.dma_semaphore, #tpu.memory_space<semaphore_mem>>)
      %dma_wait3A = arith.constant 0 : i32
      %dma_wait3A_38 = tpu.memref_slice %arg10[%multiple_of3A, %dma_wait3A] : memref<10016x128xf32, #tpu.memory_space<vmem_shared>> -> memref<624x128xf32, #tpu.memory_space<vmem_shared>>
      %dma_wait3A_39 = arith.constant 0 : i32
      %dma_wait3A_40 = arith.constant 0 : i32
      %dma_wait3A_41 = tpu.memref_slice %arg4[%dma_wait3A_39, %dma_wait3A_40] : memref<625x128xf32, #tpu.memory_space<hbm>> -> memref<624x128xf32, #tpu.memory_space<hbm>>
      tpu.wait_dma2 semaphore(%run_scoped3A : memref<!tpu.dma_semaphore, #tpu.memory_space<semaphore_mem>>) src(%dma_wait3A_41 : memref<624x128xf32, #tpu.memory_space<hbm>>) dst(%dma_wait3A_38 : memref<624x128xf32, #tpu.memory_space<vmem_shared>>)
      tpu.yield
    }) : () -> ()
    %eq3A = arith.constant 0 : i32
    %eq3A_1 = arith.cmpi eq, %arg1, %eq3A : i32
    %convert_element_type3A = arith.extui %eq3A_1 : i1 to i32
    %cond3A = arith.constant 0 : i32
    %cond3A_2 = arith.cmpi ne, %convert_element_type3A, %cond3A : i32
    scf.if %cond3A_2 {
      "tpu.region"() ({
        %run_scoped3A = tpu.sem_alloc : memref<!tpu.dma_semaphore, #tpu.memory_space<semaphore_mem>>
        %dma_start3A_33 = arith.constant 9984 : i32
        %dma_start3A_34 = arith.constant 0 : i32
        %dma_start3A_35 = tpu.memref_slice %arg10[%dma_start3A_33, %dma_start3A_34] : memref<10016x128xf32, #tpu.memory_space<vmem_shared>> -> memref<16x128xf32, #tpu.memory_space<vmem_shared>>
        %dma_start3A_36 = arith.constant 0 : i32
        %dma_start3A_37 = arith.constant 0 : i32
        %dma_start3A_38 = tpu.memref_slice %arg4[%dma_start3A_36, %dma_start3A_37] : memref<625x128xf32, #tpu.memory_space<hbm>> -> memref<16x128xf32, #tpu.memory_space<hbm>>
        tpu.enqueue_dma source(%dma_start3A_38 : memref<16x128xf32, #tpu.memory_space<hbm>>) target(%dma_start3A_35 : memref<16x128xf32, #tpu.memory_space<vmem_shared>>) target_semaphore(%run_scoped3A : memref<!tpu.dma_semaphore, #tpu.memory_space<semaphore_mem>>)
        %dma_wait3A = arith.constant 9984 : i32
        %dma_wait3A_39 = arith.constant 0 : i32
        %dma_wait3A_40 = tpu.memref_slice %arg10[%dma_wait3A, %dma_wait3A_39] : memref<10016x128xf32, #tpu.memory_space<vmem_shared>> -> memref<16x128xf32, #tpu.memory_space<vmem_shared>>
        %dma_wait3A_41 = arith.constant 0 : i32
        %dma_wait3A_42 = arith.constant 0 : i32
        %dma_wait3A_43 = tpu.memref_slice %arg4[%dma_wait3A_41, %dma_wait3A_42] : memref<625x128xf32, #tpu.memory_space<hbm>> -> memref<16x128xf32, #tpu.memory_space<hbm>>
        tpu.wait_dma2 semaphore(%run_scoped3A : memref<!tpu.dma_semaphore, #tpu.memory_space<semaphore_mem>>) src(%dma_wait3A_43 : memref<16x128xf32, #tpu.memory_space<hbm>>) dst(%dma_wait3A_40 : memref<16x128xf32, #tpu.memory_space<vmem_shared>>)
        tpu.yield
      }) : () -> ()
    } else {
    }
    %barrier3A = arith.constant 0 : index
    tpu.barrier barrier_id(%barrier3A)
    %mul3A_3 = arith.constant 2560 : i32
    %mul3A_4 = arith.muli %arg0, %mul3A_3 : i32
    %mul3A_5 = arith.constant 160 : i32
    %mul3A_6 = arith.muli %arg1, %mul3A_5 : i32
    %add3A = arith.addi %mul3A_4, %mul3A_6 : i32
    "tpu.region"() ({
      %run_scoped3A = tpu.sem_alloc : memref<!tpu.dma_semaphore, #tpu.memory_space<semaphore_mem>>
      %dma_start3A_33 = arith.constant 0 : i32
      %dma_start3A_34 = arith.constant 0 : i32
      %dma_start3A_35 = tpu.memref_slice %arg2[%add3A, %dma_start3A_33, %dma_start3A_34] : memref<5120x2x128xi32, #tpu.memory_space<hbm>> -> memref<1x2x128xi32, #tpu.memory_space<hbm>>
      %dma_start3A_36 = tpu.memref_squeeze %dma_start3A_35 : memref<1x2x128xi32, #tpu.memory_space<hbm>> -> memref<2x128xi32, #tpu.memory_space<hbm>>
      %dma_start3A_37 = arith.constant 0 : i32
      %dma_start3A_38 = arith.constant 0 : i32
      %dma_start3A_39 = tpu.memref_slice %arg2[%add3A, %dma_start3A_37, %dma_start3A_38] : memref<5120x2x128xi32, #tpu.memory_space<hbm>> -> memref<1x2x128xi32, #tpu.memory_space<hbm>>
      %dma_start3A_40 = tpu.memref_squeeze %dma_start3A_39 : memref<1x2x128xi32, #tpu.memory_space<hbm>> -> memref<2x128xi32, #tpu.memory_space<hbm>>
      tpu.enqueue_dma source(%dma_start3A_40 : memref<2x128xi32, #tpu.memory_space<hbm>>) target(%arg6 : memref<2x128xi32, #tpu.memory_space<vmem>>) target_semaphore(%run_scoped3A : memref<!tpu.dma_semaphore, #tpu.memory_space<semaphore_mem>>)
      %dma_wait3A = arith.constant 0 : i32
      %dma_wait3A_41 = arith.constant 0 : i32
      %dma_wait3A_42 = tpu.memref_slice %arg2[%add3A, %dma_wait3A, %dma_wait3A_41] : memref<5120x2x128xi32, #tpu.memory_space<hbm>> -> memref<1x2x128xi32, #tpu.memory_space<hbm>>
      %dma_wait3A_43 = tpu.memref_squeeze %dma_wait3A_42 : memref<1x2x128xi32, #tpu.memory_space<hbm>> -> memref<2x128xi32, #tpu.memory_space<hbm>>
      %dma_wait3A_44 = arith.constant 0 : i32
      %dma_wait3A_45 = arith.constant 0 : i32
      %dma_wait3A_46 = tpu.memref_slice %arg2[%add3A, %dma_wait3A_44, %dma_wait3A_45] : memref<5120x2x128xi32, #tpu.memory_space<hbm>> -> memref<1x2x128xi32, #tpu.memory_space<hbm>>
      %dma_wait3A_47 = tpu.memref_squeeze %dma_wait3A_46 : memref<1x2x128xi32, #tpu.memory_space<hbm>> -> memref<2x128xi32, #tpu.memory_space<hbm>>
      tpu.wait_dma2 semaphore(%run_scoped3A : memref<!tpu.dma_semaphore, #tpu.memory_space<semaphore_mem>>) src(%dma_wait3A_47 : memref<2x128xi32, #tpu.memory_space<hbm>>) dst(%arg6 : memref<2x128xi32, #tpu.memory_space<vmem>>)
      tpu.yield
    }) : () -> ()
    %dma_start3A = arith.constant 0 : i32
    %dma_start3A_7 = arith.constant 0 : i32
    %dma_start3A_8 = tpu.memref_slice %arg6[%dma_start3A, %dma_start3A_7] : memref<2x128xi32, #tpu.memory_space<vmem>> -> memref<1x128xi32, #tpu.memory_space<vmem>>
    %dma_start3A_9 = tpu.memref_squeeze %dma_start3A_8 : memref<1x128xi32, #tpu.memory_space<vmem>> -> memref<128xi32, #tpu.memory_space<vmem>>
    %dma_start3A_10 = arith.constant 0 : i32
    %dma_start3A_11 = arith.constant 0 : i32
    %dma_start3A_12 = tpu.memref_slice %arg3[%dma_start3A_10, %dma_start3A_11] : memref<20000x128xf32, #tpu.memory_space<hbm>> -> memref<20000x128xf32, #tpu.memory_space<hbm>>
    tpu.enqueue_indirect_dma source(%dma_start3A_12 : memref<20000x128xf32, #tpu.memory_space<hbm>>) target(%arg8 : memref<128x128xf32, #tpu.memory_space<vmem>>) offsets(%dma_start3A_9 : memref<128xi32, #tpu.memory_space<vmem>>) semaphore(%arg11 : memref<!tpu.dma_semaphore, #tpu.memory_space<semaphore_mem>>)
    %scan3A = arith.constant 0 : i32
    %scan3A_13 = arith.constant 0 : i32
    %scan3A_14 = arith.constant 80 : i32
    %scan3A_15 = arith.addi %scan3A_13, %scan3A_14 : i32
    %scan3A_16 = arith.constant 1 : i32
    scf.for %scan3A_33 = %scan3A_13 to %scan3A_15 step %scan3A_16  : i32 {
      %mul3A_34 = arith.constant 2 : i32
      %mul3A_35 = arith.muli %mul3A_34, %scan3A_33 : i32
      %add3A_36 = arith.addi %add3A, %mul3A_35 : i32
      %add3A_37 = arith.constant 1 : i32
      %add3A_38 = arith.addi %add3A_36, %add3A_37 : i32
      "tpu.region"() ({
        %run_scoped3A_64 = tpu.sem_alloc : memref<!tpu.dma_semaphore, #tpu.memory_space<semaphore_mem>>
        %dma_start3A_65 = arith.constant 0 : i32
        %dma_start3A_66 = arith.constant 0 : i32
        %dma_start3A_67 = tpu.memref_slice %arg2[%add3A_38, %dma_start3A_65, %dma_start3A_66] : memref<5120x2x128xi32, #tpu.memory_space<hbm>> -> memref<1x2x128xi32, #tpu.memory_space<hbm>>
        %dma_start3A_68 = tpu.memref_squeeze %dma_start3A_67 : memref<1x2x128xi32, #tpu.memory_space<hbm>> -> memref<2x128xi32, #tpu.memory_space<hbm>>
        %dma_start3A_69 = arith.constant 0 : i32
        %dma_start3A_70 = arith.constant 0 : i32
        %dma_start3A_71 = tpu.memref_slice %arg2[%add3A_38, %dma_start3A_69, %dma_start3A_70] : memref<5120x2x128xi32, #tpu.memory_space<hbm>> -> memref<1x2x128xi32, #tpu.memory_space<hbm>>
        %dma_start3A_72 = tpu.memref_squeeze %dma_start3A_71 : memref<1x2x128xi32, #tpu.memory_space<hbm>> -> memref<2x128xi32, #tpu.memory_space<hbm>>
        tpu.enqueue_dma source(%dma_start3A_72 : memref<2x128xi32, #tpu.memory_space<hbm>>) target(%arg7 : memref<2x128xi32, #tpu.memory_space<vmem>>) target_semaphore(%run_scoped3A_64 : memref<!tpu.dma_semaphore, #tpu.memory_space<semaphore_mem>>)
        %dma_wait3A_73 = arith.constant 0 : i32
        %dma_wait3A_74 = arith.constant 0 : i32
        %dma_wait3A_75 = tpu.memref_slice %arg2[%add3A_38, %dma_wait3A_73, %dma_wait3A_74] : memref<5120x2x128xi32, #tpu.memory_space<hbm>> -> memref<1x2x128xi32, #tpu.memory_space<hbm>>
        %dma_wait3A_76 = tpu.memref_squeeze %dma_wait3A_75 : memref<1x2x128xi32, #tpu.memory_space<hbm>> -> memref<2x128xi32, #tpu.memory_space<hbm>>
        %dma_wait3A_77 = arith.constant 0 : i32
        %dma_wait3A_78 = arith.constant 0 : i32
        %dma_wait3A_79 = tpu.memref_slice %arg2[%add3A_38, %dma_wait3A_77, %dma_wait3A_78] : memref<5120x2x128xi32, #tpu.memory_space<hbm>> -> memref<1x2x128xi32, #tpu.memory_space<hbm>>
        %dma_wait3A_80 = tpu.memref_squeeze %dma_wait3A_79 : memref<1x2x128xi32, #tpu.memory_space<hbm>> -> memref<2x128xi32, #tpu.memory_space<hbm>>
        tpu.wait_dma2 semaphore(%run_scoped3A_64 : memref<!tpu.dma_semaphore, #tpu.memory_space<semaphore_mem>>) src(%dma_wait3A_80 : memref<2x128xi32, #tpu.memory_space<hbm>>) dst(%arg7 : memref<2x128xi32, #tpu.memory_space<vmem>>)
        tpu.yield
      }) : () -> ()
      %dma_start3A_39 = arith.constant 0 : i32
      %dma_start3A_40 = arith.constant 0 : i32
      %dma_start3A_41 = tpu.memref_slice %arg7[%dma_start3A_39, %dma_start3A_40] : memref<2x128xi32, #tpu.memory_space<vmem>> -> memref<1x128xi32, #tpu.memory_space<vmem>>
      %dma_start3A_42 = tpu.memref_squeeze %dma_start3A_41 : memref<1x128xi32, #tpu.memory_space<vmem>> -> memref<128xi32, #tpu.memory_space<vmem>>
      %dma_start3A_43 = arith.constant 0 : i32
      %dma_start3A_44 = arith.constant 0 : i32
      %dma_start3A_45 = tpu.memref_slice %arg3[%dma_start3A_43, %dma_start3A_44] : memref<20000x128xf32, #tpu.memory_space<hbm>> -> memref<20000x128xf32, #tpu.memory_space<hbm>>
      tpu.enqueue_indirect_dma source(%dma_start3A_45 : memref<20000x128xf32, #tpu.memory_space<hbm>>) target(%arg9 : memref<128x128xf32, #tpu.memory_space<vmem>>) offsets(%dma_start3A_42 : memref<128xi32, #tpu.memory_space<vmem>>) semaphore(%arg12 : memref<!tpu.dma_semaphore, #tpu.memory_space<semaphore_mem>>)
      %dma_wait3A = arith.constant 0 : i32
      %dma_wait3A_46 = arith.constant 0 : i32
      %dma_wait3A_47 = tpu.memref_slice %arg3[%dma_wait3A, %dma_wait3A_46] : memref<20000x128xf32, #tpu.memory_space<hbm>> -> memref<128x128xf32, #tpu.memory_space<hbm>>
      %dma_wait3A_48 = arith.constant 0 : i32
      %dma_wait3A_49 = arith.constant 0 : i32
      %dma_wait3A_50 = tpu.memref_slice %arg3[%dma_wait3A_48, %dma_wait3A_49] : memref<20000x128xf32, #tpu.memory_space<hbm>> -> memref<128x128xf32, #tpu.memory_space<hbm>>
      tpu.wait_dma2 semaphore(%arg11 : memref<!tpu.dma_semaphore, #tpu.memory_space<semaphore_mem>>) src(%dma_wait3A_50 : memref<128x128xf32, #tpu.memory_space<hbm>>) dst(%arg8 : memref<128x128xf32, #tpu.memory_space<vmem>>)
      %run_scoped3A = arith.constant 1 : i32
      "tpu.region"() ({
        %run_scoped3A_64 = tpu.sem_alloc : memref<!tpu.dma_semaphore, #tpu.memory_space<semaphore_mem>>
        %dma_start3A_65 = arith.constant 0 : i32
        %dma_start3A_66 = tpu.memref_slice %arg6[%run_scoped3A, %dma_start3A_65] : memref<2x128xi32, #tpu.memory_space<vmem>> -> memref<1x128xi32, #tpu.memory_space<vmem>>
        %dma_start3A_67 = tpu.memref_squeeze %dma_start3A_66 : memref<1x128xi32, #tpu.memory_space<vmem>> -> memref<128xi32, #tpu.memory_space<vmem>>
        %dma_start3A_68 = arith.constant 0 : i32
        %dma_start3A_69 = arith.constant 0 : i32
        %dma_start3A_70 = tpu.memref_slice %arg10[%dma_start3A_68, %dma_start3A_69] : memref<10016x128xf32, #tpu.memory_space<vmem_shared>> -> memref<10016x128xf32, #tpu.memory_space<vmem_shared>>
        tpu.enqueue_indirect_dma source(%arg8 : memref<128x128xf32, #tpu.memory_space<vmem>>) target(%dma_start3A_70 : memref<10016x128xf32, #tpu.memory_space<vmem_shared>>) offsets(%dma_start3A_67 : memref<128xi32, #tpu.memory_space<vmem>>) semaphore(%run_scoped3A_64 : memref<!tpu.dma_semaphore, #tpu.memory_space<semaphore_mem>>) {add = true}
        %dma_wait3A_71 = arith.constant 0 : i32
        %dma_wait3A_72 = tpu.memref_slice %arg6[%run_scoped3A, %dma_wait3A_71] : memref<2x128xi32, #tpu.memory_space<vmem>> -> memref<1x128xi32, #tpu.memory_space<vmem>>
        %dma_wait3A_73 = tpu.memref_squeeze %dma_wait3A_72 : memref<1x128xi32, #tpu.memory_space<vmem>> -> memref<128xi32, #tpu.memory_space<vmem>>
        %dma_wait3A_74 = arith.constant 0 : i32
        %dma_wait3A_75 = arith.constant 0 : i32
        %dma_wait3A_76 = tpu.memref_slice %arg10[%dma_wait3A_74, %dma_wait3A_75] : memref<10016x128xf32, #tpu.memory_space<vmem_shared>> -> memref<10016x128xf32, #tpu.memory_space<vmem_shared>>
        tpu.wait_indirect_dma semaphore(%run_scoped3A_64 : memref<!tpu.dma_semaphore, #tpu.memory_space<semaphore_mem>>) src(%arg8 : memref<128x128xf32, #tpu.memory_space<vmem>>) dst(%dma_wait3A_76 : memref<10016x128xf32, #tpu.memory_space<vmem_shared>>)
        tpu.yield
      }) : () -> ()
      %add3A_51 = arith.constant 1 : i32
      %add3A_52 = arith.addi %scan3A_33, %add3A_51 : i32
      %lt3A = arith.constant 80 : i32
      %lt3A_53 = arith.cmpi slt, %add3A_52, %lt3A : i32
      %convert_element_type3A_54 = arith.extui %lt3A_53 : i1 to i32
      %cond3A_55 = arith.constant 0 : i32
      %cond3A_56 = arith.cmpi ne, %convert_element_type3A_54, %cond3A_55 : i32
      scf.if %cond3A_56 {
        %add3A_64 = arith.constant 2 : i32
        %add3A_65 = arith.addi %add3A_36, %add3A_64 : i32
        "tpu.region"() ({
          %run_scoped3A_73 = tpu.sem_alloc : memref<!tpu.dma_semaphore, #tpu.memory_space<semaphore_mem>>
          %dma_start3A_74 = arith.constant 0 : i32
          %dma_start3A_75 = arith.constant 0 : i32
          %dma_start3A_76 = tpu.memref_slice %arg2[%add3A_65, %dma_start3A_74, %dma_start3A_75] : memref<5120x2x128xi32, #tpu.memory_space<hbm>> -> memref<1x2x128xi32, #tpu.memory_space<hbm>>
          %dma_start3A_77 = tpu.memref_squeeze %dma_start3A_76 : memref<1x2x128xi32, #tpu.memory_space<hbm>> -> memref<2x128xi32, #tpu.memory_space<hbm>>
          %dma_start3A_78 = arith.constant 0 : i32
          %dma_start3A_79 = arith.constant 0 : i32
          %dma_start3A_80 = tpu.memref_slice %arg2[%add3A_65, %dma_start3A_78, %dma_start3A_79] : memref<5120x2x128xi32, #tpu.memory_space<hbm>> -> memref<1x2x128xi32, #tpu.memory_space<hbm>>
          %dma_start3A_81 = tpu.memref_squeeze %dma_start3A_80 : memref<1x2x128xi32, #tpu.memory_space<hbm>> -> memref<2x128xi32, #tpu.memory_space<hbm>>
          tpu.enqueue_dma source(%dma_start3A_81 : memref<2x128xi32, #tpu.memory_space<hbm>>) target(%arg6 : memref<2x128xi32, #tpu.memory_space<vmem>>) target_semaphore(%run_scoped3A_73 : memref<!tpu.dma_semaphore, #tpu.memory_space<semaphore_mem>>)
          %dma_wait3A_82 = arith.constant 0 : i32
          %dma_wait3A_83 = arith.constant 0 : i32
          %dma_wait3A_84 = tpu.memref_slice %arg2[%add3A_65, %dma_wait3A_82, %dma_wait3A_83] : memref<5120x2x128xi32, #tpu.memory_space<hbm>> -> memref<1x2x128xi32, #tpu.memory_space<hbm>>
          %dma_wait3A_85 = tpu.memref_squeeze %dma_wait3A_84 : memref<1x2x128xi32, #tpu.memory_space<hbm>> -> memref<2x128xi32, #tpu.memory_space<hbm>>
          %dma_wait3A_86 = arith.constant 0 : i32
          %dma_wait3A_87 = arith.constant 0 : i32
          %dma_wait3A_88 = tpu.memref_slice %arg2[%add3A_65, %dma_wait3A_86, %dma_wait3A_87] : memref<5120x2x128xi32, #tpu.memory_space<hbm>> -> memref<1x2x128xi32, #tpu.memory_space<hbm>>
          %dma_wait3A_89 = tpu.memref_squeeze %dma_wait3A_88 : memref<1x2x128xi32, #tpu.memory_space<hbm>> -> memref<2x128xi32, #tpu.memory_space<hbm>>
          tpu.wait_dma2 semaphore(%run_scoped3A_73 : memref<!tpu.dma_semaphore, #tpu.memory_space<semaphore_mem>>) src(%dma_wait3A_89 : memref<2x128xi32, #tpu.memory_space<hbm>>) dst(%arg6 : memref<2x128xi32, #tpu.memory_space<vmem>>)
          tpu.yield
        }) : () -> ()
        %dma_start3A_66 = arith.constant 0 : i32
        %dma_start3A_67 = arith.constant 0 : i32
        %dma_start3A_68 = tpu.memref_slice %arg6[%dma_start3A_66, %dma_start3A_67] : memref<2x128xi32, #tpu.memory_space<vmem>> -> memref<1x128xi32, #tpu.memory_space<vmem>>
        %dma_start3A_69 = tpu.memref_squeeze %dma_start3A_68 : memref<1x128xi32, #tpu.memory_space<vmem>> -> memref<128xi32, #tpu.memory_space<vmem>>
        %dma_start3A_70 = arith.constant 0 : i32
        %dma_start3A_71 = arith.constant 0 : i32
        %dma_start3A_72 = tpu.memref_slice %arg3[%dma_start3A_70, %dma_start3A_71] : memref<20000x128xf32, #tpu.memory_space<hbm>> -> memref<20000x128xf32, #tpu.memory_space<hbm>>
        tpu.enqueue_indirect_dma source(%dma_start3A_72 : memref<20000x128xf32, #tpu.memory_space<hbm>>) target(%arg8 : memref<128x128xf32, #tpu.memory_space<vmem>>) offsets(%dma_start3A_69 : memref<128xi32, #tpu.memory_space<vmem>>) semaphore(%arg11 : memref<!tpu.dma_semaphore, #tpu.memory_space<semaphore_mem>>)
      } else {
      }
      %dma_wait3A_57 = arith.constant 0 : i32
      %dma_wait3A_58 = arith.constant 0 : i32
      %dma_wait3A_59 = tpu.memref_slice %arg3[%dma_wait3A_57, %dma_wait3A_58] : memref<20000x128xf32, #tpu.memory_space<hbm>> -> memref<128x128xf32, #tpu.memory_space<hbm>>
      %dma_wait3A_60 = arith.constant 0 : i32
      %dma_wait3A_61 = arith.constant 0 : i32
      %dma_wait3A_62 = tpu.memref_slice %arg3[%dma_wait3A_60, %dma_wait3A_61] : memref<20000x128xf32, #tpu.memory_space<hbm>> -> memref<128x128xf32, #tpu.memory_space<hbm>>
      tpu.wait_dma2 semaphore(%arg12 : memref<!tpu.dma_semaphore, #tpu.memory_space<semaphore_mem>>) src(%dma_wait3A_62 : memref<128x128xf32, #tpu.memory_space<hbm>>) dst(%arg9 : memref<128x128xf32, #tpu.memory_space<vmem>>)
      %run_scoped3A_63 = arith.constant 1 : i32
      "tpu.region"() ({
        %run_scoped3A_64 = tpu.sem_alloc : memref<!tpu.dma_semaphore, #tpu.memory_space<semaphore_mem>>
        %dma_start3A_65 = arith.constant 0 : i32
        %dma_start3A_66 = tpu.memref_slice %arg7[%run_scoped3A_63, %dma_start3A_65] : memref<2x128xi32, #tpu.memory_space<vmem>> -> memref<1x128xi32, #tpu.memory_space<vmem>>
        %dma_start3A_67 = tpu.memref_squeeze %dma_start3A_66 : memref<1x128xi32, #tpu.memory_space<vmem>> -> memref<128xi32, #tpu.memory_space<vmem>>
        %dma_start3A_68 = arith.constant 0 : i32
        %dma_start3A_69 = arith.constant 0 : i32
        %dma_start3A_70 = tpu.memref_slice %arg10[%dma_start3A_68, %dma_start3A_69] : memref<10016x128xf32, #tpu.memory_space<vmem_shared>> -> memref<10016x128xf32, #tpu.memory_space<vmem_shared>>
        tpu.enqueue_indirect_dma source(%arg9 : memref<128x128xf32, #tpu.memory_space<vmem>>) target(%dma_start3A_70 : memref<10016x128xf32, #tpu.memory_space<vmem_shared>>) offsets(%dma_start3A_67 : memref<128xi32, #tpu.memory_space<vmem>>) semaphore(%run_scoped3A_64 : memref<!tpu.dma_semaphore, #tpu.memory_space<semaphore_mem>>) {add = true}
        %dma_wait3A_71 = arith.constant 0 : i32
        %dma_wait3A_72 = tpu.memref_slice %arg7[%run_scoped3A_63, %dma_wait3A_71] : memref<2x128xi32, #tpu.memory_space<vmem>> -> memref<1x128xi32, #tpu.memory_space<vmem>>
        %dma_wait3A_73 = tpu.memref_squeeze %dma_wait3A_72 : memref<1x128xi32, #tpu.memory_space<vmem>> -> memref<128xi32, #tpu.memory_space<vmem>>
        %dma_wait3A_74 = arith.constant 0 : i32
        %dma_wait3A_75 = arith.constant 0 : i32
        %dma_wait3A_76 = tpu.memref_slice %arg10[%dma_wait3A_74, %dma_wait3A_75] : memref<10016x128xf32, #tpu.memory_space<vmem_shared>> -> memref<10016x128xf32, #tpu.memory_space<vmem_shared>>
        tpu.wait_indirect_dma semaphore(%run_scoped3A_64 : memref<!tpu.dma_semaphore, #tpu.memory_space<semaphore_mem>>) src(%arg9 : memref<128x128xf32, #tpu.memory_space<vmem>>) dst(%dma_wait3A_76 : memref<10016x128xf32, #tpu.memory_space<vmem_shared>>)
        tpu.yield
      }) : () -> ()
    }
    %scan3A_17 = arith.constant 80 : i32
    %barrier3A_18 = arith.constant 0 : index
    tpu.barrier barrier_id(%barrier3A_18)
    %mul3A_19 = arith.constant 624 : i32
    %mul3A_20 = arith.muli %arg1, %mul3A_19 : i32
    %multiple_of3A_21 = tpu.assume_multiple %mul3A_20, 8 : i32
    %mul3A_22 = arith.constant 10000 : i32
    %mul3A_23 = arith.muli %arg0, %mul3A_22 : i32
    %mul3A_24 = arith.constant 624 : i32
    %mul3A_25 = arith.muli %arg1, %mul3A_24 : i32
    %add3A_26 = arith.addi %mul3A_23, %mul3A_25 : i32
    %multiple_of3A_27 = tpu.assume_multiple %add3A_26, 8 : i32
    "tpu.region"() ({
      %run_scoped3A = tpu.sem_alloc : memref<!tpu.dma_semaphore, #tpu.memory_space<semaphore_mem>>
      %dma_start3A_33 = arith.constant 0 : i32
      %dma_start3A_34 = tpu.memref_slice %arg5[%multiple_of3A_27, %dma_start3A_33] : memref<20000x128xf32, #tpu.memory_space<hbm>> -> memref<624x128xf32, #tpu.memory_space<hbm>>
      %dma_start3A_35 = arith.constant 0 : i32
      %dma_start3A_36 = tpu.memref_slice %arg10[%multiple_of3A_21, %dma_start3A_35] : memref<10016x128xf32, #tpu.memory_space<vmem_shared>> -> memref<624x128xf32, #tpu.memory_space<vmem_shared>>
      tpu.enqueue_dma source(%dma_start3A_36 : memref<624x128xf32, #tpu.memory_space<vmem_shared>>) target(%dma_start3A_34 : memref<624x128xf32, #tpu.memory_space<hbm>>) target_semaphore(%run_scoped3A : memref<!tpu.dma_semaphore, #tpu.memory_space<semaphore_mem>>)
      %dma_wait3A = arith.constant 0 : i32
      %dma_wait3A_37 = tpu.memref_slice %arg5[%multiple_of3A_27, %dma_wait3A] : memref<20000x128xf32, #tpu.memory_space<hbm>> -> memref<624x128xf32, #tpu.memory_space<hbm>>
      %dma_wait3A_38 = arith.constant 0 : i32
      %dma_wait3A_39 = tpu.memref_slice %arg10[%multiple_of3A_21, %dma_wait3A_38] : memref<10016x128xf32, #tpu.memory_space<vmem_shared>> -> memref<624x128xf32, #tpu.memory_space<vmem_shared>>
      tpu.wait_dma2 semaphore(%run_scoped3A : memref<!tpu.dma_semaphore, #tpu.memory_space<semaphore_mem>>) src(%dma_wait3A_39 : memref<624x128xf32, #tpu.memory_space<vmem_shared>>) dst(%dma_wait3A_37 : memref<624x128xf32, #tpu.memory_space<hbm>>)
      tpu.yield
    }) : () -> ()
    %eq3A_28 = arith.constant 0 : i32
    %eq3A_29 = arith.cmpi eq, %arg1, %eq3A_28 : i32
    %convert_element_type3A_30 = arith.extui %eq3A_29 : i1 to i32
    %cond3A_31 = arith.constant 0 : i32
    %cond3A_32 = arith.cmpi ne, %convert_element_type3A_30, %cond3A_31 : i32
    scf.if %cond3A_32 {
      %mul3A_33 = arith.constant 10000 : i32
      %mul3A_34 = arith.muli %arg0, %mul3A_33 : i32
      %add3A_35 = arith.constant 9984 : i32
      %add3A_36 = arith.addi %mul3A_34, %add3A_35 : i32
      %multiple_of3A_37 = tpu.assume_multiple %add3A_36, 8 : i32
      "tpu.region"() ({
        %run_scoped3A = tpu.sem_alloc : memref<!tpu.dma_semaphore, #tpu.memory_space<semaphore_mem>>
        %dma_start3A_38 = arith.constant 0 : i32
        %dma_start3A_39 = tpu.memref_slice %arg5[%multiple_of3A_37, %dma_start3A_38] : memref<20000x128xf32, #tpu.memory_space<hbm>> -> memref<16x128xf32, #tpu.memory_space<hbm>>
        %dma_start3A_40 = arith.constant 9984 : i32
        %dma_start3A_41 = arith.constant 0 : i32
        %dma_start3A_42 = tpu.memref_slice %arg10[%dma_start3A_40, %dma_start3A_41] : memref<10016x128xf32, #tpu.memory_space<vmem_shared>> -> memref<16x128xf32, #tpu.memory_space<vmem_shared>>
        tpu.enqueue_dma source(%dma_start3A_42 : memref<16x128xf32, #tpu.memory_space<vmem_shared>>) target(%dma_start3A_39 : memref<16x128xf32, #tpu.memory_space<hbm>>) target_semaphore(%run_scoped3A : memref<!tpu.dma_semaphore, #tpu.memory_space<semaphore_mem>>)
        %dma_wait3A = arith.constant 0 : i32
        %dma_wait3A_43 = tpu.memref_slice %arg5[%multiple_of3A_37, %dma_wait3A] : memref<20000x128xf32, #tpu.memory_space<hbm>> -> memref<16x128xf32, #tpu.memory_space<hbm>>
        %dma_wait3A_44 = arith.constant 9984 : i32
        %dma_wait3A_45 = arith.constant 0 : i32
        %dma_wait3A_46 = tpu.memref_slice %arg10[%dma_wait3A_44, %dma_wait3A_45] : memref<10016x128xf32, #tpu.memory_space<vmem_shared>> -> memref<16x128xf32, #tpu.memory_space<vmem_shared>>
        tpu.wait_dma2 semaphore(%run_scoped3A : memref<!tpu.dma_semaphore, #tpu.memory_space<semaphore_mem>>) src(%dma_wait3A_46 : memref<16x128xf32, #tpu.memory_space<vmem_shared>>) dst(%dma_wait3A_43 : memref<16x128xf32, #tpu.memory_space<hbm>>)
        tpu.yield
      }) : () -> ()
    } else {
    }
    return
  }
}

module attributes {stable_mosaic.version = 14 : i64} {
  func.func @body(%arg0: i32, %arg1: memref<1x1xf32, #tpu.memory_space<smem>>, %arg2: memref<2000x128xf32, #tpu.memory_space<vmem>>, %arg3: memref<2000x128xf32, #tpu.memory_space<vmem>>, %arg4: memref<2000x128xf32, #tpu.memory_space<vmem>>, %arg5: memref<128x512xf32, #tpu.memory_space<vmem>>, %arg6: memref<1x512xf32, #tpu.memory_space<vmem>>, %arg7: memref<2000x512xf32, #tpu.memory_space<vmem>>, %arg8: memref<1x512xf32, #tpu.memory_space<vmem>>, %arg9: memref<1x512xf32, #tpu.memory_space<vmem>>) attributes {dimension_semantics = [#tpu.dimension_semantics<arbitrary>], iteration_bounds = array<i64: 5>, scalar_prefetch = 0 : i64, scratch_operands = 0 : i64, tpu.core_type = #tpu.core_type<tc>, window_params = [{transform_indices = @transform_0, window_bounds = array<i64: 1, 1>}, {transform_indices = @transform_1, window_bounds = array<i64: 2000, 128>}, {transform_indices = @transform_2, window_bounds = array<i64: 2000, 128>}, {transform_indices = @transform_3, window_bounds = array<i64: 2000, 128>}, {pipeline_mode = #tpu.pipeline_mode<synchronous>, transform_indices = @transform_4, window_bounds = array<i64: 128, 512>}, {pipeline_mode = #tpu.pipeline_mode<synchronous>, transform_indices = @transform_5, window_bounds = array<i64: 1, 512>}, {transform_indices = @transform_6, window_bounds = array<i64: 2000, 512>}, {pipeline_mode = #tpu.pipeline_mode<synchronous>, transform_indices = @transform_7, window_bounds = array<i64: 1, 512>}, {pipeline_mode = #tpu.pipeline_mode<synchronous>, transform_indices = @transform_8, window_bounds = array<i64: 1, 512>}]} {
    %get3A = arith.constant 0 : index
    %get3A_0 = arith.constant 0 : index
    %get3A_1 = vector.load %arg2[%get3A, %get3A_0] : memref<2000x128xf32, #tpu.memory_space<vmem>>, vector<2000x128xf32>
    %get3A_2 = arith.constant 0 : index
    %get3A_3 = arith.constant 0 : index
    %get3A_4 = memref.load %arg1[%get3A_2, %get3A_3] : memref<1x1xf32, #tpu.memory_space<smem>>
    %mul3A = vector.broadcast %get3A_4 : f32 to vector<2000x128xf32>
    %mul3A_5 = arith.mulf %get3A_1, %mul3A : vector<2000x128xf32>
    %get3A_6 = arith.constant 0 : index
    %get3A_7 = arith.constant 0 : index
    %get3A_8 = vector.load %arg3[%get3A_6, %get3A_7] : memref<2000x128xf32, #tpu.memory_space<vmem>>, vector<2000x128xf32>
    %add3A = arith.addf %mul3A_5, %get3A_8 : vector<2000x128xf32>
    %get3A_9 = arith.constant 0 : index
    %get3A_10 = arith.constant 0 : index
    %get3A_11 = vector.load %arg4[%get3A_9, %get3A_10] : memref<2000x128xf32, #tpu.memory_space<vmem>>, vector<2000x128xf32>
    %add3A_12 = arith.addf %add3A, %get3A_11 : vector<2000x128xf32>
    %get3A_13 = arith.constant 0 : index
    %get3A_14 = arith.constant 0 : index
    %get3A_15 = vector.load %arg5[%get3A_13, %get3A_14] : memref<128x512xf32, #tpu.memory_space<vmem>>, vector<128x512xf32>
    %dot_general3A = arith.constant dense<0.000000e+00> : vector<2000x512xf32>
    %dot_general3A_16 = tpu.matmul %add3A_12, %get3A_15, %dot_general3A {dimension_numbers = #tpu.dot_dimension_numbers<[1], [0], [0], [1], [0, 0, 1, 1], [], []>, transpose_lhs_hint = false} : vector<2000x128xf32>, vector<128x512xf32>, vector<2000x512xf32> -> vector<2000x512xf32>
    %get3A_17 = arith.constant 0 : index
    %get3A_18 = arith.constant 0 : index
    %get3A_19 = vector.load %arg6[%get3A_17, %get3A_18] : memref<1x512xf32, #tpu.memory_space<vmem>>, vector<1x512xf32>
    %add3A_20 = vector.broadcast %get3A_19 : vector<1x512xf32> to vector<2000x512xf32>
    %add3A_21 = arith.addf %dot_general3A_16, %add3A_20 : vector<2000x512xf32>
    %swap3A = arith.constant 0 : index
    %swap3A_22 = arith.constant 0 : index
    %swap3A_23 = vector.load %arg7[%swap3A, %swap3A_22] : memref<2000x512xf32, #tpu.memory_space<vmem>>, vector<2000x512xf32>
    tpu.vector_store %arg7[%swap3A, %swap3A_22], %add3A_21 {strides = array<i32>} : memref<2000x512xf32, #tpu.memory_space<vmem>>, vector<2000x512xf32>,
    %eq3A = arith.constant 0 : i32
    %eq3A_24 = arith.cmpi eq, %arg0, %eq3A : i32
    %convert_element_type3A = arith.extui %eq3A_24 : i1 to i32
    %cond3A = arith.constant 0 : i32
    %cond3A_25 = arith.cmpi ne, %convert_element_type3A, %cond3A : i32
    scf.if %cond3A_25 {
      %broadcast_in_dim3A_45 = arith.constant 0.000000e+00 : f32
      %broadcast_in_dim3A_46 = vector.broadcast %broadcast_in_dim3A_45 : f32 to vector<1x512xf32>
      %swap3A_47 = arith.constant 0 : index
      %swap3A_48 = arith.constant 0 : index
      %swap3A_49 = vector.load %arg8[%swap3A_47, %swap3A_48] : memref<1x512xf32, #tpu.memory_space<vmem>>, vector<1x512xf32>
      tpu.vector_store %arg8[%swap3A_47, %swap3A_48], %broadcast_in_dim3A_46 {strides = array<i32>} : memref<1x512xf32, #tpu.memory_space<vmem>>, vector<1x512xf32>,
      %broadcast_in_dim3A_50 = arith.constant 0.000000e+00 : f32
      %broadcast_in_dim3A_51 = vector.broadcast %broadcast_in_dim3A_50 : f32 to vector<1x512xf32>
      %swap3A_52 = arith.constant 0 : index
      %swap3A_53 = arith.constant 0 : index
      %swap3A_54 = vector.load %arg9[%swap3A_52, %swap3A_53] : memref<1x512xf32, #tpu.memory_space<vmem>>, vector<1x512xf32>
      tpu.vector_store %arg9[%swap3A_52, %swap3A_53], %broadcast_in_dim3A_51 {strides = array<i32>} : memref<1x512xf32, #tpu.memory_space<vmem>>, vector<1x512xf32>,
    } else {
    }
    %get3A_26 = arith.constant 0 : index
    %get3A_27 = arith.constant 0 : index
    %get3A_28 = vector.load %arg8[%get3A_26, %get3A_27] : memref<1x512xf32, #tpu.memory_space<vmem>>, vector<1x512xf32>
    %reduce_sum3A = arith.constant dense<0.000000e+00> : vector<512xf32>
    %reduce_sum3A_29 = vector.multi_reduction <add>, %add3A_21, %reduce_sum3A [0] : vector<2000x512xf32> to vector<512xf32>
    %broadcast_in_dim3A = vector.shape_cast %reduce_sum3A_29 : vector<512xf32> to vector<1x512xf32>
    %add3A_30 = arith.addf %get3A_28, %broadcast_in_dim3A : vector<1x512xf32>
    %swap3A_31 = arith.constant 0 : index
    %swap3A_32 = arith.constant 0 : index
    %swap3A_33 = vector.load %arg8[%swap3A_31, %swap3A_32] : memref<1x512xf32, #tpu.memory_space<vmem>>, vector<1x512xf32>
    tpu.vector_store %arg8[%swap3A_31, %swap3A_32], %add3A_30 {strides = array<i32>} : memref<1x512xf32, #tpu.memory_space<vmem>>, vector<1x512xf32>,
    %get3A_34 = arith.constant 0 : index
    %get3A_35 = arith.constant 0 : index
    %get3A_36 = vector.load %arg9[%get3A_34, %get3A_35] : memref<1x512xf32, #tpu.memory_space<vmem>>, vector<1x512xf32>
    %mul3A_37 = arith.mulf %add3A_21, %add3A_21 : vector<2000x512xf32>
    %reduce_sum3A_38 = arith.constant dense<0.000000e+00> : vector<512xf32>
    %reduce_sum3A_39 = vector.multi_reduction <add>, %mul3A_37, %reduce_sum3A_38 [0] : vector<2000x512xf32> to vector<512xf32>
    %broadcast_in_dim3A_40 = vector.shape_cast %reduce_sum3A_39 : vector<512xf32> to vector<1x512xf32>
    %add3A_41 = arith.addf %get3A_36, %broadcast_in_dim3A_40 : vector<1x512xf32>
    %swap3A_42 = arith.constant 0 : index
    %swap3A_43 = arith.constant 0 : index
    %swap3A_44 = vector.load %arg9[%swap3A_42, %swap3A_43] : memref<1x512xf32, #tpu.memory_space<vmem>>, vector<1x512xf32>
    tpu.vector_store %arg9[%swap3A_42, %swap3A_43], %add3A_41 {strides = array<i32>} : memref<1x512xf32, #tpu.memory_space<vmem>>, vector<1x512xf32>,
    return
  }
  func.func @transform_0(%arg0: i32) -> (i32, i32) {
    %c0_i32 = arith.constant 0 : i32
    %c0_i32_0 = arith.constant 0 : i32
    %c0_i32_1 = arith.constant 0 : i32
    return %c0_i32, %c0_i32_0 : i32, i32
  }
  func.func @transform_1(%arg0: i32) -> (i32, i32) {
    %c0_i32 = arith.constant 0 : i32
    %c0_i32_0 = arith.constant 0 : i32
    return %arg0, %c0_i32 : i32, i32
  }
  func.func @transform_2(%arg0: i32) -> (i32, i32) {
    %c0_i32 = arith.constant 0 : i32
    %c0_i32_0 = arith.constant 0 : i32
    return %arg0, %c0_i32 : i32, i32
  }
  func.func @transform_3(%arg0: i32) -> (i32, i32) {
    %add3A = arith.constant 5 : i32
    %add3A_0 = arith.addi %add3A, %arg0 : i32
    %c0_i32 = arith.constant 0 : i32
    %c0_i32_1 = arith.constant 0 : i32
    return %add3A_0, %c0_i32 : i32, i32
  }
  func.func @transform_4(%arg0: i32) -> (i32, i32) {
    %c0_i32 = arith.constant 0 : i32
    %c0_i32_0 = arith.constant 0 : i32
    %c0_i32_1 = arith.constant 0 : i32
    return %c0_i32, %c0_i32_0 : i32, i32
  }
  func.func @transform_5(%arg0: i32) -> (i32, i32) {
    %c0_i32 = arith.constant 0 : i32
    %c0_i32_0 = arith.constant 0 : i32
    %c0_i32_1 = arith.constant 0 : i32
    return %c0_i32, %c0_i32_0 : i32, i32
  }
  func.func @transform_6(%arg0: i32) -> (i32, i32) {
    %c0_i32 = arith.constant 0 : i32
    %c0_i32_0 = arith.constant 0 : i32
    return %arg0, %c0_i32 : i32, i32
  }
  func.func @transform_7(%arg0: i32) -> (i32, i32) {
    %c0_i32 = arith.constant 0 : i32
    %c0_i32_0 = arith.constant 0 : i32
    %c0_i32_1 = arith.constant 0 : i32
    return %c0_i32, %c0_i32_0 : i32, i32
  }
  func.func @transform_8(%arg0: i32) -> (i32, i32) {
    %c0_i32 = arith.constant 0 : i32
    %c0_i32_0 = arith.constant 0 : i32
    %c0_i32_1 = arith.constant 0 : i32
    return %c0_i32, %c0_i32_0 : i32, i32
  }
}

module attributes {stable_mosaic.version = 14 : i64} {
  func.func @body(%arg0: i32, %arg1: memref<2000x512xf32, #tpu.memory_space<vmem>>, %arg2: memref<1x512xf32, #tpu.memory_space<vmem>>, %arg3: memref<1x512xf32, #tpu.memory_space<vmem>>, %arg4: memref<1x512xf32, #tpu.memory_space<vmem>>, %arg5: memref<1x512xf32, #tpu.memory_space<vmem>>, %arg6: memref<512x256xf32, #tpu.memory_space<vmem>>, %arg7: memref<1x256xf32, #tpu.memory_space<vmem>>, %arg8: memref<2000x256xf32, #tpu.memory_space<vmem>>, %arg9: memref<1x256xf32, #tpu.memory_space<vmem>>, %arg10: memref<1x256xf32, #tpu.memory_space<vmem>>) attributes {dimension_semantics = [#tpu.dimension_semantics<arbitrary>], iteration_bounds = array<i64: 5>, scalar_prefetch = 0 : i64, scratch_operands = 0 : i64, tpu.core_type = #tpu.core_type<tc>, window_params = [{transform_indices = @transform_0, window_bounds = array<i64: 2000, 512>}, {pipeline_mode = #tpu.pipeline_mode<synchronous>, transform_indices = @transform_1, window_bounds = array<i64: 1, 512>}, {pipeline_mode = #tpu.pipeline_mode<synchronous>, transform_indices = @transform_2, window_bounds = array<i64: 1, 512>}, {pipeline_mode = #tpu.pipeline_mode<synchronous>, transform_indices = @transform_3, window_bounds = array<i64: 1, 512>}, {pipeline_mode = #tpu.pipeline_mode<synchronous>, transform_indices = @transform_4, window_bounds = array<i64: 1, 512>}, {pipeline_mode = #tpu.pipeline_mode<synchronous>, transform_indices = @transform_5, window_bounds = array<i64: 512, 256>}, {pipeline_mode = #tpu.pipeline_mode<synchronous>, transform_indices = @transform_6, window_bounds = array<i64: 1, 256>}, {transform_indices = @transform_7, window_bounds = array<i64: 2000, 256>}, {pipeline_mode = #tpu.pipeline_mode<synchronous>, transform_indices = @transform_8, window_bounds = array<i64: 1, 256>}, {pipeline_mode = #tpu.pipeline_mode<synchronous>, transform_indices = @transform_9, window_bounds = array<i64: 1, 256>}]} {
    %get3A = arith.constant 0 : index
    %get3A_0 = arith.constant 0 : index
    %get3A_1 = vector.load %arg2[%get3A, %get3A_0] : memref<1x512xf32, #tpu.memory_space<vmem>>, vector<1x512xf32>
    %div3A = arith.constant 1.000000e+04 : f32
    %div3A_2 = vector.broadcast %div3A : f32 to vector<1x512xf32>
    %div3A_3 = arith.divf %get3A_1, %div3A_2 : vector<1x512xf32>
    %get3A_4 = arith.constant 0 : index
    %get3A_5 = arith.constant 0 : index
    %get3A_6 = vector.load %arg3[%get3A_4, %get3A_5] : memref<1x512xf32, #tpu.memory_space<vmem>>, vector<1x512xf32>
    %div3A_7 = arith.constant 1.000000e+04 : f32
    %div3A_8 = vector.broadcast %div3A_7 : f32 to vector<1x512xf32>
    %div3A_9 = arith.divf %get3A_6, %div3A_8 : vector<1x512xf32>
    %mul3A = arith.mulf %div3A_3, %div3A_3 : vector<1x512xf32>
    %sub3A = arith.subf %div3A_9, %mul3A : vector<1x512xf32>
    %get3A_10 = arith.constant 0 : index
    %get3A_11 = arith.constant 0 : index
    %get3A_12 = vector.load %arg4[%get3A_10, %get3A_11] : memref<1x512xf32, #tpu.memory_space<vmem>>, vector<1x512xf32>
    %add3A = arith.constant 9.99999974E-6 : f32
    %add3A_13 = vector.broadcast %add3A : f32 to vector<1x512xf32>
    %add3A_14 = arith.addf %sub3A, %add3A_13 : vector<1x512xf32>
    %rsqrt3A = math.rsqrt %add3A_14 : vector<1x512xf32>
    %mul3A_15 = arith.mulf %get3A_12, %rsqrt3A : vector<1x512xf32>
    %get3A_16 = arith.constant 0 : index
    %get3A_17 = arith.constant 0 : index
    %get3A_18 = vector.load %arg5[%get3A_16, %get3A_17] : memref<1x512xf32, #tpu.memory_space<vmem>>, vector<1x512xf32>
    %mul3A_19 = arith.mulf %div3A_3, %mul3A_15 : vector<1x512xf32>
    %sub3A_20 = arith.subf %get3A_18, %mul3A_19 : vector<1x512xf32>
    %get3A_21 = arith.constant 0 : index
    %get3A_22 = arith.constant 0 : index
    %get3A_23 = vector.load %arg1[%get3A_21, %get3A_22] : memref<2000x512xf32, #tpu.memory_space<vmem>>, vector<2000x512xf32>
    %mul3A_24 = vector.broadcast %mul3A_15 : vector<1x512xf32> to vector<2000x512xf32>
    %mul3A_25 = arith.mulf %get3A_23, %mul3A_24 : vector<2000x512xf32>
    %add3A_26 = vector.broadcast %sub3A_20 : vector<1x512xf32> to vector<2000x512xf32>
    %add3A_27 = arith.addf %mul3A_25, %add3A_26 : vector<2000x512xf32>
    %max3A = arith.constant 0.000000e+00 : f32
    %max3A_28 = vector.broadcast %max3A : f32 to vector<2000x512xf32>
    %max3A_29 = arith.maximumf %add3A_27, %max3A_28 : vector<2000x512xf32>
    %get3A_30 = arith.constant 0 : index
    %get3A_31 = arith.constant 0 : index
    %get3A_32 = vector.load %arg6[%get3A_30, %get3A_31] : memref<512x256xf32, #tpu.memory_space<vmem>>, vector<512x256xf32>
    %dot_general3A = arith.constant dense<0.000000e+00> : vector<2000x256xf32>
    %dot_general3A_33 = tpu.matmul %max3A_29, %get3A_32, %dot_general3A {dimension_numbers = #tpu.dot_dimension_numbers<[1], [0], [0], [1], [0, 0, 1, 1], [], []>, transpose_lhs_hint = false} : vector<2000x512xf32>, vector<512x256xf32>, vector<2000x256xf32> -> vector<2000x256xf32>
    %get3A_34 = arith.constant 0 : index
    %get3A_35 = arith.constant 0 : index
    %get3A_36 = vector.load %arg7[%get3A_34, %get3A_35] : memref<1x256xf32, #tpu.memory_space<vmem>>, vector<1x256xf32>
    %add3A_37 = vector.broadcast %get3A_36 : vector<1x256xf32> to vector<2000x256xf32>
    %add3A_38 = arith.addf %dot_general3A_33, %add3A_37 : vector<2000x256xf32>
    %swap3A = arith.constant 0 : index
    %swap3A_39 = arith.constant 0 : index
    %swap3A_40 = vector.load %arg8[%swap3A, %swap3A_39] : memref<2000x256xf32, #tpu.memory_space<vmem>>, vector<2000x256xf32>
    tpu.vector_store %arg8[%swap3A, %swap3A_39], %add3A_38 {strides = array<i32>} : memref<2000x256xf32, #tpu.memory_space<vmem>>, vector<2000x256xf32>,
    %eq3A = arith.constant 0 : i32
    %eq3A_41 = arith.cmpi eq, %arg0, %eq3A : i32
    %convert_element_type3A = arith.extui %eq3A_41 : i1 to i32
    %cond3A = arith.constant 0 : i32
    %cond3A_42 = arith.cmpi ne, %convert_element_type3A, %cond3A : i32
    scf.if %cond3A_42 {
      %broadcast_in_dim3A_62 = arith.constant 0.000000e+00 : f32
      %broadcast_in_dim3A_63 = vector.broadcast %broadcast_in_dim3A_62 : f32 to vector<1x256xf32>
      %swap3A_64 = arith.constant 0 : index
      %swap3A_65 = arith.constant 0 : index
      %swap3A_66 = vector.load %arg9[%swap3A_64, %swap3A_65] : memref<1x256xf32, #tpu.memory_space<vmem>>, vector<1x256xf32>
      tpu.vector_store %arg9[%swap3A_64, %swap3A_65], %broadcast_in_dim3A_63 {strides = array<i32>} : memref<1x256xf32, #tpu.memory_space<vmem>>, vector<1x256xf32>,
      %broadcast_in_dim3A_67 = arith.constant 0.000000e+00 : f32
      %broadcast_in_dim3A_68 = vector.broadcast %broadcast_in_dim3A_67 : f32 to vector<1x256xf32>
      %swap3A_69 = arith.constant 0 : index
      %swap3A_70 = arith.constant 0 : index
      %swap3A_71 = vector.load %arg10[%swap3A_69, %swap3A_70] : memref<1x256xf32, #tpu.memory_space<vmem>>, vector<1x256xf32>
      tpu.vector_store %arg10[%swap3A_69, %swap3A_70], %broadcast_in_dim3A_68 {strides = array<i32>} : memref<1x256xf32, #tpu.memory_space<vmem>>, vector<1x256xf32>,
    } else {
    }
    %get3A_43 = arith.constant 0 : index
    %get3A_44 = arith.constant 0 : index
    %get3A_45 = vector.load %arg9[%get3A_43, %get3A_44] : memref<1x256xf32, #tpu.memory_space<vmem>>, vector<1x256xf32>
    %reduce_sum3A = arith.constant dense<0.000000e+00> : vector<256xf32>
    %reduce_sum3A_46 = vector.multi_reduction <add>, %add3A_38, %reduce_sum3A [0] : vector<2000x256xf32> to vector<256xf32>
    %broadcast_in_dim3A = vector.shape_cast %reduce_sum3A_46 : vector<256xf32> to vector<1x256xf32>
    %add3A_47 = arith.addf %get3A_45, %broadcast_in_dim3A : vector<1x256xf32>
    %swap3A_48 = arith.constant 0 : index
    %swap3A_49 = arith.constant 0 : index
    %swap3A_50 = vector.load %arg9[%swap3A_48, %swap3A_49] : memref<1x256xf32, #tpu.memory_space<vmem>>, vector<1x256xf32>
    tpu.vector_store %arg9[%swap3A_48, %swap3A_49], %add3A_47 {strides = array<i32>} : memref<1x256xf32, #tpu.memory_space<vmem>>, vector<1x256xf32>,
    %get3A_51 = arith.constant 0 : index
    %get3A_52 = arith.constant 0 : index
    %get3A_53 = vector.load %arg10[%get3A_51, %get3A_52] : memref<1x256xf32, #tpu.memory_space<vmem>>, vector<1x256xf32>
    %mul3A_54 = arith.mulf %add3A_38, %add3A_38 : vector<2000x256xf32>
    %reduce_sum3A_55 = arith.constant dense<0.000000e+00> : vector<256xf32>
    %reduce_sum3A_56 = vector.multi_reduction <add>, %mul3A_54, %reduce_sum3A_55 [0] : vector<2000x256xf32> to vector<256xf32>
    %broadcast_in_dim3A_57 = vector.shape_cast %reduce_sum3A_56 : vector<256xf32> to vector<1x256xf32>
    %add3A_58 = arith.addf %get3A_53, %broadcast_in_dim3A_57 : vector<1x256xf32>
    %swap3A_59 = arith.constant 0 : index
    %swap3A_60 = arith.constant 0 : index
    %swap3A_61 = vector.load %arg10[%swap3A_59, %swap3A_60] : memref<1x256xf32, #tpu.memory_space<vmem>>, vector<1x256xf32>
    tpu.vector_store %arg10[%swap3A_59, %swap3A_60], %add3A_58 {strides = array<i32>} : memref<1x256xf32, #tpu.memory_space<vmem>>, vector<1x256xf32>,
    return
  }
  func.func @transform_0(%arg0: i32) -> (i32, i32) {
    %c0_i32 = arith.constant 0 : i32
    %c0_i32_0 = arith.constant 0 : i32
    return %arg0, %c0_i32 : i32, i32
  }
  func.func @transform_1(%arg0: i32) -> (i32, i32) {
    %c0_i32 = arith.constant 0 : i32
    %c0_i32_0 = arith.constant 0 : i32
    %c0_i32_1 = arith.constant 0 : i32
    return %c0_i32, %c0_i32_0 : i32, i32
  }
  func.func @transform_2(%arg0: i32) -> (i32, i32) {
    %c0_i32 = arith.constant 0 : i32
    %c0_i32_0 = arith.constant 0 : i32
    %c0_i32_1 = arith.constant 0 : i32
    return %c0_i32, %c0_i32_0 : i32, i32
  }
  func.func @transform_3(%arg0: i32) -> (i32, i32) {
    %c0_i32 = arith.constant 0 : i32
    %c0_i32_0 = arith.constant 0 : i32
    %c0_i32_1 = arith.constant 0 : i32
    return %c0_i32, %c0_i32_0 : i32, i32
  }
  func.func @transform_4(%arg0: i32) -> (i32, i32) {
    %c0_i32 = arith.constant 0 : i32
    %c0_i32_0 = arith.constant 0 : i32
    %c0_i32_1 = arith.constant 0 : i32
    return %c0_i32, %c0_i32_0 : i32, i32
  }
  func.func @transform_5(%arg0: i32) -> (i32, i32) {
    %c0_i32 = arith.constant 0 : i32
    %c0_i32_0 = arith.constant 0 : i32
    %c0_i32_1 = arith.constant 0 : i32
    return %c0_i32, %c0_i32_0 : i32, i32
  }
  func.func @transform_6(%arg0: i32) -> (i32, i32) {
    %c0_i32 = arith.constant 0 : i32
    %c0_i32_0 = arith.constant 0 : i32
    %c0_i32_1 = arith.constant 0 : i32
    return %c0_i32, %c0_i32_0 : i32, i32
  }
  func.func @transform_7(%arg0: i32) -> (i32, i32) {
    %c0_i32 = arith.constant 0 : i32
    %c0_i32_0 = arith.constant 0 : i32
    return %arg0, %c0_i32 : i32, i32
  }
  func.func @transform_8(%arg0: i32) -> (i32, i32) {
    %c0_i32 = arith.constant 0 : i32
    %c0_i32_0 = arith.constant 0 : i32
    %c0_i32_1 = arith.constant 0 : i32
    return %c0_i32, %c0_i32_0 : i32, i32
  }
  func.func @transform_9(%arg0: i32) -> (i32, i32) {
    %c0_i32 = arith.constant 0 : i32
    %c0_i32_0 = arith.constant 0 : i32
    %c0_i32_1 = arith.constant 0 : i32
    return %c0_i32, %c0_i32_0 : i32, i32
  }
}

module attributes {stable_mosaic.version = 14 : i64} {
  func.func @body(%arg0: i32, %arg1: i32, %arg2: memref<2000x128xf32, #tpu.memory_space<vmem>>, %arg3: memref<1x128xf32, #tpu.memory_space<vmem>>, %arg4: memref<1x128xf32, #tpu.memory_space<vmem>>, %arg5: memref<1x128xf32, #tpu.memory_space<vmem>>, %arg6: memref<1x128xf32, #tpu.memory_space<vmem>>, %arg7: memref<2000x128xf32, #tpu.memory_space<vmem>>) attributes {dimension_semantics = [#tpu.dimension_semantics<arbitrary>, #tpu.dimension_semantics<arbitrary>], iteration_bounds = array<i64: 5, 2>, scalar_prefetch = 0 : i64, scratch_operands = 0 : i64, tpu.core_type = #tpu.core_type<tc>, window_params = [{transform_indices = @transform_0, window_bounds = array<i64: 2000, 128>}, {transform_indices = @transform_1, window_bounds = array<i64: 1, 128>}, {transform_indices = @transform_2, window_bounds = array<i64: 1, 128>}, {transform_indices = @transform_3, window_bounds = array<i64: 1, 128>}, {transform_indices = @transform_4, window_bounds = array<i64: 1, 128>}, {transform_indices = @transform_5, window_bounds = array<i64: 2000, 128>}]} {
    %get3A = arith.constant 0 : index
    %get3A_0 = arith.constant 0 : index
    %get3A_1 = vector.load %arg3[%get3A, %get3A_0] : memref<1x128xf32, #tpu.memory_space<vmem>>, vector<1x128xf32>
    %div3A = arith.constant 1.000000e+04 : f32
    %div3A_2 = vector.broadcast %div3A : f32 to vector<1x128xf32>
    %div3A_3 = arith.divf %get3A_1, %div3A_2 : vector<1x128xf32>
    %get3A_4 = arith.constant 0 : index
    %get3A_5 = arith.constant 0 : index
    %get3A_6 = vector.load %arg4[%get3A_4, %get3A_5] : memref<1x128xf32, #tpu.memory_space<vmem>>, vector<1x128xf32>
    %div3A_7 = arith.constant 1.000000e+04 : f32
    %div3A_8 = vector.broadcast %div3A_7 : f32 to vector<1x128xf32>
    %div3A_9 = arith.divf %get3A_6, %div3A_8 : vector<1x128xf32>
    %mul3A = arith.mulf %div3A_3, %div3A_3 : vector<1x128xf32>
    %sub3A = arith.subf %div3A_9, %mul3A : vector<1x128xf32>
    %get3A_10 = arith.constant 0 : index
    %get3A_11 = arith.constant 0 : index
    %get3A_12 = vector.load %arg5[%get3A_10, %get3A_11] : memref<1x128xf32, #tpu.memory_space<vmem>>, vector<1x128xf32>
    %add3A = arith.constant 9.99999974E-6 : f32
    %add3A_13 = vector.broadcast %add3A : f32 to vector<1x128xf32>
    %add3A_14 = arith.addf %sub3A, %add3A_13 : vector<1x128xf32>
    %rsqrt3A = math.rsqrt %add3A_14 : vector<1x128xf32>
    %mul3A_15 = arith.mulf %get3A_12, %rsqrt3A : vector<1x128xf32>
    %get3A_16 = arith.constant 0 : index
    %get3A_17 = arith.constant 0 : index
    %get3A_18 = vector.load %arg6[%get3A_16, %get3A_17] : memref<1x128xf32, #tpu.memory_space<vmem>>, vector<1x128xf32>
    %mul3A_19 = arith.mulf %div3A_3, %mul3A_15 : vector<1x128xf32>
    %sub3A_20 = arith.subf %get3A_18, %mul3A_19 : vector<1x128xf32>
    %get3A_21 = arith.constant 0 : index
    %get3A_22 = arith.constant 0 : index
    %get3A_23 = vector.load %arg2[%get3A_21, %get3A_22] : memref<2000x128xf32, #tpu.memory_space<vmem>>, vector<2000x128xf32>
    %mul3A_24 = vector.broadcast %mul3A_15 : vector<1x128xf32> to vector<2000x128xf32>
    %mul3A_25 = arith.mulf %get3A_23, %mul3A_24 : vector<2000x128xf32>
    %add3A_26 = vector.broadcast %sub3A_20 : vector<1x128xf32> to vector<2000x128xf32>
    %add3A_27 = arith.addf %mul3A_25, %add3A_26 : vector<2000x128xf32>
    %max3A = arith.constant 0.000000e+00 : f32
    %max3A_28 = vector.broadcast %max3A : f32 to vector<2000x128xf32>
    %max3A_29 = arith.maximumf %add3A_27, %max3A_28 : vector<2000x128xf32>
    %swap3A = arith.constant 0 : index
    %swap3A_30 = arith.constant 0 : index
    %swap3A_31 = vector.load %arg7[%swap3A, %swap3A_30] : memref<2000x128xf32, #tpu.memory_space<vmem>>, vector<2000x128xf32>
    tpu.vector_store %arg7[%swap3A, %swap3A_30], %max3A_29 {strides = array<i32>} : memref<2000x128xf32, #tpu.memory_space<vmem>>, vector<2000x128xf32>,
    return
  }
  func.func @transform_0(%arg0: i32, %arg1: i32) -> (i32, i32) {
    %c0_i32 = arith.constant 0 : i32
    return %arg0, %arg1 : i32, i32
  }
  func.func @transform_1(%arg0: i32, %arg1: i32) -> (i32, i32) {
    %c0_i32 = arith.constant 0 : i32
    %c0_i32_0 = arith.constant 0 : i32
    return %c0_i32, %arg1 : i32, i32
  }
  func.func @transform_2(%arg0: i32, %arg1: i32) -> (i32, i32) {
    %c0_i32 = arith.constant 0 : i32
    %c0_i32_0 = arith.constant 0 : i32
    return %c0_i32, %arg1 : i32, i32
  }
  func.func @transform_3(%arg0: i32, %arg1: i32) -> (i32, i32) {
    %c0_i32 = arith.constant 0 : i32
    %c0_i32_0 = arith.constant 0 : i32
    return %c0_i32, %arg1 : i32, i32
  }
  func.func @transform_4(%arg0: i32, %arg1: i32) -> (i32, i32) {
    %c0_i32 = arith.constant 0 : i32
    %c0_i32_0 = arith.constant 0 : i32
    return %c0_i32, %arg1 : i32, i32
  }
  func.func @transform_5(%arg0: i32, %arg1: i32) -> (i32, i32) {
    %mul3A = arith.constant 5 : i32
    %mul3A_0 = arith.muli %arg1, %mul3A : i32
    %add3A = arith.addi %mul3A_0, %arg0 : i32
    %c0_i32 = arith.constant 0 : i32
    %c0_i32_1 = arith.constant 0 : i32
    return %add3A, %c0_i32 : i32, i32
  }
}

module attributes {stable_mosaic.version = 14 : i64} {
  func.func @body(%arg0: i32, %arg1: memref<1x1xf32, #tpu.memory_space<smem>>, %arg2: memref<2000x128xf32, #tpu.memory_space<vmem>>, %arg3: memref<2000x128xf32, #tpu.memory_space<vmem>>, %arg4: memref<2000x128xf32, #tpu.memory_space<vmem>>, %arg5: memref<2000x128xf32, #tpu.memory_space<vmem>>, %arg6: memref<256x512xf32, #tpu.memory_space<vmem>>, %arg7: memref<1x512xf32, #tpu.memory_space<vmem>>, %arg8: memref<2000x512xf32, #tpu.memory_space<vmem>>, %arg9: memref<1x512xf32, #tpu.memory_space<vmem>>, %arg10: memref<1x512xf32, #tpu.memory_space<vmem>>) attributes {dimension_semantics = [#tpu.dimension_semantics<arbitrary>], iteration_bounds = array<i64: 5>, scalar_prefetch = 0 : i64, scratch_operands = 0 : i64, tpu.core_type = #tpu.core_type<tc>, window_params = [{transform_indices = @transform_0, window_bounds = array<i64: 1, 1>}, {transform_indices = @transform_1, window_bounds = array<i64: 2000, 128>}, {transform_indices = @transform_2, window_bounds = array<i64: 2000, 128>}, {transform_indices = @transform_3, window_bounds = array<i64: 2000, 128>}, {transform_indices = @transform_4, window_bounds = array<i64: 2000, 128>}, {pipeline_mode = #tpu.pipeline_mode<synchronous>, transform_indices = @transform_5, window_bounds = array<i64: 256, 512>}, {pipeline_mode = #tpu.pipeline_mode<synchronous>, transform_indices = @transform_6, window_bounds = array<i64: 1, 512>}, {transform_indices = @transform_7, window_bounds = array<i64: 2000, 512>}, {pipeline_mode = #tpu.pipeline_mode<synchronous>, transform_indices = @transform_8, window_bounds = array<i64: 1, 512>}, {pipeline_mode = #tpu.pipeline_mode<synchronous>, transform_indices = @transform_9, window_bounds = array<i64: 1, 512>}]} {
    %get3A = arith.constant 0 : index
    %get3A_0 = arith.constant 0 : index
    %get3A_1 = memref.load %arg1[%get3A, %get3A_0] : memref<1x1xf32, #tpu.memory_space<smem>>
    %get3A_2 = arith.constant 0 : index
    %get3A_3 = arith.constant 0 : index
    %get3A_4 = vector.load %arg2[%get3A_2, %get3A_3] : memref<2000x128xf32, #tpu.memory_space<vmem>>, vector<2000x128xf32>
    %mul3A = vector.broadcast %get3A_1 : f32 to vector<2000x128xf32>
    %mul3A_5 = arith.mulf %get3A_4, %mul3A : vector<2000x128xf32>
    %get3A_6 = arith.constant 0 : index
    %get3A_7 = arith.constant 0 : index
    %get3A_8 = vector.load %arg4[%get3A_6, %get3A_7] : memref<2000x128xf32, #tpu.memory_space<vmem>>, vector<2000x128xf32>
    %add3A = arith.addf %mul3A_5, %get3A_8 : vector<2000x128xf32>
    %get3A_9 = arith.constant 0 : index
    %get3A_10 = arith.constant 0 : index
    %get3A_11 = vector.load %arg3[%get3A_9, %get3A_10] : memref<2000x128xf32, #tpu.memory_space<vmem>>, vector<2000x128xf32>
    %mul3A_12 = vector.broadcast %get3A_1 : f32 to vector<2000x128xf32>
    %mul3A_13 = arith.mulf %get3A_11, %mul3A_12 : vector<2000x128xf32>
    %get3A_14 = arith.constant 0 : index
    %get3A_15 = arith.constant 0 : index
    %get3A_16 = vector.load %arg5[%get3A_14, %get3A_15] : memref<2000x128xf32, #tpu.memory_space<vmem>>, vector<2000x128xf32>
    %add3A_17 = arith.addf %mul3A_13, %get3A_16 : vector<2000x128xf32>
    %get3A_18 = arith.constant 0 : index
    %get3A_19 = arith.constant 0 : index
    %get3A_20 = vector.load %arg6[%get3A_18, %get3A_19] : memref<256x512xf32, #tpu.memory_space<vmem>>, vector<128x512xf32>
    %dot_general3A = arith.constant dense<0.000000e+00> : vector<2000x512xf32>
    %dot_general3A_21 = tpu.matmul %add3A, %get3A_20, %dot_general3A {dimension_numbers = #tpu.dot_dimension_numbers<[1], [0], [0], [1], [0, 0, 1, 1], [], []>, transpose_lhs_hint = false} : vector<2000x128xf32>, vector<128x512xf32>, vector<2000x512xf32> -> vector<2000x512xf32>
    %get3A_22 = arith.constant 128 : index
    %get3A_23 = arith.constant 0 : index
    %get3A_24 = vector.load %arg6[%get3A_22, %get3A_23] : memref<256x512xf32, #tpu.memory_space<vmem>>, vector<128x512xf32>
    %dot_general3A_25 = arith.constant dense<0.000000e+00> : vector<2000x512xf32>
    %dot_general3A_26 = tpu.matmul %add3A_17, %get3A_24, %dot_general3A_25 {dimension_numbers = #tpu.dot_dimension_numbers<[1], [0], [0], [1], [0, 0, 1, 1], [], []>, transpose_lhs_hint = false} : vector<2000x128xf32>, vector<128x512xf32>, vector<2000x512xf32> -> vector<2000x512xf32>
    %add3A_27 = arith.addf %dot_general3A_21, %dot_general3A_26 : vector<2000x512xf32>
    %get3A_28 = arith.constant 0 : index
    %get3A_29 = arith.constant 0 : index
    %get3A_30 = vector.load %arg7[%get3A_28, %get3A_29] : memref<1x512xf32, #tpu.memory_space<vmem>>, vector<1x512xf32>
    %add3A_31 = vector.broadcast %get3A_30 : vector<1x512xf32> to vector<2000x512xf32>
    %add3A_32 = arith.addf %add3A_27, %add3A_31 : vector<2000x512xf32>
    %swap3A = arith.constant 0 : index
    %swap3A_33 = arith.constant 0 : index
    %swap3A_34 = vector.load %arg8[%swap3A, %swap3A_33] : memref<2000x512xf32, #tpu.memory_space<vmem>>, vector<2000x512xf32>
    tpu.vector_store %arg8[%swap3A, %swap3A_33], %add3A_32 {strides = array<i32>} : memref<2000x512xf32, #tpu.memory_space<vmem>>, vector<2000x512xf32>,
    %eq3A = arith.constant 0 : i32
    %eq3A_35 = arith.cmpi eq, %arg0, %eq3A : i32
    %convert_element_type3A = arith.extui %eq3A_35 : i1 to i32
    %cond3A = arith.constant 0 : i32
    %cond3A_36 = arith.cmpi ne, %convert_element_type3A, %cond3A : i32
    scf.if %cond3A_36 {
      %broadcast_in_dim3A_56 = arith.constant 0.000000e+00 : f32
      %broadcast_in_dim3A_57 = vector.broadcast %broadcast_in_dim3A_56 : f32 to vector<1x512xf32>
      %swap3A_58 = arith.constant 0 : index
      %swap3A_59 = arith.constant 0 : index
      %swap3A_60 = vector.load %arg9[%swap3A_58, %swap3A_59] : memref<1x512xf32, #tpu.memory_space<vmem>>, vector<1x512xf32>
      tpu.vector_store %arg9[%swap3A_58, %swap3A_59], %broadcast_in_dim3A_57 {strides = array<i32>} : memref<1x512xf32, #tpu.memory_space<vmem>>, vector<1x512xf32>,
      %broadcast_in_dim3A_61 = arith.constant 0.000000e+00 : f32
      %broadcast_in_dim3A_62 = vector.broadcast %broadcast_in_dim3A_61 : f32 to vector<1x512xf32>
      %swap3A_63 = arith.constant 0 : index
      %swap3A_64 = arith.constant 0 : index
      %swap3A_65 = vector.load %arg10[%swap3A_63, %swap3A_64] : memref<1x512xf32, #tpu.memory_space<vmem>>, vector<1x512xf32>
      tpu.vector_store %arg10[%swap3A_63, %swap3A_64], %broadcast_in_dim3A_62 {strides = array<i32>} : memref<1x512xf32, #tpu.memory_space<vmem>>, vector<1x512xf32>,
    } else {
    }
    %get3A_37 = arith.constant 0 : index
    %get3A_38 = arith.constant 0 : index
    %get3A_39 = vector.load %arg9[%get3A_37, %get3A_38] : memref<1x512xf32, #tpu.memory_space<vmem>>, vector<1x512xf32>
    %reduce_sum3A = arith.constant dense<0.000000e+00> : vector<512xf32>
    %reduce_sum3A_40 = vector.multi_reduction <add>, %add3A_32, %reduce_sum3A [0] : vector<2000x512xf32> to vector<512xf32>
    %broadcast_in_dim3A = vector.shape_cast %reduce_sum3A_40 : vector<512xf32> to vector<1x512xf32>
    %add3A_41 = arith.addf %get3A_39, %broadcast_in_dim3A : vector<1x512xf32>
    %swap3A_42 = arith.constant 0 : index
    %swap3A_43 = arith.constant 0 : index
    %swap3A_44 = vector.load %arg9[%swap3A_42, %swap3A_43] : memref<1x512xf32, #tpu.memory_space<vmem>>, vector<1x512xf32>
    tpu.vector_store %arg9[%swap3A_42, %swap3A_43], %add3A_41 {strides = array<i32>} : memref<1x512xf32, #tpu.memory_space<vmem>>, vector<1x512xf32>,
    %get3A_45 = arith.constant 0 : index
    %get3A_46 = arith.constant 0 : index
    %get3A_47 = vector.load %arg10[%get3A_45, %get3A_46] : memref<1x512xf32, #tpu.memory_space<vmem>>, vector<1x512xf32>
    %mul3A_48 = arith.mulf %add3A_32, %add3A_32 : vector<2000x512xf32>
    %reduce_sum3A_49 = arith.constant dense<0.000000e+00> : vector<512xf32>
    %reduce_sum3A_50 = vector.multi_reduction <add>, %mul3A_48, %reduce_sum3A_49 [0] : vector<2000x512xf32> to vector<512xf32>
    %broadcast_in_dim3A_51 = vector.shape_cast %reduce_sum3A_50 : vector<512xf32> to vector<1x512xf32>
    %add3A_52 = arith.addf %get3A_47, %broadcast_in_dim3A_51 : vector<1x512xf32>
    %swap3A_53 = arith.constant 0 : index
    %swap3A_54 = arith.constant 0 : index
    %swap3A_55 = vector.load %arg10[%swap3A_53, %swap3A_54] : memref<1x512xf32, #tpu.memory_space<vmem>>, vector<1x512xf32>
    tpu.vector_store %arg10[%swap3A_53, %swap3A_54], %add3A_52 {strides = array<i32>} : memref<1x512xf32, #tpu.memory_space<vmem>>, vector<1x512xf32>,
    return
  }
  func.func @transform_0(%arg0: i32) -> (i32, i32) {
    %c0_i32 = arith.constant 0 : i32
    %c0_i32_0 = arith.constant 0 : i32
    %c0_i32_1 = arith.constant 0 : i32
    return %c0_i32, %c0_i32_0 : i32, i32
  }
  func.func @transform_1(%arg0: i32) -> (i32, i32) {
    %c0_i32 = arith.constant 0 : i32
    %c0_i32_0 = arith.constant 0 : i32
    return %arg0, %c0_i32 : i32, i32
  }
  func.func @transform_2(%arg0: i32) -> (i32, i32) {
    %add3A = arith.constant 5 : i32
    %add3A_0 = arith.addi %add3A, %arg0 : i32
    %c0_i32 = arith.constant 0 : i32
    %c0_i32_1 = arith.constant 0 : i32
    return %add3A_0, %c0_i32 : i32, i32
  }
  func.func @transform_3(%arg0: i32) -> (i32, i32) {
    %c0_i32 = arith.constant 0 : i32
    %c0_i32_0 = arith.constant 0 : i32
    return %arg0, %c0_i32 : i32, i32
  }
  func.func @transform_4(%arg0: i32) -> (i32, i32) {
    %add3A = arith.constant 5 : i32
    %add3A_0 = arith.addi %add3A, %arg0 : i32
    %c0_i32 = arith.constant 0 : i32
    %c0_i32_1 = arith.constant 0 : i32
    return %add3A_0, %c0_i32 : i32, i32
  }
  func.func @transform_5(%arg0: i32) -> (i32, i32) {
    %c0_i32 = arith.constant 0 : i32
    %c0_i32_0 = arith.constant 0 : i32
    %c0_i32_1 = arith.constant 0 : i32
    return %c0_i32, %c0_i32_0 : i32, i32
  }
  func.func @transform_6(%arg0: i32) -> (i32, i32) {
    %c0_i32 = arith.constant 0 : i32
    %c0_i32_0 = arith.constant 0 : i32
    %c0_i32_1 = arith.constant 0 : i32
    return %c0_i32, %c0_i32_0 : i32, i32
  }
  func.func @transform_7(%arg0: i32) -> (i32, i32) {
    %c0_i32 = arith.constant 0 : i32
    %c0_i32_0 = arith.constant 0 : i32
    return %arg0, %c0_i32 : i32, i32
  }
  func.func @transform_8(%arg0: i32) -> (i32, i32) {
    %c0_i32 = arith.constant 0 : i32
    %c0_i32_0 = arith.constant 0 : i32
    %c0_i32_1 = arith.constant 0 : i32
    return %c0_i32, %c0_i32_0 : i32, i32
  }
  func.func @transform_9(%arg0: i32) -> (i32, i32) {
    %c0_i32 = arith.constant 0 : i32
    %c0_i32_0 = arith.constant 0 : i32
    %c0_i32_1 = arith.constant 0 : i32
    return %c0_i32, %c0_i32_0 : i32, i32
  }
}

module attributes {stable_mosaic.version = 14 : i64} {
  func.func @body(%arg0: i32, %arg1: memref<2000x256xf32, #tpu.memory_space<vmem>>, %arg2: memref<1x256xf32, #tpu.memory_space<vmem>>, %arg3: memref<1x256xf32, #tpu.memory_space<vmem>>, %arg4: memref<1x256xf32, #tpu.memory_space<vmem>>, %arg5: memref<1x256xf32, #tpu.memory_space<vmem>>, %arg6: memref<1x1x2000xi32, #tpu.memory_space<vmem>>, %arg7: memref<64x256xf32, #tpu.memory_space<vmem>>) attributes {dimension_semantics = [#tpu.dimension_semantics<arbitrary>], iteration_bounds = array<i64: 5>, scalar_prefetch = 0 : i64, scratch_operands = 0 : i64, tpu.core_type = #tpu.core_type<tc>, window_params = [{transform_indices = @transform_0, window_bounds = array<i64: 2000, 256>}, {pipeline_mode = #tpu.pipeline_mode<synchronous>, transform_indices = @transform_1, window_bounds = array<i64: 1, 256>}, {pipeline_mode = #tpu.pipeline_mode<synchronous>, transform_indices = @transform_2, window_bounds = array<i64: 1, 256>}, {pipeline_mode = #tpu.pipeline_mode<synchronous>, transform_indices = @transform_3, window_bounds = array<i64: 1, 256>}, {pipeline_mode = #tpu.pipeline_mode<synchronous>, transform_indices = @transform_4, window_bounds = array<i64: 1, 256>}, {transform_indices = @transform_5, window_bounds = array<i64: 1, 1, 2000>}, {pipeline_mode = #tpu.pipeline_mode<synchronous>, transform_indices = @transform_6, window_bounds = array<i64: 64, 256>}]} {
    %get3A = arith.constant 0 : index
    %get3A_0 = arith.constant 0 : index
    %get3A_1 = vector.load %arg2[%get3A, %get3A_0] : memref<1x256xf32, #tpu.memory_space<vmem>>, vector<1x256xf32>
    %div3A = arith.constant 1.000000e+04 : f32
    %div3A_2 = vector.broadcast %div3A : f32 to vector<1x256xf32>
    %div3A_3 = arith.divf %get3A_1, %div3A_2 : vector<1x256xf32>
    %get3A_4 = arith.constant 0 : index
    %get3A_5 = arith.constant 0 : index
    %get3A_6 = vector.load %arg3[%get3A_4, %get3A_5] : memref<1x256xf32, #tpu.memory_space<vmem>>, vector<1x256xf32>
    %div3A_7 = arith.constant 1.000000e+04 : f32
    %div3A_8 = vector.broadcast %div3A_7 : f32 to vector<1x256xf32>
    %div3A_9 = arith.divf %get3A_6, %div3A_8 : vector<1x256xf32>
    %mul3A = arith.mulf %div3A_3, %div3A_3 : vector<1x256xf32>
    %sub3A = arith.subf %div3A_9, %mul3A : vector<1x256xf32>
    %get3A_10 = arith.constant 0 : index
    %get3A_11 = arith.constant 0 : index
    %get3A_12 = vector.load %arg4[%get3A_10, %get3A_11] : memref<1x256xf32, #tpu.memory_space<vmem>>, vector<1x256xf32>
    %add3A = arith.constant 9.99999974E-6 : f32
    %add3A_13 = vector.broadcast %add3A : f32 to vector<1x256xf32>
    %add3A_14 = arith.addf %sub3A, %add3A_13 : vector<1x256xf32>
    %rsqrt3A = math.rsqrt %add3A_14 : vector<1x256xf32>
    %mul3A_15 = arith.mulf %get3A_12, %rsqrt3A : vector<1x256xf32>
    %get3A_16 = arith.constant 0 : index
    %get3A_17 = arith.constant 0 : index
    %get3A_18 = vector.load %arg5[%get3A_16, %get3A_17] : memref<1x256xf32, #tpu.memory_space<vmem>>, vector<1x256xf32>
    %mul3A_19 = arith.mulf %div3A_3, %mul3A_15 : vector<1x256xf32>
    %sub3A_20 = arith.subf %get3A_18, %mul3A_19 : vector<1x256xf32>
    %get3A_21 = arith.constant 0 : index
    %get3A_22 = arith.constant 0 : index
    %get3A_23 = vector.load %arg1[%get3A_21, %get3A_22] : memref<2000x256xf32, #tpu.memory_space<vmem>>, vector<2000x256xf32>
    %mul3A_24 = vector.broadcast %mul3A_15 : vector<1x256xf32> to vector<2000x256xf32>
    %mul3A_25 = arith.mulf %get3A_23, %mul3A_24 : vector<2000x256xf32>
    %add3A_26 = vector.broadcast %sub3A_20 : vector<1x256xf32> to vector<2000x256xf32>
    %add3A_27 = arith.addf %mul3A_25, %add3A_26 : vector<2000x256xf32>
    %max3A = arith.constant 0.000000e+00 : f32
    %max3A_28 = vector.broadcast %max3A : f32 to vector<2000x256xf32>
    %max3A_29 = arith.maximumf %add3A_27, %max3A_28 : vector<2000x256xf32>
    %iota3A = tpu.iota {dimensions = array<i32: 0>} : vector<64x2000xi32>
    %get3A_30 = arith.constant 0 : index
    %get3A_31 = arith.constant 0 : index
    %get3A_32 = arith.constant 0 : index
    %get3A_33 = vector.load %arg6[%get3A_30, %get3A_31, %get3A_32] : memref<1x1x2000xi32, #tpu.memory_space<vmem>>, vector<1x1x2000xi32>
    %get3A_34 = vector.shape_cast %get3A_33 : vector<1x1x2000xi32> to vector<1x2000xi32>
    %eq3A = vector.broadcast %get3A_34 : vector<1x2000xi32> to vector<64x2000xi32>
    %eq3A_35 = arith.cmpi eq, %iota3A, %eq3A : vector<64x2000xi32>
    %convert_element_type3A = arith.extui %eq3A_35 : vector<64x2000xi1> to vector<64x2000xi32>
    %convert_element_type3A_36 = arith.sitofp %convert_element_type3A : vector<64x2000xi32> to vector<64x2000xf32>
    %eq3A_37 = arith.constant 0 : i32
    %eq3A_38 = arith.cmpi eq, %arg0, %eq3A_37 : i32
    %convert_element_type3A_39 = arith.extui %eq3A_38 : i1 to i32
    %cond3A = arith.constant 0 : i32
    %cond3A_40 = arith.cmpi ne, %convert_element_type3A_39, %cond3A : i32
    scf.if %cond3A_40 {
      %broadcast_in_dim3A = arith.constant 0.000000e+00 : f32
      %broadcast_in_dim3A_48 = vector.broadcast %broadcast_in_dim3A : f32 to vector<64x256xf32>
      %swap3A_49 = arith.constant 0 : index
      %swap3A_50 = arith.constant 0 : index
      %swap3A_51 = vector.load %arg7[%swap3A_49, %swap3A_50] : memref<64x256xf32, #tpu.memory_space<vmem>>, vector<64x256xf32>
      tpu.vector_store %arg7[%swap3A_49, %swap3A_50], %broadcast_in_dim3A_48 {strides = array<i32>} : memref<64x256xf32, #tpu.memory_space<vmem>>, vector<64x256xf32>,
    } else {
    }
    %get3A_41 = arith.constant 0 : index
    %get3A_42 = arith.constant 0 : index
    %get3A_43 = vector.load %arg7[%get3A_41, %get3A_42] : memref<64x256xf32, #tpu.memory_space<vmem>>, vector<64x256xf32>
    %dot_general3A = arith.constant dense<0.000000e+00> : vector<64x256xf32>
    %dot_general3A_44 = tpu.matmul %convert_element_type3A_36, %max3A_29, %dot_general3A {dimension_numbers = #tpu.dot_dimension_numbers<[1], [0], [0], [1], [0, 0, 1, 1], [], []>, transpose_lhs_hint = false} : vector<64x2000xf32>, vector<2000x256xf32>, vector<64x256xf32> -> vector<64x256xf32>
    %add3A_45 = arith.addf %get3A_43, %dot_general3A_44 : vector<64x256xf32>
    %swap3A = arith.constant 0 : index
    %swap3A_46 = arith.constant 0 : index
    %swap3A_47 = vector.load %arg7[%swap3A, %swap3A_46] : memref<64x256xf32, #tpu.memory_space<vmem>>, vector<64x256xf32>
    tpu.vector_store %arg7[%swap3A, %swap3A_46], %add3A_45 {strides = array<i32>} : memref<64x256xf32, #tpu.memory_space<vmem>>, vector<64x256xf32>,
    return
  }
  func.func @transform_0(%arg0: i32) -> (i32, i32) {
    %c0_i32 = arith.constant 0 : i32
    %c0_i32_0 = arith.constant 0 : i32
    return %arg0, %c0_i32 : i32, i32
  }
  func.func @transform_1(%arg0: i32) -> (i32, i32) {
    %c0_i32 = arith.constant 0 : i32
    %c0_i32_0 = arith.constant 0 : i32
    %c0_i32_1 = arith.constant 0 : i32
    return %c0_i32, %c0_i32_0 : i32, i32
  }
  func.func @transform_2(%arg0: i32) -> (i32, i32) {
    %c0_i32 = arith.constant 0 : i32
    %c0_i32_0 = arith.constant 0 : i32
    %c0_i32_1 = arith.constant 0 : i32
    return %c0_i32, %c0_i32_0 : i32, i32
  }
  func.func @transform_3(%arg0: i32) -> (i32, i32) {
    %c0_i32 = arith.constant 0 : i32
    %c0_i32_0 = arith.constant 0 : i32
    %c0_i32_1 = arith.constant 0 : i32
    return %c0_i32, %c0_i32_0 : i32, i32
  }
  func.func @transform_4(%arg0: i32) -> (i32, i32) {
    %c0_i32 = arith.constant 0 : i32
    %c0_i32_0 = arith.constant 0 : i32
    %c0_i32_1 = arith.constant 0 : i32
    return %c0_i32, %c0_i32_0 : i32, i32
  }
  func.func @transform_5(%arg0: i32) -> (i32, i32, i32) {
    %c0_i32 = arith.constant 0 : i32
    %c0_i32_0 = arith.constant 0 : i32
    %c0_i32_1 = arith.constant 0 : i32
    return %arg0, %c0_i32, %c0_i32_0 : i32, i32, i32
  }
  func.func @transform_6(%arg0: i32) -> (i32, i32) {
    %c0_i32 = arith.constant 0 : i32
    %c0_i32_0 = arith.constant 0 : i32
    %c0_i32_1 = arith.constant 0 : i32
    return %c0_i32, %c0_i32_0 : i32, i32
  }
}

module attributes {stable_mosaic.version = 14 : i64} {
  func.func @body(%arg0: memref<64x256xf32, #tpu.memory_space<vmem>>, %arg1: memref<256x256xf32, #tpu.memory_space<vmem>>, %arg2: memref<1x256xf32, #tpu.memory_space<vmem>>, %arg3: memref<1x256xf32, #tpu.memory_space<vmem>>, %arg4: memref<1x256xf32, #tpu.memory_space<vmem>>, %arg5: memref<256x64xf32, #tpu.memory_space<vmem>>, %arg6: memref<1x64xf32, #tpu.memory_space<vmem>>, %arg7: memref<64x64xf32, #tpu.memory_space<vmem>>) attributes {dimension_semantics = [], scalar_prefetch = 0 : i64, scratch_operands = 0 : i64, tpu.core_type = #tpu.core_type<tc>} {
    %get3A = arith.constant 0 : index
    %get3A_0 = arith.constant 0 : index
    %get3A_1 = vector.load %arg0[%get3A, %get3A_0] : memref<64x256xf32, #tpu.memory_space<vmem>>, vector<64x256xf32>
    %get3A_2 = arith.constant 0 : index
    %get3A_3 = arith.constant 0 : index
    %get3A_4 = vector.load %arg1[%get3A_2, %get3A_3] : memref<256x256xf32, #tpu.memory_space<vmem>>, vector<256x256xf32>
    %dot_general3A = arith.constant dense<0.000000e+00> : vector<64x256xf32>
    %dot_general3A_5 = tpu.matmul %get3A_1, %get3A_4, %dot_general3A {dimension_numbers = #tpu.dot_dimension_numbers<[1], [0], [0], [1], [0, 0, 1, 1], [], []>, transpose_lhs_hint = false} : vector<64x256xf32>, vector<256x256xf32>, vector<64x256xf32> -> vector<64x256xf32>
    %get3A_6 = arith.constant 0 : index
    %get3A_7 = arith.constant 0 : index
    %get3A_8 = vector.load %arg2[%get3A_6, %get3A_7] : memref<1x256xf32, #tpu.memory_space<vmem>>, vector<1x256xf32>
    %add3A = vector.broadcast %get3A_8 : vector<1x256xf32> to vector<64x256xf32>
    %add3A_9 = arith.addf %dot_general3A_5, %add3A : vector<64x256xf32>
    %reduce_sum3A = arith.constant dense<0.000000e+00> : vector<256xf32>
    %reduce_sum3A_10 = vector.multi_reduction <add>, %add3A_9, %reduce_sum3A [0] : vector<64x256xf32> to vector<256xf32>
    %broadcast_in_dim3A = vector.shape_cast %reduce_sum3A_10 : vector<256xf32> to vector<1x256xf32>
    %div3A = arith.constant 6.400000e+01 : f32
    %div3A_11 = vector.broadcast %div3A : f32 to vector<1x256xf32>
    %div3A_12 = arith.divf %broadcast_in_dim3A, %div3A_11 : vector<1x256xf32>
    %mul3A = arith.mulf %add3A_9, %add3A_9 : vector<64x256xf32>
    %reduce_sum3A_13 = arith.constant dense<0.000000e+00> : vector<256xf32>
    %reduce_sum3A_14 = vector.multi_reduction <add>, %mul3A, %reduce_sum3A_13 [0] : vector<64x256xf32> to vector<256xf32>
    %broadcast_in_dim3A_15 = vector.shape_cast %reduce_sum3A_14 : vector<256xf32> to vector<1x256xf32>
    %div3A_16 = arith.constant 6.400000e+01 : f32
    %div3A_17 = vector.broadcast %div3A_16 : f32 to vector<1x256xf32>
    %div3A_18 = arith.divf %broadcast_in_dim3A_15, %div3A_17 : vector<1x256xf32>
    %mul3A_19 = arith.mulf %div3A_12, %div3A_12 : vector<1x256xf32>
    %sub3A = arith.subf %div3A_18, %mul3A_19 : vector<1x256xf32>
    %get3A_20 = arith.constant 0 : index
    %get3A_21 = arith.constant 0 : index
    %get3A_22 = vector.load %arg3[%get3A_20, %get3A_21] : memref<1x256xf32, #tpu.memory_space<vmem>>, vector<1x256xf32>
    %sub3A_23 = vector.broadcast %div3A_12 : vector<1x256xf32> to vector<64x256xf32>
    %sub3A_24 = arith.subf %add3A_9, %sub3A_23 : vector<64x256xf32>
    %mul3A_25 = vector.broadcast %get3A_22 : vector<1x256xf32> to vector<64x256xf32>
    %mul3A_26 = arith.mulf %mul3A_25, %sub3A_24 : vector<64x256xf32>
    %add3A_27 = arith.constant 9.99999974E-6 : f32
    %add3A_28 = vector.broadcast %add3A_27 : f32 to vector<1x256xf32>
    %add3A_29 = arith.addf %sub3A, %add3A_28 : vector<1x256xf32>
    %rsqrt3A = math.rsqrt %add3A_29 : vector<1x256xf32>
    %mul3A_30 = vector.broadcast %rsqrt3A : vector<1x256xf32> to vector<64x256xf32>
    %mul3A_31 = arith.mulf %mul3A_26, %mul3A_30 : vector<64x256xf32>
    %get3A_32 = arith.constant 0 : index
    %get3A_33 = arith.constant 0 : index
    %get3A_34 = vector.load %arg4[%get3A_32, %get3A_33] : memref<1x256xf32, #tpu.memory_space<vmem>>, vector<1x256xf32>
    %add3A_35 = vector.broadcast %get3A_34 : vector<1x256xf32> to vector<64x256xf32>
    %add3A_36 = arith.addf %mul3A_31, %add3A_35 : vector<64x256xf32>
    %max3A = arith.constant 0.000000e+00 : f32
    %max3A_37 = vector.broadcast %max3A : f32 to vector<64x256xf32>
    %max3A_38 = arith.maximumf %add3A_36, %max3A_37 : vector<64x256xf32>
    %get3A_39 = arith.constant 0 : index
    %get3A_40 = arith.constant 0 : index
    %get3A_41 = vector.load %arg5[%get3A_39, %get3A_40] : memref<256x64xf32, #tpu.memory_space<vmem>>, vector<256x64xf32>
    %dot_general3A_42 = arith.constant dense<0.000000e+00> : vector<64x64xf32>
    %dot_general3A_43 = tpu.matmul %max3A_38, %get3A_41, %dot_general3A_42 {dimension_numbers = #tpu.dot_dimension_numbers<[1], [0], [0], [1], [0, 0, 1, 1], [], []>, transpose_lhs_hint = false} : vector<64x256xf32>, vector<256x64xf32>, vector<64x64xf32> -> vector<64x64xf32>
    %get3A_44 = arith.constant 0 : index
    %get3A_45 = arith.constant 0 : index
    %get3A_46 = vector.load %arg6[%get3A_44, %get3A_45] : memref<1x64xf32, #tpu.memory_space<vmem>>, vector<1x64xf32>
    %add3A_47 = vector.broadcast %get3A_46 : vector<1x64xf32> to vector<64x64xf32>
    %add3A_48 = arith.addf %dot_general3A_43, %add3A_47 : vector<64x64xf32>
    %reduce_max3A = arith.constant dense<0xFF800000> : vector<64xf32>
    %reduce_max3A_49 = vector.multi_reduction <maximumf>, %add3A_48, %reduce_max3A [1] : vector<64x64xf32> to vector<64xf32>
    %broadcast_in_dim3A_50 = vector.shape_cast %reduce_max3A_49 : vector<64xf32> to vector<64x1xf32>
    %sub3A_51 = vector.broadcast %broadcast_in_dim3A_50 : vector<64x1xf32> to vector<64x64xf32>
    %sub3A_52 = arith.subf %add3A_48, %sub3A_51 : vector<64x64xf32>
    %exp3A = math.exp %sub3A_52 : vector<64x64xf32>
    %reduce_sum3A_53 = arith.constant dense<0.000000e+00> : vector<64xf32>
    %reduce_sum3A_54 = vector.multi_reduction <add>, %exp3A, %reduce_sum3A_53 [1] : vector<64x64xf32> to vector<64xf32>
    %broadcast_in_dim3A_55 = vector.shape_cast %reduce_sum3A_54 : vector<64xf32> to vector<64x1xf32>
    %log3A = math.log %broadcast_in_dim3A_55 : vector<64x1xf32>
    %add3A_56 = arith.addf %broadcast_in_dim3A_50, %log3A : vector<64x1xf32>
    %sub3A_57 = vector.broadcast %add3A_56 : vector<64x1xf32> to vector<64x64xf32>
    %sub3A_58 = arith.subf %add3A_48, %sub3A_57 : vector<64x64xf32>
    %swap3A = arith.constant 0 : index
    %swap3A_59 = arith.constant 0 : index
    %swap3A_60 = vector.load %arg7[%swap3A, %swap3A_59] : memref<64x64xf32, #tpu.memory_space<vmem>>, vector<64x64xf32>
    tpu.vector_store %arg7[%swap3A, %swap3A_59], %sub3A_58 {strides = array<i32>} : memref<64x64xf32, #tpu.memory_space<vmem>>, vector<64x64xf32>,
    return
  }
}

</mosaic_0001>

<sc_bundles>
// kernel: kernel.15.cloned.1.call-start
scs
__scs_entry_jumppad:
0x0: {  	(pc) =	sbr.rel $0x88, $3  }
0x1: {  	(tag) =	ssettag $0x0;
	lr =	simm.s32 $0x1  }
0x2: {  	[smem:$0x3F7F] =	sst lr;
	_ =	strace $0xD0000000  }
0x3: {  	_ = 	snop  }
0x4: {  	_ = 	snop  }
0x5: {  	_ = 	snop  }
0x6: {  	_ = 	snop  }
0x7: {  	_ = 	snop  }
__scs_overlays_trampoline_lowered:
0x8: {  	[smem:$0x3F8E] =	sst s0  }
0x9: {  	[smem:$0x3F8F] =	sst s1  }
0xa: {  	[smem:$0x3F90] =	sst s2  }
0xb: {  	[smem:$0x3F91] =	sst s3  }
0xc: {  	[smem:$0x3F92] =	sst s4  }
0xd: {  	[smem:$0x3F93] =	sst s5  }
0xe: {  	[smem:$0x3F94] =	sst s6  }
0xf: {  	[smem:$0x3F95] =	sst s7  }
0x10: {  	[smem:$0x3F96] =	sst s8  }
0x11: {  	[smem:$0x3F97] =	sst s9;
	s0 =	simm.s32 @!p0 $0x0  }
0x12: {  	s1 =	sld [smem:$0x3F7D];
	s0 =	simm.s32 @p0 $0x1  }
0x13: {  	[smem:$0x3F98] =	sst s0;
	s0 =	simm.s32 @!p1 $0x0  }
0x14: {  	s2 =	sld [smem:$0x3F7C];
	s0 =	simm.s32 @p1 $0x1  }
0x15: {  	[smem:$0x3F99] =	sst s0;
	s0 =	simm.s32 @!p2 $0x0  }
0x16: {  	s3 =	sld [smem:$0x3FDB];
	s0 =	simm.s32 @p2 $0x1  }
0x17: {  	s4 =	simm.s32 $0x1BF5;
	[smem:$0x3F9B] =	sst s0  }
0x18: {  	s0 =	sld [smem:$0x3F7E];
	_ =	swait.ge [sflag:s4], $0x0  }
0x19: {  	s7 =	sld [smem:$0x3F7F]  }
0x1a: {  	s8 =	sadd.s32 $0xFFFFE003, lr  }
0x1b: {  	s9 =	sadd.s32 $0xFFFFFEF7, lr;
	s5 =	simm.s32 $0xFFFFFFFF;
	p2 =	slt.u32 s8, $0xFFFFF086  }
0x1c: {  	p1 =	slt.u32 s9, $0xF7A;
	s5 =	simm.s32 @!p2 $0x0  }
0x1d: {  	s5 =	simm.s32 @p1 $0x1;
	p0 =	seq.s32 s7, s2  }
0x1e: {  	s7 =	smul.u32 @!p0 $0xF7A, s2;
	p2 =	seq.s32 @!p0 s5, $0x0  }
0x1f: {  	s9 =	smul.u32 $0xF7A, s1;
	s8 =	simm.s32 @!p0 $0x1BF5;
	p2 =	por !p2, p0  }
0x20: {  	[sflag:s8] =	ssyncset.s32 @!p0 $0xFFFFF086;
	s6 =	sadd.s32 @!p0 s3, s7;
	s7 =	simm.s32 @!p0 $0x108  }
0x21: {  	s3 =	sadd.s32 s3, s9;
	s6 =	sadd.s32 @!p0 $0x88, s6;
	s7 =	simm.s32 @p2 $0x1082  }
0x22: {  	[simem:s7], [sflag:s8] =	dma.local @!p0 [hbm:s6], $0xF7A  }
0x23: {  	s9 =	sor.u32 $0xD0000000, s2;
	s6 =	simm.s32 $0x108;
	_ =	swait.ge @!p0 [sflag:s8], $0x0  }
0x24: {  	s3 =	sadd.s32 $0x88, s3;
	s6 =	simm.s32 @!p1 $0x1082;
	[sflag:s4] =	ssyncset.s32 $0xFFFFF086  }
0x25: {  	[simem:s6], [sflag:s4] =	dma.local [hbm:s3], $0xF7A  }
0x26: {  	[smem:$0x3F7F] =	sst s1;
	(tag) =	ssettag s2;
	_ =	strace s9  }
0x27: {  	s1 =	sld [smem:$0x3F8F]  }
0x28: {  	s2 =	sld [smem:$0x3F90]  }
0x29: {  	s4 =	sld [smem:$0x3F92]  }
0x2a: {  	p0 =	seq.s32 s5, $0x0;
	s5 =	sld [smem:$0x3F93]  }
0x2b: {  	s6 =	sld [smem:$0x3F94]  }
0x2c: {  	s7 =	sld [smem:$0x3F95]  }
0x2d: {  	s3 =	simm.s32 $0x108;
	s8 =	sld [smem:$0x3F96]  }
0x2e: {  	s3 =	simm.s32 @!p0 $0x1082;
	s9 =	sld [smem:$0x3F97]  }
0x2f: {  	lr =	sadd.s32 s0, s3;
	s0 =	sld [smem:$0x3F8E]  }
0x30: {  	s3 =	sld [smem:$0x3F91]  }
0x31: {  	[smem:$0x3F9A] =	sst s10  }
0x32: {  	s10 =	sld [smem:$0x3F98];
	_ =	sdelay $0x3  }
0x33: {  	p0 =	seq.s32 s10, $0x1;
	s10 =	sld [smem:$0x3F9A];
	_ =	sdelay $0x3  }
0x34: {  	[smem:$0x3F9A] =	sst s10  }
0x35: {  	s10 =	sld [smem:$0x3F99];
	_ =	sdelay $0x3  }
0x36: {  	p1 =	seq.s32 s10, $0x1;
	s10 =	sld [smem:$0x3F9A];
	_ =	sdelay $0x3  }
0x37: {  	[smem:$0x3F9A] =	sst s10  }
0x38: {  	s10 =	sld [smem:$0x3F9B]  }
0x39: {  	_ = 	snop;
	(pc) =	sbr.ind lr, $3  }
0x3a: {  	_ = 	snop  }
0x3b: {  	_ = 	snop  }
0x3c: {  	p2 =	seq.s32 s10, $0x1;
	s10 =	sld [smem:$0x3F9A]  }
0x3d: {  	_ =	shalt  }
0x3e: {  	_ =	shalt  }
0x3f: {  	_ =	shalt  }
0x40: {  	_ =	shalt  }
0x41: {  	_ =	shalt  }
0x42: {  	_ =	shalt  }
0x43: {  	_ =	shalt  }
0x44: {  	_ =	shalt  }
0x45: {  	_ =	shalt  }
0x46: {  	_ =	shalt  }
0x47: {  	_ =	shalt  }
0x48: {  	_ =	shalt  }
0x49: {  	_ =	shalt  }
0x4a: {  	_ =	shalt  }
0x4b: {  	_ =	shalt  }
0x4c: {  	_ =	shalt  }
0x4d: {  	_ =	shalt  }
0x4e: {  	_ =	shalt  }
0x4f: {  	_ =	shalt  }
0x50: {  	_ =	shalt  }
0x51: {  	_ =	shalt  }
0x52: {  	_ =	shalt  }
0x53: {  	_ =	shalt  }
0x54: {  	_ =	shalt  }
0x55: {  	_ =	shalt  }
0x56: {  	_ =	shalt  }
0x57: {  	_ =	shalt  }
0x58: {  	_ =	shalt  }
0x59: {  	_ =	shalt  }
0x5a: {  	_ =	shalt  }
0x5b: {  	_ =	shalt  }
0x5c: {  	_ =	shalt  }
0x5d: {  	_ =	shalt  }
0x5e: {  	_ =	shalt  }
0x5f: {  	_ =	shalt  }
0x60: {  	_ =	shalt  }
0x61: {  	_ =	shalt  }
0x62: {  	_ =	shalt  }
0x63: {  	_ =	shalt  }
0x64: {  	_ =	shalt  }
0x65: {  	_ =	shalt  }
0x66: {  	_ =	shalt  }
0x67: {  	_ =	shalt  }
0x68: {  	_ =	shalt  }
0x69: {  	_ =	shalt  }
0x6a: {  	_ =	shalt  }
0x6b: {  	_ =	shalt  }
0x6c: {  	_ =	shalt  }
0x6d: {  	_ =	shalt  }
0x6e: {  	_ =	shalt  }
0x6f: {  	_ =	shalt  }
0x70: {  	_ =	shalt  }
0x71: {  	_ =	shalt  }
0x72: {  	_ =	shalt  }
0x73: {  	_ =	shalt  }
0x74: {  	_ =	shalt  }
0x75: {  	_ =	shalt  }
0x76: {  	_ =	shalt  }
0x77: {  	_ =	shalt  }
0x78: {  	_ =	shalt  }
0x79: {  	_ =	shalt  }
0x7a: {  	_ =	shalt  }
0x7b: {  	_ =	shalt  }
0x7c: {  	_ =	shalt  }
0x7d: {  	_ =	shalt  }
0x7e: {  	_ =	shalt  }
0x7f: {  	_ =	shalt  }
0x80: {  	_ =	shalt  }
0x81: {  	_ =	shalt  }
0x82: {  	_ =	shalt  }
0x83: {  	_ =	shalt  }
0x84: {  	_ =	shalt  }
0x85: {  	_ =	shalt  }
0x86: {  	_ =	shalt  }
0x87: {  	_ =	shalt  }
.Lfunc_end0:
.L_simem_size_0:
called_computation_lowered:
.L_overlay_start_0:
0x88: {  	s2 =	sld [smem:$0x3FD9]  }
0x89: {  	s3 =	sld [smem:$0x3FFE];
	_ =	sdelay $0x1  }
0x8a: {  	s1 =	srdreg.scid  }
0x8b: {  	s0 =	sand.u32 $0x1, s1  }
0x8c: {  	s17 =	sshll.u32 s0, $0xA;
	s2 =	sadd.s32 s3, s2  }
0x8d: {  	s2 =	sadd.s32 s2, s17  }
0x8e: {  	[smem:$0x3FA6] =	sst s2  }
0x8f: {  	_ = 	snop  }
0x90: {  	s2 =	sld [smem:$0x3FC9];
	(tm) =	ssettm $0x1  }
0x91: {  	s18 =	sld [smem:$0x3FFB];
	_ =	sdelay $0x3  }
0x92: {  	_ =	strace s18  }
0x93: {  	s3 =	sld [smem:$0x3FFC];
	_ =	sdelay $0x3  }
0x94: {  	_ =	strace s3  }
0x95: {  	s3 =	sld [smem:$0x3FFD];
	_ =	sdelay $0x3  }
0x96: {  	_ =	strace s3  }
0x97: {  	_ =	strace $0x8FFFFFFF  }
0x98: {  	s19 =	sld [smem:$0x3FDB];
	_ =	sdelay $0x1  }
0x99: {  	s4 =	simm.s32 $_scs_section_size  }
0x9a: {  	s5 =	simm.s32 $_size__tile_overlayer_lowered;
	s6 =	simm.s32 $_tile_overlayer_lowered  }
0x9b: {  	s22 =	simm.s32 $0x1BFF;
	s21 =	sshll.u32 s6, $0x1;
	s3 =	sadd.s32 s4, s19  }
0x9c: {  	s7 =	simm.s32 $0x0;
	s20 =	sshll.u32 s5, $0x1;
	s5 =	sadd.s32 s21, s3  }
0x9d: {  	[timem:s7], [sflag:s22] =	dma.local [hbm:s5], s20  }
0x9e: {  	_ =	swait.ge [sflag:s22], s20  }
0x9f: {  	s4 =	ssub.s32 $0x0, s20;
	[sflag:s22] =	ssyncset.done $0x0  }
0xa0: {  	[sflag:s22] =	ssyncadd.s32 s4;
	_ =	sdelay $0x1  }
0xa1: {  	s23 =	simm.s32 $0x1B8B  }
0xa2: {  	_ =	swait.ge [sflag:s23], $0x1  }
0xa3: {  	[sflag:s23] =	ssyncset.done $0x0  }
0xa4: {  	s25 =	simm.s32 $0x1B8E;
	s24 =	sld [smem:$0x3FFE];
	[sflag:s23] =	ssyncadd.s32 $0xFFFFFFFF  }
0xa5: {  	s26 =	simm.s32 $execute0_lowered;
	[smem:$0x3FD2] =	sst s25  }
0xa6: {  	s5 =	sshll.u32 s26, $0x1;
	_ =	strace $0x80000046;
	[dreg:$0x1] =	wrdreg $0xFFFFFFFF  }
0xa7: {  	s28 =	simm.s32 $_size_execute0_lowered;
	s3 =	sadd.s32 s3, s5;
	[dreg:$0x0] =	wrdreg $0x0  }
0xa8: {  	s5 =	sshll.u32 s28, $0x1;
	[dreg:$0x2] =	wrdreg s3  }
0xa9: {  	[dreg:$0x3] =	wrdreg s5  }
0xaa: {  	[dreg:$0x4] =	wrdreg $0xC0  }
0xab: {  	_ =	task [dreg:s7], $0x5FFFF  }
0xac: {  	[dreg:$0x1] =	wrdreg $0xFFFFFFFF  }
0xad: {  	[dreg:$0x0] =	wrdreg $0x60  }
0xae: {  	[dreg:$0x2] =	wrdreg s24  }
0xaf: {  	[dreg:$0x3] =	wrdreg s2  }
0xb0: {  	[dreg:$0x4] =	wrdreg $0x82000  }
0xb1: {  	[dreg:$0x5] =	wrdreg $0x9  }
0xb2: {  	_ =	task.clear_ibuf [dreg:s7], $0x6FFFF;
	_ =	strace $0x90000046  }
0xb3: {  	s29 =	simm.s32 $0x9;
	_ =	strace $0x80000048  }
0xb4: {  	_ =	swait.ge [sflag:s29], $0x1  }
0xb5: {  	[sflag:s29] =	ssyncadd.s32 $0xFFFFFFFF  }
0xb6: {  	_ =	strace $0x90000048  }
0xb7: {  	_ =	sfence  }
0xb8: {  	s30 =	sld [smem:$0x0];
	_ =	sdelay $0x2  }
0xb9: {  	s31 =	sshll.u32 s1, $0xD;
	s1 =	sshrl.u32 s1, $0x2  }
0xba: {  	s3 =	sand.u32 $0x4000, s31;
	s1 =	sadd.s32 s1, s30  }
0xbb: {  	s0 =	sor.u32 s3, s0;
	s1 =	sshll.u32 s1, $0x11  }
0xbc: {  	s0 =	sor.u32 s1, s0  }
0xbd: {  	s0 =	sadd.s32 $0x8F2B, s0  }
0xbe: {  	[sflag:s0] =	ssyncadd.remote.s32 $0x1  }
0xbf: {  	_ =	sfence.sel $0xFFFF  }
0xc0: {  	[dreg:$0x0] =	wrdreg $0xFFFFFFFF;
	(pc) =	sbr.abs _section_cstart, $3  }
0xc1: {  	[dreg:$0x1] =	wrdreg $0xFFFFFFFF  }
0xc2: {  	_ =	task.clear_ibuf [dreg:s7], $0x2FFFF;
	_ =	strace $0x9FFFFFFF  }
0xc3: {  	(tm) =	ssettm $0x7FFFFFFF  }
tec
execute0_lowered:
.L_overlay_start_1:
0x0: {  	(tag) =	ssettag $0x1  }
0x1: {  	s5 =	rddreg [dreg:$0x0]  }
0x2: {  	s1 =	rddreg [dreg:$0x1]  }
0x3: {  	s2 =	rddreg [dreg:$0x2]  }
0x4: {  	s0 =	rddreg [dreg:$0x3]  }
0x5: {  	s3 =	simm.s32 $0x0;
	s6 =	srdreg.scid;
	s12 =	stileid.u32  }
0x6: {  	s18 =	simm.s32 $0x4200;
	s19 =	simm.s32 $0x1;
	s20 =	simm.s32 $0x2  }
0x7: {  	s21 =	simm.s32 $0x180;
	s22 =	simm.s32 $0x0;
	[smem:$0x7FF] =	sst s3  }
0x8: {  	s9 =	sadd.s32 $0x6200, s5;
	s4 =	sadd.s32 $0x1A200, s5;
	s24 =	smul.u32 $0x4E000, s12  }
0x9: {  	s7 =	sadd.s32 $0x1CA00, s5;
	s8 =	sand.u32 $0x1, s6;
	s13 =	smul.u32 $0x2700, s12  }
0xa: {  	s10 =	sshll.u32 s12, $0x1;
	s28 =	sshll.u32 s12, $0x6;
	s17 =	smul.u32 $0x1400, s12  }
0xb: {  	s15 =	sadd.s32 $0x138000, s2;
	p0 =	sne.s32 s12, $0x0;
	s29 =	smul.u32 $0x138800, s8  }
0xc: {  	_ =	strace $0x80000047;
	s23 =	ssub.s32 $0x2, s8;
	s16 =	smul.u32 $0x27100, s8  }
0xd: {  	s10 =	sor.u32 s8, s10;
	s5 =	sor.u32 $0x1C03, s28;
	s30 =	smul.u32 $0xA00, s8  }
0xe: {  	s11 =	sshrl.u32 s23, $0x1;
	s25 =	sshrl.u32 s24, $0x2;
	s26 =	smul.u32 $0xA00, s10  }
0xf: {  	s31 =	sadd.s32 s17, s9;
	s17 =	simm.s32 $0x100;
	s11 =	ssub.s32 s23, s11  }
0x10: {  	s14 =	sadd.s32 s25, s2;
	s10 =	sshrl.u32 s29, $0x3;
	s13 =	sadd.s32 s13, s16  }
0x11: {  	s16 =	simm.s32 $0x200;
	s6 =	sadd.s32 s9, s26;
	s10 =	sadd.s32 s7, s10  }
0x12: {  	s7 =	sadd.s32 s7, s13;
	s9 =	smax.u32 s11, $0x1;
	s11 =	sadd.s32 s30, s31  }
0x13: {  	s12 =	sshrl.u32 s14, $0x3;
	s13 =	simm.s32 $0x3;
	s14 =	sshrl.u32 @!p0 s15, $0x3  }
0x14: {  	s15 =	simm.s32 $0x80;
	s8 =	sadd.s32 $0x27000, s10;
	s10 =	sadd.s32 $0x9E0, s6  }
.LBB2_1:
0x15: {  	[spmem:s12], [sflag:s5] =	dma.local [hbm:s4], $0x2700  }
0x16: {  	_ =	swait.ge [sflag:s13], $0x2700  }
0x17: {  	[sflag:s13] =	ssyncset.done $0x0  }
0x18: {  	s23 =	simm.s32 @!p0 $0x3;
	[sflag:s13] =	ssyncadd.s32 $0xFFFFD900  }
0x19: {  	[spmem:s14], [sflag:s5] =	dma.local @!p0 [hbm:s4], $0x100  }
0x1a: {  	_ =	swait.ge @!p0 [sflag:s23], $0x100  }
0x1b: {  	[sflag:s23] =	ssyncset.done @!p0 $0x0  }
0x1c: {  	[sflag:s23] =	ssyncadd.s32 @!p0 $0xFFFFFF00  }
0x1d: {  	[bflag:$0x0] =	sbarrier.arrive $0xFFFF  }
0x1e: {  	[tilespmem:s3], [sflag:$0x3] =	stream.linear.gather [hbm4b:s6+s3], $0x100, $0x38;
	[tilespmem:$0x1BB00] =	vst v63  }
0x1f: {  	_ =	swait.ge [sflag:s13], $0x100  }
0x20: {  	[sflag:s13] =	ssyncset.done $0x0  }
0x21: {  	s31 =	sadd.s32 $0xFFFFF640, s11;
	[sflag:s13] =	ssyncadd.s32 $0xFFFFFF00  }
0x22: {  	[tilespmem:s16], [sflag:$0x1] =	stream.indirect.gather [hbm4b:s1+s15], $0x80, s3, s15, $0xb8;
	[tilespmem:$0x1BB00] =	vst v63  }
0x23: {  	s24 =	sadd.s32 $0x9E0, s31  }
0x24: {  	[tilespmem:s17], [sflag:$0x3] =	stream.linear.gather [hbm4b:s24+s3], $0x100, $0x38;
	[tilespmem:$0x1BB00] =	vst v63  }
0x25: {  	_ =	swait.ge [sflag:s13], $0x100  }
0x26: {  	[sflag:s13] =	ssyncset.done $0x0  }
0x27: {  	[sflag:s13] =	ssyncadd.s32 $0xFFFFFF00  }
0x28: {  	[tilespmem:s18], [sflag:$0x2] =	stream.indirect.gather [hbm4b:s1+s15], $0x80, s17, s15, $0xb8;
	[tilespmem:$0x1BB00] =	vst v63  }
0x29: {  	_ =	swait.ge [sflag:s19], $0x4000  }
0x2a: {  	[sflag:s19] =	ssyncset.done $0x0  }
0x2b: {  	[sflag:s19] =	ssyncadd.s32 $0xFFFFC000  }
0x2c: {  	[spmem:s2] =	stream.indirect.scatter.add.f32 [tilespmem:s16], [sflag:$0x3], $0x80, s15, s15, $0xb8;
	[tilespmem:$0x1BB00] =	vst v63  }
0x2d: {  	_ =	swait.ge [sflag:s13], $0x4000  }
0x2e: {  	[sflag:s13] =	ssyncset.done $0x0  }
0x2f: {  	s23 =	sadd.s32 $0xA00, s31;
	[sflag:s13] =	ssyncadd.s32 $0xFFFFC000  }
0x30: {  	[tilespmem:s3], [sflag:$0x3] =	stream.linear.gather [hbm4b:s23+s3], $0x100, $0x38;
	[tilespmem:$0x1BB00] =	vst v63  }
0x31: {  	_ =	swait.ge [sflag:s13], $0x100  }
0x32: {  	[sflag:s13] =	ssyncset.done $0x0  }
0x33: {  	[sflag:s13] =	ssyncadd.s32 $0xFFFFFF00  }
0x34: {  	[tilespmem:s16], [sflag:$0x1] =	stream.indirect.gather [hbm4b:s1+s15], $0x80, s3, s15, $0xb8;
	[tilespmem:$0x1BB00] =	vst v63  }
0x35: {  	_ =	swait.ge [sflag:s20], $0x4000  }
0x36: {  	[sflag:s20] =	ssyncset.done $0x0  }
0x37: {  	[sflag:s20] =	ssyncadd.s32 $0xFFFFC000  }
0x38: {  	[spmem:s2] =	stream.indirect.scatter.add.f32 [tilespmem:s18], [sflag:$0x3], $0x80, s21, s15, $0xb8;
	[tilespmem:$0x1BB00] =	vst v63  }
0x39: {  	_ =	swait.ge [sflag:s13], $0x4000  }
0x3a: {  	s24 =	simm.s32 $0xFFFFF6C0;
	s23 =	sadd.s32 $0xFFFFF680, s11;
	[sflag:s13] =	ssyncset.done $0x0  }
.LBB2_2:
0x3b: {  	s25 =	sadd.s32 $0x9E0, s23  }
0x3c: {  	[sflag:s13] =	ssyncadd.s32 $0xFFFFC000;
	s26 =	smov.u32 s24;
	s28 =	sadd.s32 $0x40, s24  }
0x3d: {  	[tilespmem:s17], [sflag:$0x3] =	stream.linear.gather [hbm4b:s25+s3], $0x100, $0x38;
	[tilespmem:$0x1BB00] =	vst v63  }
0x3e: {  	p1 =	sne.s32 s24, $0xFFFFFFC0;
	_ =	swait.ge [sflag:s13], $0x100  }
0x3f: {  	[sflag:s13] =	ssyncset.done $0x0  }
0x40: {  	[sflag:s13] =	ssyncadd.s32 $0xFFFFFF00  }
0x41: {  	[tilespmem:s18], [sflag:$0x2] =	stream.indirect.gather [hbm4b:s1+s15], $0x80, s17, s15, $0xb8;
	[tilespmem:$0x1BB00] =	vst v63  }
0x42: {  	_ =	swait.ge [sflag:s19], $0x4000  }
0x43: {  	[sflag:s19] =	ssyncset.done $0x0  }
0x44: {  	[sflag:s19] =	ssyncadd.s32 $0xFFFFC000  }
0x45: {  	[spmem:s2] =	stream.indirect.scatter.add.f32 [tilespmem:s16], [sflag:$0x3], $0x80, s15, s15, $0xb8;
	[tilespmem:$0x1BB00] =	vst v63  }
0x46: {  	_ =	swait.ge [sflag:s13], $0x4000  }
0x47: {  	[sflag:s13] =	ssyncset.done $0x0  }
0x48: {  	s23 =	sadd.s32 $0xA00, s23;
	[sflag:s13] =	ssyncadd.s32 $0xFFFFC000  }
0x49: {  	[tilespmem:s3], [sflag:$0x3] =	stream.linear.gather [hbm4b:s23+s3], $0x100, $0x38;
	[tilespmem:$0x1BB00] =	vst v63  }
0x4a: {  	_ =	swait.ge [sflag:s13], $0x100  }
0x4b: {  	[sflag:s13] =	ssyncset.done $0x0  }
0x4c: {  	[sflag:s13] =	ssyncadd.s32 $0xFFFFFF00  }
0x4d: {  	[tilespmem:s16], [sflag:$0x1] =	stream.indirect.gather [hbm4b:s1+s15], $0x80, s3, s15, $0xb8;
	[tilespmem:$0x1BB00] =	vst v63  }
0x4e: {  	_ =	swait.ge [sflag:s20], $0x4000  }
.Ltmp0:
0x4f: {  	[sflag:s20] =	ssyncset.done $0x0;
	(pc) =	sbr.rel @p1 .LBB2_2-.Ltmp0, $4  }
0x50: {  	[sflag:s20] =	ssyncadd.s32 $0xFFFFC000  }
0x51: {  	[spmem:s2] =	stream.indirect.scatter.add.f32 [tilespmem:s18], [sflag:$0x3], $0x80, s21, s15, $0xb8;
	[tilespmem:$0x1BB00] =	vst v63  }
0x52: {  	_ =	swait.ge [sflag:s13], $0x4000  }
0x53: {  	s24 =	smov.u32 s28;
	s23 =	sadd.s32 s26, s11;
	[sflag:s13] =	ssyncset.done $0x0  }
0x54: {  	s24 =	sadd.s32 $0x9E0, s23;
	[sflag:s13] =	ssyncadd.s32 $0xFFFFC000  }
0x55: {  	[tilespmem:s17], [sflag:$0x3] =	stream.linear.gather [hbm4b:s24+s3], $0x100, $0x38;
	[tilespmem:$0x1BB00] =	vst v63  }
0x56: {  	_ =	swait.ge [sflag:s13], $0x100  }
0x57: {  	[sflag:s13] =	ssyncset.done $0x0  }
0x58: {  	[sflag:s13] =	ssyncadd.s32 $0xFFFFFF00  }
0x59: {  	[tilespmem:s18], [sflag:$0x2] =	stream.indirect.gather [hbm4b:s1+s15], $0x80, s17, s15, $0xb8;
	[tilespmem:$0x1BB00] =	vst v63  }
0x5a: {  	_ =	swait.ge [sflag:s19], $0x4000  }
0x5b: {  	[sflag:s19] =	ssyncset.done $0x0  }
0x5c: {  	[sflag:s19] =	ssyncadd.s32 $0xFFFFC000  }
0x5d: {  	[spmem:s2] =	stream.indirect.scatter.add.f32 [tilespmem:s16], [sflag:$0x3], $0x80, s15, s15, $0xb8;
	[tilespmem:$0x1BB00] =	vst v63  }
0x5e: {  	_ =	swait.ge [sflag:s13], $0x4000  }
0x5f: {  	[sflag:s13] =	ssyncset.done $0x0  }
0x60: {  	s31 =	sadd.s32 $0xA00, s23;
	[sflag:s13] =	ssyncadd.s32 $0xFFFFC000  }
0x61: {  	[tilespmem:s3], [sflag:$0x3] =	stream.linear.gather [hbm4b:s31+s3], $0x100, $0x38;
	[tilespmem:$0x1BB00] =	vst v63  }
0x62: {  	_ =	swait.ge [sflag:s13], $0x100  }
0x63: {  	[sflag:s13] =	ssyncset.done $0x0  }
0x64: {  	[sflag:s13] =	ssyncadd.s32 $0xFFFFFF00  }
0x65: {  	[tilespmem:s16], [sflag:$0x1] =	stream.indirect.gather [hbm4b:s1+s15], $0x80, s3, s15, $0xb8;
	[tilespmem:$0x1BB00] =	vst v63  }
0x66: {  	_ =	swait.ge [sflag:s20], $0x4000  }
0x67: {  	[sflag:s20] =	ssyncset.done $0x0  }
0x68: {  	[sflag:s20] =	ssyncadd.s32 $0xFFFFC000  }
0x69: {  	[spmem:s2] =	stream.indirect.scatter.add.f32 [tilespmem:s18], [sflag:$0x3], $0x80, s21, s15, $0xb8;
	[tilespmem:$0x1BB00] =	vst v63  }
0x6a: {  	_ =	swait.ge [sflag:s13], $0x4000  }
0x6b: {  	[sflag:s13] =	ssyncset.done $0x0  }
0x6c: {  	[sflag:s13] =	ssyncadd.s32 $0xFFFFC000  }
0x6d: {  	[tilespmem:s17], [sflag:$0x3] =	stream.linear.gather [hbm4b:s10+s3], $0x100, $0x38;
	[tilespmem:$0x1BB00] =	vst v63  }
0x6e: {  	_ =	swait.ge [sflag:s13], $0x100  }
0x6f: {  	[sflag:s13] =	ssyncset.done $0x0  }
0x70: {  	[sflag:s13] =	ssyncadd.s32 $0xFFFFFF00  }
0x71: {  	[tilespmem:s18], [sflag:$0x2] =	stream.indirect.gather [hbm4b:s1+s15], $0x80, s17, s15, $0xb8;
	[tilespmem:$0x1BB00] =	vst v63  }
0x72: {  	_ =	swait.ge [sflag:s19], $0x4000  }
0x73: {  	[sflag:s19] =	ssyncset.done $0x0  }
0x74: {  	[sflag:s19] =	ssyncadd.s32 $0xFFFFC000  }
0x75: {  	[spmem:s2] =	stream.indirect.scatter.add.f32 [tilespmem:s16], [sflag:$0x3], $0x80, s15, s15, $0xb8;
	[tilespmem:$0x1BB00] =	vst v63  }
0x76: {  	_ =	swait.ge [sflag:s13], $0x4000  }
0x77: {  	[sflag:s13] =	ssyncset.done $0x0  }
0x78: {  	[sflag:s13] =	ssyncadd.s32 $0xFFFFC000  }
0x79: {  	_ =	swait.ge [sflag:s20], $0x4000  }
0x7a: {  	[sflag:s20] =	ssyncset.done $0x0  }
0x7b: {  	[sflag:s20] =	ssyncadd.s32 $0xFFFFC000  }
0x7c: {  	[spmem:s2] =	stream.indirect.scatter.add.f32 [tilespmem:s18], [sflag:$0x3], $0x80, s21, s15, $0xb8;
	[tilespmem:$0x1BB00] =	vst v63  }
0x7d: {  	_ =	swait.ge [sflag:s13], $0x4000  }
0x7e: {  	[sflag:s13] =	ssyncset.done $0x0  }
0x7f: {  	[sflag:s13] =	ssyncadd.s32 $0xFFFFC000  }
0x80: {  	[bflag:$0x0] =	sbarrier.arrive $0xFFFF  }
0x81: {  	[hbm:s7], [sflag:s5] =	dma.local [spmem:s12], $0x2700  }
0x82: {  	s22 =	sadd.s32 $0x1, s22;
	_ =	swait.ge [sflag:s13], $0x2700  }
0x83: {  	p1 =	sne.s32 s22, s9;
	[sflag:s13] =	ssyncset.done $0x0  }
.Ltmp1:
0x84: {  	s23 =	simm.s32 @!p0 $0x3;
	[sflag:s13] =	ssyncadd.s32 $0xFFFFD900;
	(pc) =	sbr.rel @p1 .LBB2_1-.Ltmp1, $4  }
0x85: {  	[hbm:s8], [sflag:s5] =	dma.local @!p0 [spmem:s14], $0x100  }
0x86: {  	_ =	swait.ge @!p0 [sflag:s23], $0x100  }
0x87: {  	[sflag:s23] =	ssyncset.done @!p0 $0x0  }
0x88: {  	[sflag:s23] =	ssyncadd.s32 @!p0 $0xFFFFFF00  }
0x89: {  	_ =	sfence.sel $0x180000  }
0x8a: {  	[bflag:$0x0] =	sbarrier.arrive $0xFFFF  }
0x8b: {  	_ =	strace $0x90000047  }
0x8c: {  	s0 =	sadd.s32 @!p0 $0x100000, s0;
	[bflag:$0x2] =	sbarrier.arrive $0xFFFF  }
0x8d: {  	[sflag:s0] =	ssyncadd.tile.s32 @!p0 $0x1;
	_ =	shalt  }
.Lfunc_end2:
_tile_overlayer_lowered:
.L_overlay_start_2:
0x8e: {  	(tag) =	ssettag $0x2  }
0x8f: {  	s0 =	rddreg [dreg:$0x0];
	s2 =	stileid.u32  }
0x90: {  	s1 =	rddreg [dreg:$0x1];
	p0 =	sne.s32 s2, $0x0  }
0x91: {  	s3 =	rddreg [dreg:$0x2];
	[bflag:$0x3] =	sbarrier.arrive $0xFFFF;
	s2 =	simm.s32 @!p0 $0x1C03  }
0x92: {  	[timem:s3], [sflag:s2] =	dma.local @!p0 [hbm:s0], s1  }
0x93: {  	s0 =	simm.s32 @!p0 $0x3  }
0x94: {  	_ =	swait.ge @!p0 [sflag:s0], s1  }
0x95: {  	s1 =	ssub.s32 @!p0 $0x0, s1;
	[sflag:s0] =	ssyncset.done @!p0 $0x0  }
0x96: {  	[sflag:s0] =	ssyncadd.s32 @!p0 s1  }
0x97: {  	[bflag:$0x3] =	sbarrier.arrive $0xFFFF  }
0x98: {  	_ =	shalt  }

// kernel: kernel.18.cloned.1.call-start
scs
__scs_entry_jumppad:
0x0: {  	(pc) =	sbr.rel $0x88, $3  }
0x1: {  	(tag) =	ssettag $0x0;
	lr =	simm.s32 $0x1  }
0x2: {  	[smem:$0x3F7F] =	sst lr;
	_ =	strace $0xD0000000  }
0x3: {  	_ = 	snop  }
0x4: {  	_ = 	snop  }
0x5: {  	_ = 	snop  }
0x6: {  	_ = 	snop  }
0x7: {  	_ = 	snop  }
__scs_overlays_trampoline_lowered:
0x8: {  	[smem:$0x3F8E] =	sst s0  }
0x9: {  	[smem:$0x3F8F] =	sst s1  }
0xa: {  	[smem:$0x3F90] =	sst s2  }
0xb: {  	[smem:$0x3F91] =	sst s3  }
0xc: {  	[smem:$0x3F92] =	sst s4  }
0xd: {  	[smem:$0x3F93] =	sst s5  }
0xe: {  	[smem:$0x3F94] =	sst s6  }
0xf: {  	[smem:$0x3F95] =	sst s7  }
0x10: {  	[smem:$0x3F96] =	sst s8  }
0x11: {  	[smem:$0x3F97] =	sst s9;
	s0 =	simm.s32 @!p0 $0x0  }
0x12: {  	s1 =	sld [smem:$0x3F7D];
	s0 =	simm.s32 @p0 $0x1  }
0x13: {  	[smem:$0x3F98] =	sst s0;
	s0 =	simm.s32 @!p1 $0x0  }
0x14: {  	s2 =	sld [smem:$0x3F7C];
	s0 =	simm.s32 @p1 $0x1  }
0x15: {  	[smem:$0x3F99] =	sst s0;
	s0 =	simm.s32 @!p2 $0x0  }
0x16: {  	s3 =	sld [smem:$0x3FDB];
	s0 =	simm.s32 @p2 $0x1  }
0x17: {  	s4 =	simm.s32 $0x1BF5;
	[smem:$0x3F9B] =	sst s0  }
0x18: {  	s0 =	sld [smem:$0x3F7E];
	_ =	swait.ge [sflag:s4], $0x0  }
0x19: {  	s7 =	sld [smem:$0x3F7F]  }
0x1a: {  	s8 =	sadd.s32 $0xFFFFE003, lr  }
0x1b: {  	s9 =	sadd.s32 $0xFFFFFEF7, lr;
	s5 =	simm.s32 $0xFFFFFFFF;
	p2 =	slt.u32 s8, $0xFFFFF086  }
0x1c: {  	p1 =	slt.u32 s9, $0xF7A;
	s5 =	simm.s32 @!p2 $0x0  }
0x1d: {  	s5 =	simm.s32 @p1 $0x1;
	p0 =	seq.s32 s7, s2  }
0x1e: {  	s7 =	smul.u32 @!p0 $0xF7A, s2;
	p2 =	seq.s32 @!p0 s5, $0x0  }
0x1f: {  	s9 =	smul.u32 $0xF7A, s1;
	s8 =	simm.s32 @!p0 $0x1BF5;
	p2 =	por !p2, p0  }
0x20: {  	[sflag:s8] =	ssyncset.s32 @!p0 $0xFFFFF086;
	s6 =	sadd.s32 @!p0 s3, s7;
	s7 =	simm.s32 @!p0 $0x108  }
0x21: {  	s3 =	sadd.s32 s3, s9;
	s6 =	sadd.s32 @!p0 $0x88, s6;
	s7 =	simm.s32 @p2 $0x1082  }
0x22: {  	[simem:s7], [sflag:s8] =	dma.local @!p0 [hbm:s6], $0xF7A  }
0x23: {  	s9 =	sor.u32 $0xD0000000, s2;
	s6 =	simm.s32 $0x108;
	_ =	swait.ge @!p0 [sflag:s8], $0x0  }
0x24: {  	s3 =	sadd.s32 $0x88, s3;
	s6 =	simm.s32 @!p1 $0x1082;
	[sflag:s4] =	ssyncset.s32 $0xFFFFF086  }
0x25: {  	[simem:s6], [sflag:s4] =	dma.local [hbm:s3], $0xF7A  }
0x26: {  	[smem:$0x3F7F] =	sst s1;
	(tag) =	ssettag s2;
	_ =	strace s9  }
0x27: {  	s1 =	sld [smem:$0x3F8F]  }
0x28: {  	s2 =	sld [smem:$0x3F90]  }
0x29: {  	s4 =	sld [smem:$0x3F92]  }
0x2a: {  	p0 =	seq.s32 s5, $0x0;
	s5 =	sld [smem:$0x3F93]  }
0x2b: {  	s6 =	sld [smem:$0x3F94]  }
0x2c: {  	s7 =	sld [smem:$0x3F95]  }
0x2d: {  	s3 =	simm.s32 $0x108;
	s8 =	sld [smem:$0x3F96]  }
0x2e: {  	s3 =	simm.s32 @!p0 $0x1082;
	s9 =	sld [smem:$0x3F97]  }
0x2f: {  	lr =	sadd.s32 s0, s3;
	s0 =	sld [smem:$0x3F8E]  }
0x30: {  	s3 =	sld [smem:$0x3F91]  }
0x31: {  	[smem:$0x3F9A] =	sst s10  }
0x32: {  	s10 =	sld [smem:$0x3F98];
	_ =	sdelay $0x3  }
0x33: {  	p0 =	seq.s32 s10, $0x1;
	s10 =	sld [smem:$0x3F9A];
	_ =	sdelay $0x3  }
0x34: {  	[smem:$0x3F9A] =	sst s10  }
0x35: {  	s10 =	sld [smem:$0x3F99];
	_ =	sdelay $0x3  }
0x36: {  	p1 =	seq.s32 s10, $0x1;
	s10 =	sld [smem:$0x3F9A];
	_ =	sdelay $0x3  }
0x37: {  	[smem:$0x3F9A] =	sst s10  }
0x38: {  	s10 =	sld [smem:$0x3F9B]  }
0x39: {  	_ = 	snop;
	(pc) =	sbr.ind lr, $3  }
0x3a: {  	_ = 	snop  }
0x3b: {  	_ = 	snop  }
0x3c: {  	p2 =	seq.s32 s10, $0x1;
	s10 =	sld [smem:$0x3F9A]  }
0x3d: {  	_ =	shalt  }
0x3e: {  	_ =	shalt  }
0x3f: {  	_ =	shalt  }
0x40: {  	_ =	shalt  }
0x41: {  	_ =	shalt  }
0x42: {  	_ =	shalt  }
0x43: {  	_ =	shalt  }
0x44: {  	_ =	shalt  }
0x45: {  	_ =	shalt  }
0x46: {  	_ =	shalt  }
0x47: {  	_ =	shalt  }
0x48: {  	_ =	shalt  }
0x49: {  	_ =	shalt  }
0x4a: {  	_ =	shalt  }
0x4b: {  	_ =	shalt  }
0x4c: {  	_ =	shalt  }
0x4d: {  	_ =	shalt  }
0x4e: {  	_ =	shalt  }
0x4f: {  	_ =	shalt  }
0x50: {  	_ =	shalt  }
0x51: {  	_ =	shalt  }
0x52: {  	_ =	shalt  }
0x53: {  	_ =	shalt  }
0x54: {  	_ =	shalt  }
0x55: {  	_ =	shalt  }
0x56: {  	_ =	shalt  }
0x57: {  	_ =	shalt  }
0x58: {  	_ =	shalt  }
0x59: {  	_ =	shalt  }
0x5a: {  	_ =	shalt  }
0x5b: {  	_ =	shalt  }
0x5c: {  	_ =	shalt  }
0x5d: {  	_ =	shalt  }
0x5e: {  	_ =	shalt  }
0x5f: {  	_ =	shalt  }
0x60: {  	_ =	shalt  }
0x61: {  	_ =	shalt  }
0x62: {  	_ =	shalt  }
0x63: {  	_ =	shalt  }
0x64: {  	_ =	shalt  }
0x65: {  	_ =	shalt  }
0x66: {  	_ =	shalt  }
0x67: {  	_ =	shalt  }
0x68: {  	_ =	shalt  }
0x69: {  	_ =	shalt  }
0x6a: {  	_ =	shalt  }
0x6b: {  	_ =	shalt  }
0x6c: {  	_ =	shalt  }
0x6d: {  	_ =	shalt  }
0x6e: {  	_ =	shalt  }
0x6f: {  	_ =	shalt  }
0x70: {  	_ =	shalt  }
0x71: {  	_ =	shalt  }
0x72: {  	_ =	shalt  }
0x73: {  	_ =	shalt  }
0x74: {  	_ =	shalt  }
0x75: {  	_ =	shalt  }
0x76: {  	_ =	shalt  }
0x77: {  	_ =	shalt  }
0x78: {  	_ =	shalt  }
0x79: {  	_ =	shalt  }
0x7a: {  	_ =	shalt  }
0x7b: {  	_ =	shalt  }
0x7c: {  	_ =	shalt  }
0x7d: {  	_ =	shalt  }
0x7e: {  	_ =	shalt  }
0x7f: {  	_ =	shalt  }
0x80: {  	_ =	shalt  }
0x81: {  	_ =	shalt  }
0x82: {  	_ =	shalt  }
0x83: {  	_ =	shalt  }
0x84: {  	_ =	shalt  }
0x85: {  	_ =	shalt  }
0x86: {  	_ =	shalt  }
0x87: {  	_ =	shalt  }
.Lfunc_end0:
.L_simem_size_0:
called_computation.1_lowered:
.L_overlay_start_0:
0x88: {  	s2 =	sld [smem:$0x3FD9]  }
0x89: {  	s3 =	sld [smem:$0x3FFE];
	_ =	sdelay $0x1  }
0x8a: {  	s1 =	srdreg.scid  }
0x8b: {  	s0 =	sand.u32 $0x1, s1  }
0x8c: {  	s16 =	sshll.u32 s0, $0xA;
	s2 =	sadd.s32 s3, s2  }
0x8d: {  	s2 =	sadd.s32 s2, s16  }
0x8e: {  	[smem:$0x3FA6] =	sst s2  }
0x8f: {  	_ = 	snop  }
0x90: {  	(tm) =	ssettm $0x1  }
0x91: {  	s17 =	sld [smem:$0x3FFB];
	_ =	sdelay $0x3  }
0x92: {  	_ =	strace s17  }
0x93: {  	s2 =	sld [smem:$0x3FFC];
	_ =	sdelay $0x3  }
0x94: {  	_ =	strace s2  }
0x95: {  	s2 =	sld [smem:$0x3FFD];
	_ =	sdelay $0x3  }
0x96: {  	_ =	strace s2  }
0x97: {  	_ =	strace $0x8FFFFFFF  }
0x98: {  	s18 =	sld [smem:$0x3FDB];
	_ =	sdelay $0x1  }
0x99: {  	s19 =	simm.s32 $_scs_section_size  }
0x9a: {  	s4 =	simm.s32 $_size__tile_overlayer_lowered;
	s5 =	simm.s32 $_tile_overlayer_lowered  }
0x9b: {  	s22 =	simm.s32 $0x1BFF;
	s21 =	sshll.u32 s5, $0x1;
	s2 =	sadd.s32 s19, s18  }
0x9c: {  	s6 =	simm.s32 $0x0;
	s20 =	sshll.u32 s4, $0x1;
	s4 =	sadd.s32 s21, s2  }
0x9d: {  	[timem:s6], [sflag:s22] =	dma.local [hbm:s4], s20  }
0x9e: {  	_ =	swait.ge [sflag:s22], s20  }
0x9f: {  	s3 =	ssub.s32 $0x0, s20;
	[sflag:s22] =	ssyncset.done $0x0  }
0xa0: {  	[sflag:s22] =	ssyncadd.s32 s3;
	_ =	sdelay $0x1  }
0xa1: {  	s23 =	simm.s32 $0x1B8B  }
0xa2: {  	_ =	swait.ge [sflag:s23], $0x1  }
0xa3: {  	[sflag:s23] =	ssyncset.done $0x0  }
0xa4: {  	s25 =	simm.s32 $0x1B8E;
	s24 =	sld [smem:$0x3FFE];
	[sflag:s23] =	ssyncadd.s32 $0xFFFFFFFF  }
0xa5: {  	s26 =	simm.s32 $execute0_lowered;
	[smem:$0x3FD2] =	sst s25  }
0xa6: {  	s4 =	sshll.u32 s26, $0x1;
	_ =	strace $0x80000049;
	[dreg:$0x1] =	wrdreg $0xFFFFFFFF  }
0xa7: {  	s28 =	simm.s32 $_size_execute0_lowered;
	s2 =	sadd.s32 s2, s4;
	[dreg:$0x0] =	wrdreg $0x0  }
0xa8: {  	s4 =	sshll.u32 s28, $0x1;
	[dreg:$0x2] =	wrdreg s2  }
0xa9: {  	[dreg:$0x3] =	wrdreg s4  }
0xaa: {  	[dreg:$0x4] =	wrdreg $0xC0  }
0xab: {  	_ =	task [dreg:s6], $0x5FFFF  }
0xac: {  	[dreg:$0x1] =	wrdreg $0xFFFFFFFF  }
0xad: {  	[dreg:$0x0] =	wrdreg $0x60  }
0xae: {  	[dreg:$0x2] =	wrdreg s24  }
0xaf: {  	[dreg:$0x3] =	wrdreg $0x82000  }
0xb0: {  	[dreg:$0x4] =	wrdreg $0x9  }
0xb1: {  	_ =	task.clear_ibuf [dreg:s6], $0x5FFFF;
	_ =	strace $0x90000049  }
0xb2: {  	s29 =	simm.s32 $0x9;
	_ =	strace $0x8000004B  }
0xb3: {  	_ =	swait.ge [sflag:s29], $0x1  }
0xb4: {  	[sflag:s29] =	ssyncadd.s32 $0xFFFFFFFF  }
0xb5: {  	_ =	strace $0x9000004B  }
0xb6: {  	_ =	sfence  }
0xb7: {  	s30 =	sld [smem:$0x0];
	_ =	sdelay $0x2  }
0xb8: {  	s31 =	sshll.u32 s1, $0xD;
	s1 =	sshrl.u32 s1, $0x2  }
0xb9: {  	s3 =	sand.u32 $0x4000, s31;
	s1 =	sadd.s32 s1, s30  }
0xba: {  	s0 =	sor.u32 s3, s0;
	s1 =	sshll.u32 s1, $0x11  }
0xbb: {  	s0 =	sor.u32 s1, s0  }
0xbc: {  	s0 =	sadd.s32 $0x8F2B, s0  }
0xbd: {  	[sflag:s0] =	ssyncadd.remote.s32 $0x1  }
0xbe: {  	_ =	sfence.sel $0xFFFF  }
0xbf: {  	[dreg:$0x0] =	wrdreg $0xFFFFFFFF;
	(pc) =	sbr.abs _section_cstart, $3  }
0xc0: {  	[dreg:$0x1] =	wrdreg $0xFFFFFFFF  }
0xc1: {  	_ =	task.clear_ibuf [dreg:s6], $0x2FFFF;
	_ =	strace $0x9FFFFFFF  }
0xc2: {  	(tm) =	ssettm $0x7FFFFFFF  }
0xc3: {  	_ =	shalt  }
tec
execute0_lowered:
.L_overlay_start_1:
0x0: {  	(tag) =	ssettag $0x1  }
0x1: {  	s5 =	rddreg [dreg:$0x0]  }
0x2: {  	s1 =	rddreg [dreg:$0x1]  }
0x3: {  	s0 =	rddreg [dreg:$0x2];
	s2 =	simm.s32 $0x0;
	s4 =	srdreg.scid  }
0x4: {  	s12 =	stileid.u32;
	s18 =	simm.s32 $0x4200;
	s19 =	simm.s32 $0x1  }
0x5: {  	s20 =	simm.s32 $0x2;
	[smem:$0x7FF] =	sst s2;
	s8 =	smul.u32 $0x4E000, s12  }
0x6: {  	s9 =	sadd.s32 $0x6AC00, s5;
	s3 =	sadd.s32 $0x1CA00, s5;
	s23 =	smul.u32 $0xA0, s12  }
0x7: {  	s7 =	sand.u32 $0x1, s4;
	s4 =	sadd.s32 $0x1A200, s5;
	s24 =	smul.u32 $0x2700, s12  }
0x8: {  	s10 =	sadd.s32 $0x92C00, s5;
	s25 =	sshll.u32 s12, $0x6;
	s30 =	smul.u32 $0x1400, s12  }
0x9: {  	s15 =	sadd.s32 $0x138000, s1;
	p0 =	sne.s32 s12, $0x0;
	s11 =	smul.u32 $0xA00, s7  }
0xa: {  	_ =	strace $0x8000004A;
	s6 =	ssub.s32 $0x2, s7;
	s26 =	smul.u32 $0x138800, s7  }
0xb: {  	s5 =	sor.u32 $0x1C03, s25;
	s16 =	smul.u32 $0x27100, s7;
	s21 =	sshrl.u32 s6, $0x1  }
0xc: {  	s17 =	smul.u32 $0x14000, s7;
	s22 =	sshrl.u32 s8, $0x2;
	s13 =	ssub.s32 s6, s21  }
0xd: {  	s14 =	sadd.s32 s22, s1;
	s6 =	sadd.s32 s23, s11;
	s11 =	sshrl.u32 s26, $0x3  }
0xe: {  	s28 =	sadd.s32 s24, s16;
	s31 =	sadd.s32 s17, s9;
	s16 =	simm.s32 $0x200  }
0xf: {  	s17 =	simm.s32 $0x100;
	s21 =	simm.s32 $0x180;
	s22 =	simm.s32 $0x0  }
0x10: {  	s6 =	sshll.u32 s6, $0x5;
	s29 =	sadd.s32 s10, s11;
	s7 =	sadd.s32 s10, s28  }
0x11: {  	s11 =	sadd.s32 s30, s31;
	s12 =	sshrl.u32 s14, $0x3;
	s14 =	sshrl.u32 @!p0 s15, $0x3  }
0x12: {  	s15 =	simm.s32 $0x80;
	s6 =	sadd.s32 s9, s6;
	s8 =	sadd.s32 $0x27000, s29  }
0x13: {  	s9 =	smax.u32 s13, $0x1;
	s13 =	simm.s32 $0x3;
	s10 =	sadd.s32 $0x13E0, s6  }
.LBB2_1:
0x14: {  	[spmem:s12], [sflag:s5] =	dma.local [hbm:s4], $0x2700  }
0x15: {  	_ =	swait.ge [sflag:s13], $0x2700  }
0x16: {  	[sflag:s13] =	ssyncset.done $0x0  }
0x17: {  	s23 =	simm.s32 @!p0 $0x3;
	[sflag:s13] =	ssyncadd.s32 $0xFFFFD900  }
0x18: {  	[spmem:s14], [sflag:s5] =	dma.local @!p0 [hbm:s4], $0x100  }
0x19: {  	_ =	swait.ge @!p0 [sflag:s23], $0x100  }
0x1a: {  	[sflag:s23] =	ssyncset.done @!p0 $0x0  }
0x1b: {  	[sflag:s23] =	ssyncadd.s32 @!p0 $0xFFFFFF00  }
0x1c: {  	[bflag:$0x0] =	sbarrier.arrive $0xFFFF  }
0x1d: {  	[tilespmem:s2], [sflag:$0x3] =	stream.linear.gather [hbm4b:s6+s2], $0x100, $0x38;
	[tilespmem:$0x1BB00] =	vst v63  }
0x1e: {  	_ =	swait.ge [sflag:s13], $0x100  }
0x1f: {  	[sflag:s13] =	ssyncset.done $0x0  }
0x20: {  	s31 =	sadd.s32 $0xFFFFEC40, s11;
	[sflag:s13] =	ssyncadd.s32 $0xFFFFFF00  }
0x21: {  	[tilespmem:s16], [sflag:$0x1] =	stream.indirect.gather [hbm4b:s3+s15], $0x80, s2, s15, $0xb8;
	[tilespmem:$0x1BB00] =	vst v63  }
0x22: {  	s24 =	sadd.s32 $0x13E0, s31  }
0x23: {  	[tilespmem:s17], [sflag:$0x3] =	stream.linear.gather [hbm4b:s24+s2], $0x100, $0x38;
	[tilespmem:$0x1BB00] =	vst v63  }
0x24: {  	_ =	swait.ge [sflag:s13], $0x100  }
0x25: {  	[sflag:s13] =	ssyncset.done $0x0  }
0x26: {  	[sflag:s13] =	ssyncadd.s32 $0xFFFFFF00  }
0x27: {  	[tilespmem:s18], [sflag:$0x2] =	stream.indirect.gather [hbm4b:s3+s15], $0x80, s17, s15, $0xb8;
	[tilespmem:$0x1BB00] =	vst v63  }
0x28: {  	_ =	swait.ge [sflag:s19], $0x4000  }
0x29: {  	[sflag:s19] =	ssyncset.done $0x0  }
0x2a: {  	[sflag:s19] =	ssyncadd.s32 $0xFFFFC000  }
0x2b: {  	[spmem:s1] =	stream.indirect.scatter.add.f32 [tilespmem:s16], [sflag:$0x3], $0x80, s15, s15, $0xb8;
	[tilespmem:$0x1BB00] =	vst v63  }
0x2c: {  	_ =	swait.ge [sflag:s13], $0x4000  }
0x2d: {  	[sflag:s13] =	ssyncset.done $0x0  }
0x2e: {  	s23 =	sadd.s32 $0x1400, s31;
	[sflag:s13] =	ssyncadd.s32 $0xFFFFC000  }
0x2f: {  	[tilespmem:s2], [sflag:$0x3] =	stream.linear.gather [hbm4b:s23+s2], $0x100, $0x38;
	[tilespmem:$0x1BB00] =	vst v63  }
0x30: {  	_ =	swait.ge [sflag:s13], $0x100  }
0x31: {  	[sflag:s13] =	ssyncset.done $0x0  }
0x32: {  	[sflag:s13] =	ssyncadd.s32 $0xFFFFFF00  }
0x33: {  	[tilespmem:s16], [sflag:$0x1] =	stream.indirect.gather [hbm4b:s3+s15], $0x80, s2, s15, $0xb8;
	[tilespmem:$0x1BB00] =	vst v63  }
0x34: {  	_ =	swait.ge [sflag:s20], $0x4000  }
0x35: {  	[sflag:s20] =	ssyncset.done $0x0  }
0x36: {  	[sflag:s20] =	ssyncadd.s32 $0xFFFFC000  }
0x37: {  	[spmem:s1] =	stream.indirect.scatter.add.f32 [tilespmem:s18], [sflag:$0x3], $0x80, s21, s15, $0xb8;
	[tilespmem:$0x1BB00] =	vst v63  }
0x38: {  	_ =	swait.ge [sflag:s13], $0x4000  }
0x39: {  	s24 =	simm.s32 $0xFFFFECC0;
	s23 =	sadd.s32 $0xFFFFEC80, s11;
	[sflag:s13] =	ssyncset.done $0x0  }
.LBB2_2:
0x3a: {  	s25 =	sadd.s32 $0x13E0, s23  }
0x3b: {  	[sflag:s13] =	ssyncadd.s32 $0xFFFFC000;
	s26 =	smov.u32 s24;
	s28 =	sadd.s32 $0x40, s24  }
0x3c: {  	[tilespmem:s17], [sflag:$0x3] =	stream.linear.gather [hbm4b:s25+s2], $0x100, $0x38;
	[tilespmem:$0x1BB00] =	vst v63  }
0x3d: {  	p1 =	sne.s32 s24, $0xFFFFFFC0;
	_ =	swait.ge [sflag:s13], $0x100  }
0x3e: {  	[sflag:s13] =	ssyncset.done $0x0  }
0x3f: {  	[sflag:s13] =	ssyncadd.s32 $0xFFFFFF00  }
0x40: {  	[tilespmem:s18], [sflag:$0x2] =	stream.indirect.gather [hbm4b:s3+s15], $0x80, s17, s15, $0xb8;
	[tilespmem:$0x1BB00] =	vst v63  }
0x41: {  	_ =	swait.ge [sflag:s19], $0x4000  }
0x42: {  	[sflag:s19] =	ssyncset.done $0x0  }
0x43: {  	[sflag:s19] =	ssyncadd.s32 $0xFFFFC000  }
0x44: {  	[spmem:s1] =	stream.indirect.scatter.add.f32 [tilespmem:s16], [sflag:$0x3], $0x80, s15, s15, $0xb8;
	[tilespmem:$0x1BB00] =	vst v63  }
0x45: {  	_ =	swait.ge [sflag:s13], $0x4000  }
0x46: {  	[sflag:s13] =	ssyncset.done $0x0  }
0x47: {  	s23 =	sadd.s32 $0x1400, s23;
	[sflag:s13] =	ssyncadd.s32 $0xFFFFC000  }
0x48: {  	[tilespmem:s2], [sflag:$0x3] =	stream.linear.gather [hbm4b:s23+s2], $0x100, $0x38;
	[tilespmem:$0x1BB00] =	vst v63  }
0x49: {  	_ =	swait.ge [sflag:s13], $0x100  }
0x4a: {  	[sflag:s13] =	ssyncset.done $0x0  }
0x4b: {  	[sflag:s13] =	ssyncadd.s32 $0xFFFFFF00  }
0x4c: {  	[tilespmem:s16], [sflag:$0x1] =	stream.indirect.gather [hbm4b:s3+s15], $0x80, s2, s15, $0xb8;
	[tilespmem:$0x1BB00] =	vst v63  }
0x4d: {  	_ =	swait.ge [sflag:s20], $0x4000  }
.Ltmp0:
0x4e: {  	[sflag:s20] =	ssyncset.done $0x0;
	(pc) =	sbr.rel @p1 .LBB2_2-.Ltmp0, $4  }
0x4f: {  	[sflag:s20] =	ssyncadd.s32 $0xFFFFC000  }
0x50: {  	[spmem:s1] =	stream.indirect.scatter.add.f32 [tilespmem:s18], [sflag:$0x3], $0x80, s21, s15, $0xb8;
	[tilespmem:$0x1BB00] =	vst v63  }
0x51: {  	_ =	swait.ge [sflag:s13], $0x4000  }
0x52: {  	s24 =	smov.u32 s28;
	s23 =	sadd.s32 s26, s11;
	[sflag:s13] =	ssyncset.done $0x0  }
0x53: {  	s24 =	sadd.s32 $0x13E0, s23;
	[sflag:s13] =	ssyncadd.s32 $0xFFFFC000  }
0x54: {  	[tilespmem:s17], [sflag:$0x3] =	stream.linear.gather [hbm4b:s24+s2], $0x100, $0x38;
	[tilespmem:$0x1BB00] =	vst v63  }
0x55: {  	_ =	swait.ge [sflag:s13], $0x100  }
0x56: {  	[sflag:s13] =	ssyncset.done $0x0  }
0x57: {  	[sflag:s13] =	ssyncadd.s32 $0xFFFFFF00  }
0x58: {  	[tilespmem:s18], [sflag:$0x2] =	stream.indirect.gather [hbm4b:s3+s15], $0x80, s17, s15, $0xb8;
	[tilespmem:$0x1BB00] =	vst v63  }
0x59: {  	_ =	swait.ge [sflag:s19], $0x4000  }
0x5a: {  	[sflag:s19] =	ssyncset.done $0x0  }
0x5b: {  	[sflag:s19] =	ssyncadd.s32 $0xFFFFC000  }
0x5c: {  	[spmem:s1] =	stream.indirect.scatter.add.f32 [tilespmem:s16], [sflag:$0x3], $0x80, s15, s15, $0xb8;
	[tilespmem:$0x1BB00] =	vst v63  }
0x5d: {  	_ =	swait.ge [sflag:s13], $0x4000  }
0x5e: {  	[sflag:s13] =	ssyncset.done $0x0  }
0x5f: {  	s31 =	sadd.s32 $0x1400, s23;
	[sflag:s13] =	ssyncadd.s32 $0xFFFFC000  }
0x60: {  	[tilespmem:s2], [sflag:$0x3] =	stream.linear.gather [hbm4b:s31+s2], $0x100, $0x38;
	[tilespmem:$0x1BB00] =	vst v63  }
0x61: {  	_ =	swait.ge [sflag:s13], $0x100  }
0x62: {  	[sflag:s13] =	ssyncset.done $0x0  }
0x63: {  	[sflag:s13] =	ssyncadd.s32 $0xFFFFFF00  }
0x64: {  	[tilespmem:s16], [sflag:$0x1] =	stream.indirect.gather [hbm4b:s3+s15], $0x80, s2, s15, $0xb8;
	[tilespmem:$0x1BB00] =	vst v63  }
0x65: {  	_ =	swait.ge [sflag:s20], $0x4000  }
0x66: {  	[sflag:s20] =	ssyncset.done $0x0  }
0x67: {  	[sflag:s20] =	ssyncadd.s32 $0xFFFFC000  }
0x68: {  	[spmem:s1] =	stream.indirect.scatter.add.f32 [tilespmem:s18], [sflag:$0x3], $0x80, s21, s15, $0xb8;
	[tilespmem:$0x1BB00] =	vst v63  }
0x69: {  	_ =	swait.ge [sflag:s13], $0x4000  }
0x6a: {  	[sflag:s13] =	ssyncset.done $0x0  }
0x6b: {  	[sflag:s13] =	ssyncadd.s32 $0xFFFFC000  }
0x6c: {  	[tilespmem:s17], [sflag:$0x3] =	stream.linear.gather [hbm4b:s10+s2], $0x100, $0x38;
	[tilespmem:$0x1BB00] =	vst v63  }
0x6d: {  	_ =	swait.ge [sflag:s13], $0x100  }
0x6e: {  	[sflag:s13] =	ssyncset.done $0x0  }
0x6f: {  	[sflag:s13] =	ssyncadd.s32 $0xFFFFFF00  }
0x70: {  	[tilespmem:s18], [sflag:$0x2] =	stream.indirect.gather [hbm4b:s3+s15], $0x80, s17, s15, $0xb8;
	[tilespmem:$0x1BB00] =	vst v63  }
0x71: {  	_ =	swait.ge [sflag:s19], $0x4000  }
0x72: {  	[sflag:s19] =	ssyncset.done $0x0  }
0x73: {  	[sflag:s19] =	ssyncadd.s32 $0xFFFFC000  }
0x74: {  	[spmem:s1] =	stream.indirect.scatter.add.f32 [tilespmem:s16], [sflag:$0x3], $0x80, s15, s15, $0xb8;
	[tilespmem:$0x1BB00] =	vst v63  }
0x75: {  	_ =	swait.ge [sflag:s13], $0x4000  }
0x76: {  	[sflag:s13] =	ssyncset.done $0x0  }
0x77: {  	[sflag:s13] =	ssyncadd.s32 $0xFFFFC000  }
0x78: {  	_ =	swait.ge [sflag:s20], $0x4000  }
0x79: {  	[sflag:s20] =	ssyncset.done $0x0  }
0x7a: {  	[sflag:s20] =	ssyncadd.s32 $0xFFFFC000  }
0x7b: {  	[spmem:s1] =	stream.indirect.scatter.add.f32 [tilespmem:s18], [sflag:$0x3], $0x80, s21, s15, $0xb8;
	[tilespmem:$0x1BB00] =	vst v63  }
0x7c: {  	_ =	swait.ge [sflag:s13], $0x4000  }
0x7d: {  	[sflag:s13] =	ssyncset.done $0x0  }
0x7e: {  	[sflag:s13] =	ssyncadd.s32 $0xFFFFC000  }
0x7f: {  	[bflag:$0x0] =	sbarrier.arrive $0xFFFF  }
0x80: {  	[hbm:s7], [sflag:s5] =	dma.local [spmem:s12], $0x2700  }
0x81: {  	s22 =	sadd.s32 $0x1, s22;
	_ =	swait.ge [sflag:s13], $0x2700  }
0x82: {  	p1 =	sne.s32 s22, s9;
	[sflag:s13] =	ssyncset.done $0x0  }
.Ltmp1:
0x83: {  	s23 =	simm.s32 @!p0 $0x3;
	[sflag:s13] =	ssyncadd.s32 $0xFFFFD900;
	(pc) =	sbr.rel @p1 .LBB2_1-.Ltmp1, $4  }
0x84: {  	[hbm:s8], [sflag:s5] =	dma.local @!p0 [spmem:s14], $0x100  }
0x85: {  	_ =	swait.ge @!p0 [sflag:s23], $0x100  }
0x86: {  	[sflag:s23] =	ssyncset.done @!p0 $0x0  }
0x87: {  	[sflag:s23] =	ssyncadd.s32 @!p0 $0xFFFFFF00  }
0x88: {  	_ =	sfence.sel $0x180000  }
0x89: {  	[bflag:$0x0] =	sbarrier.arrive $0xFFFF  }
0x8a: {  	_ =	strace $0x9000004A  }
0x8b: {  	s0 =	sadd.s32 @!p0 $0x100000, s0;
	[bflag:$0x2] =	sbarrier.arrive $0xFFFF  }
0x8c: {  	[sflag:s0] =	ssyncadd.tile.s32 @!p0 $0x1;
	_ =	shalt  }
.Lfunc_end2:
_tile_overlayer_lowered:
.L_overlay_start_2:
0x8d: {  	(tag) =	ssettag $0x2  }
0x8e: {  	s0 =	rddreg [dreg:$0x0];
	s2 =	stileid.u32  }
0x8f: {  	s1 =	rddreg [dreg:$0x1];
	p0 =	sne.s32 s2, $0x0  }
0x90: {  	s3 =	rddreg [dreg:$0x2];
	[bflag:$0x3] =	sbarrier.arrive $0xFFFF;
	s2 =	simm.s32 @!p0 $0x1C03  }
0x91: {  	[timem:s3], [sflag:s2] =	dma.local @!p0 [hbm:s0], s1  }
0x92: {  	s0 =	simm.s32 @!p0 $0x3  }
0x93: {  	_ =	swait.ge @!p0 [sflag:s0], s1  }
0x94: {  	s1 =	ssub.s32 @!p0 $0x0, s1;
	[sflag:s0] =	ssyncset.done @!p0 $0x0  }
0x95: {  	[sflag:s0] =	ssyncadd.s32 @!p0 s1  }
0x96: {  	[bflag:$0x3] =	sbarrier.arrive $0xFFFF  }
0x97: {  	_ =	shalt  }

// kernel: kernel.21.cloned.1.call-start
scs
__scs_entry_jumppad:
0x0: {  	(pc) =	sbr.rel $0x88, $3  }
0x1: {  	(tag) =	ssettag $0x0;
	lr =	simm.s32 $0x1  }
0x2: {  	[smem:$0x3F7F] =	sst lr;
	_ =	strace $0xD0000000  }
0x3: {  	_ = 	snop  }
0x4: {  	_ = 	snop  }
0x5: {  	_ = 	snop  }
0x6: {  	_ = 	snop  }
0x7: {  	_ = 	snop  }
__scs_overlays_trampoline_lowered:
0x8: {  	[smem:$0x3F8E] =	sst s0  }
0x9: {  	[smem:$0x3F8F] =	sst s1  }
0xa: {  	[smem:$0x3F90] =	sst s2  }
0xb: {  	[smem:$0x3F91] =	sst s3  }
0xc: {  	[smem:$0x3F92] =	sst s4  }
0xd: {  	[smem:$0x3F93] =	sst s5  }
0xe: {  	[smem:$0x3F94] =	sst s6  }
0xf: {  	[smem:$0x3F95] =	sst s7  }
0x10: {  	[smem:$0x3F96] =	sst s8  }
0x11: {  	[smem:$0x3F97] =	sst s9;
	s0 =	simm.s32 @!p0 $0x0  }
0x12: {  	s1 =	sld [smem:$0x3F7D];
	s0 =	simm.s32 @p0 $0x1  }
0x13: {  	[smem:$0x3F98] =	sst s0;
	s0 =	simm.s32 @!p1 $0x0  }
0x14: {  	s2 =	sld [smem:$0x3F7C];
	s0 =	simm.s32 @p1 $0x1  }
0x15: {  	[smem:$0x3F99] =	sst s0;
	s0 =	simm.s32 @!p2 $0x0  }
0x16: {  	s3 =	sld [smem:$0x3FDB];
	s0 =	simm.s32 @p2 $0x1  }
0x17: {  	s4 =	simm.s32 $0x1BF5;
	[smem:$0x3F9B] =	sst s0  }
0x18: {  	s0 =	sld [smem:$0x3F7E];
	_ =	swait.ge [sflag:s4], $0x0  }
0x19: {  	s7 =	sld [smem:$0x3F7F]  }
0x1a: {  	s8 =	sadd.s32 $0xFFFFE003, lr  }
0x1b: {  	s9 =	sadd.s32 $0xFFFFFEF7, lr;
	s5 =	simm.s32 $0xFFFFFFFF;
	p2 =	slt.u32 s8, $0xFFFFF086  }
0x1c: {  	p1 =	slt.u32 s9, $0xF7A;
	s5 =	simm.s32 @!p2 $0x0  }
0x1d: {  	s5 =	simm.s32 @p1 $0x1;
	p0 =	seq.s32 s7, s2  }
0x1e: {  	s7 =	smul.u32 @!p0 $0xF7A, s2;
	p2 =	seq.s32 @!p0 s5, $0x0  }
0x1f: {  	s9 =	smul.u32 $0xF7A, s1;
	s8 =	simm.s32 @!p0 $0x1BF5;
	p2 =	por !p2, p0  }
0x20: {  	[sflag:s8] =	ssyncset.s32 @!p0 $0xFFFFF086;
	s6 =	sadd.s32 @!p0 s3, s7;
	s7 =	simm.s32 @!p0 $0x108  }
0x21: {  	s3 =	sadd.s32 s3, s9;
	s6 =	sadd.s32 @!p0 $0x88, s6;
	s7 =	simm.s32 @p2 $0x1082  }
0x22: {  	[simem:s7], [sflag:s8] =	dma.local @!p0 [hbm:s6], $0xF7A  }
0x23: {  	s9 =	sor.u32 $0xD0000000, s2;
	s6 =	simm.s32 $0x108;
	_ =	swait.ge @!p0 [sflag:s8], $0x0  }
0x24: {  	s3 =	sadd.s32 $0x88, s3;
	s6 =	simm.s32 @!p1 $0x1082;
	[sflag:s4] =	ssyncset.s32 $0xFFFFF086  }
0x25: {  	[simem:s6], [sflag:s4] =	dma.local [hbm:s3], $0xF7A  }
0x26: {  	[smem:$0x3F7F] =	sst s1;
	(tag) =	ssettag s2;
	_ =	strace s9  }
0x27: {  	s1 =	sld [smem:$0x3F8F]  }
0x28: {  	s2 =	sld [smem:$0x3F90]  }
0x29: {  	s4 =	sld [smem:$0x3F92]  }
0x2a: {  	p0 =	seq.s32 s5, $0x0;
	s5 =	sld [smem:$0x3F93]  }
0x2b: {  	s6 =	sld [smem:$0x3F94]  }
0x2c: {  	s7 =	sld [smem:$0x3F95]  }
0x2d: {  	s3 =	simm.s32 $0x108;
	s8 =	sld [smem:$0x3F96]  }
0x2e: {  	s3 =	simm.s32 @!p0 $0x1082;
	s9 =	sld [smem:$0x3F97]  }
0x2f: {  	lr =	sadd.s32 s0, s3;
	s0 =	sld [smem:$0x3F8E]  }
0x30: {  	s3 =	sld [smem:$0x3F91]  }
0x31: {  	[smem:$0x3F9A] =	sst s10  }
0x32: {  	s10 =	sld [smem:$0x3F98];
	_ =	sdelay $0x3  }
0x33: {  	p0 =	seq.s32 s10, $0x1;
	s10 =	sld [smem:$0x3F9A];
	_ =	sdelay $0x3  }
0x34: {  	[smem:$0x3F9A] =	sst s10  }
0x35: {  	s10 =	sld [smem:$0x3F99];
	_ =	sdelay $0x3  }
0x36: {  	p1 =	seq.s32 s10, $0x1;
	s10 =	sld [smem:$0x3F9A];
	_ =	sdelay $0x3  }
0x37: {  	[smem:$0x3F9A] =	sst s10  }
0x38: {  	s10 =	sld [smem:$0x3F9B]  }
0x39: {  	_ = 	snop;
	(pc) =	sbr.ind lr, $3  }
0x3a: {  	_ = 	snop  }
0x3b: {  	_ = 	snop  }
0x3c: {  	p2 =	seq.s32 s10, $0x1;
	s10 =	sld [smem:$0x3F9A]  }
0x3d: {  	_ =	shalt  }
0x3e: {  	_ =	shalt  }
0x3f: {  	_ =	shalt  }
0x40: {  	_ =	shalt  }
0x41: {  	_ =	shalt  }
0x42: {  	_ =	shalt  }
0x43: {  	_ =	shalt  }
0x44: {  	_ =	shalt  }
0x45: {  	_ =	shalt  }
0x46: {  	_ =	shalt  }
0x47: {  	_ =	shalt  }
0x48: {  	_ =	shalt  }
0x49: {  	_ =	shalt  }
0x4a: {  	_ =	shalt  }
0x4b: {  	_ =	shalt  }
0x4c: {  	_ =	shalt  }
0x4d: {  	_ =	shalt  }
0x4e: {  	_ =	shalt  }
0x4f: {  	_ =	shalt  }
0x50: {  	_ =	shalt  }
0x51: {  	_ =	shalt  }
0x52: {  	_ =	shalt  }
0x53: {  	_ =	shalt  }
0x54: {  	_ =	shalt  }
0x55: {  	_ =	shalt  }
0x56: {  	_ =	shalt  }
0x57: {  	_ =	shalt  }
0x58: {  	_ =	shalt  }
0x59: {  	_ =	shalt  }
0x5a: {  	_ =	shalt  }
0x5b: {  	_ =	shalt  }
0x5c: {  	_ =	shalt  }
0x5d: {  	_ =	shalt  }
0x5e: {  	_ =	shalt  }
0x5f: {  	_ =	shalt  }
0x60: {  	_ =	shalt  }
0x61: {  	_ =	shalt  }
0x62: {  	_ =	shalt  }
0x63: {  	_ =	shalt  }
0x64: {  	_ =	shalt  }
0x65: {  	_ =	shalt  }
0x66: {  	_ =	shalt  }
0x67: {  	_ =	shalt  }
0x68: {  	_ =	shalt  }
0x69: {  	_ =	shalt  }
0x6a: {  	_ =	shalt  }
0x6b: {  	_ =	shalt  }
0x6c: {  	_ =	shalt  }
0x6d: {  	_ =	shalt  }
0x6e: {  	_ =	shalt  }
0x6f: {  	_ =	shalt  }
0x70: {  	_ =	shalt  }
0x71: {  	_ =	shalt  }
0x72: {  	_ =	shalt  }
0x73: {  	_ =	shalt  }
0x74: {  	_ =	shalt  }
0x75: {  	_ =	shalt  }
0x76: {  	_ =	shalt  }
0x77: {  	_ =	shalt  }
0x78: {  	_ =	shalt  }
0x79: {  	_ =	shalt  }
0x7a: {  	_ =	shalt  }
0x7b: {  	_ =	shalt  }
0x7c: {  	_ =	shalt  }
0x7d: {  	_ =	shalt  }
0x7e: {  	_ =	shalt  }
0x7f: {  	_ =	shalt  }
0x80: {  	_ =	shalt  }
0x81: {  	_ =	shalt  }
0x82: {  	_ =	shalt  }
0x83: {  	_ =	shalt  }
0x84: {  	_ =	shalt  }
0x85: {  	_ =	shalt  }
0x86: {  	_ =	shalt  }
0x87: {  	_ =	shalt  }
.Lfunc_end0:
.L_simem_size_0:
called_computation.2_lowered:
.L_overlay_start_0:
0x88: {  	s2 =	sld [smem:$0x3FD9]  }
0x89: {  	s3 =	sld [smem:$0x3FFE];
	_ =	sdelay $0x1  }
0x8a: {  	s1 =	srdreg.scid  }
0x8b: {  	s0 =	sand.u32 $0x1, s1  }
0x8c: {  	s16 =	sshll.u32 s0, $0xA;
	s2 =	sadd.s32 s3, s2  }
0x8d: {  	s2 =	sadd.s32 s2, s16  }
0x8e: {  	[smem:$0x3FA6] =	sst s2  }
0x8f: {  	_ = 	snop  }
0x90: {  	(tm) =	ssettm $0x1  }
0x91: {  	s17 =	sld [smem:$0x3FFB];
	_ =	sdelay $0x3  }
0x92: {  	_ =	strace s17  }
0x93: {  	s2 =	sld [smem:$0x3FFC];
	_ =	sdelay $0x3  }
0x94: {  	_ =	strace s2  }
0x95: {  	s2 =	sld [smem:$0x3FFD];
	_ =	sdelay $0x3  }
0x96: {  	_ =	strace s2  }
0x97: {  	_ =	strace $0x8FFFFFFF  }
0x98: {  	s18 =	sld [smem:$0x3FDB];
	_ =	sdelay $0x1  }
0x99: {  	s19 =	simm.s32 $_scs_section_size  }
0x9a: {  	s4 =	simm.s32 $_size__tile_overlayer_lowered;
	s5 =	simm.s32 $_tile_overlayer_lowered  }
0x9b: {  	s22 =	simm.s32 $0x1BFF;
	s21 =	sshll.u32 s5, $0x1;
	s2 =	sadd.s32 s19, s18  }
0x9c: {  	s6 =	simm.s32 $0x0;
	s20 =	sshll.u32 s4, $0x1;
	s4 =	sadd.s32 s21, s2  }
0x9d: {  	[timem:s6], [sflag:s22] =	dma.local [hbm:s4], s20  }
0x9e: {  	_ =	swait.ge [sflag:s22], s20  }
0x9f: {  	s3 =	ssub.s32 $0x0, s20;
	[sflag:s22] =	ssyncset.done $0x0  }
0xa0: {  	[sflag:s22] =	ssyncadd.s32 s3;
	_ =	sdelay $0x1  }
0xa1: {  	s23 =	simm.s32 $0x1B8B  }
0xa2: {  	_ =	swait.ge [sflag:s23], $0x1  }
0xa3: {  	[sflag:s23] =	ssyncset.done $0x0  }
0xa4: {  	s25 =	simm.s32 $0x1B8E;
	s24 =	sld [smem:$0x3FFE];
	[sflag:s23] =	ssyncadd.s32 $0xFFFFFFFF  }
0xa5: {  	s26 =	simm.s32 $execute0_lowered;
	[smem:$0x3FD2] =	sst s25  }
0xa6: {  	s4 =	sshll.u32 s26, $0x1;
	_ =	strace $0x8000004C;
	[dreg:$0x1] =	wrdreg $0xFFFFFFFF  }
0xa7: {  	s28 =	simm.s32 $_size_execute0_lowered;
	s2 =	sadd.s32 s2, s4;
	[dreg:$0x0] =	wrdreg $0x0  }
0xa8: {  	s4 =	sshll.u32 s28, $0x1;
	[dreg:$0x2] =	wrdreg s2  }
0xa9: {  	[dreg:$0x3] =	wrdreg s4  }
0xaa: {  	[dreg:$0x4] =	wrdreg $0xC0  }
0xab: {  	_ =	task [dreg:s6], $0x5FFFF  }
0xac: {  	[dreg:$0x1] =	wrdreg $0xFFFFFFFF  }
0xad: {  	[dreg:$0x0] =	wrdreg $0x60  }
0xae: {  	[dreg:$0x2] =	wrdreg s24  }
0xaf: {  	[dreg:$0x3] =	wrdreg $0x82000  }
0xb0: {  	[dreg:$0x4] =	wrdreg $0x9  }
0xb1: {  	_ =	task.clear_ibuf [dreg:s6], $0x5FFFF;
	_ =	strace $0x9000004C  }
0xb2: {  	s29 =	simm.s32 $0x9;
	_ =	strace $0x8000004E  }
0xb3: {  	_ =	swait.ge [sflag:s29], $0x1  }
0xb4: {  	[sflag:s29] =	ssyncadd.s32 $0xFFFFFFFF  }
0xb5: {  	_ =	strace $0x9000004E  }
0xb6: {  	_ =	sfence  }
0xb7: {  	s30 =	sld [smem:$0x0];
	_ =	sdelay $0x2  }
0xb8: {  	s31 =	sshll.u32 s1, $0xD;
	s1 =	sshrl.u32 s1, $0x2  }
0xb9: {  	s3 =	sand.u32 $0x4000, s31;
	s1 =	sadd.s32 s1, s30  }
0xba: {  	s0 =	sor.u32 s3, s0;
	s1 =	sshll.u32 s1, $0x11  }
0xbb: {  	s0 =	sor.u32 s1, s0  }
0xbc: {  	s0 =	sadd.s32 $0x8F2B, s0  }
0xbd: {  	[sflag:s0] =	ssyncadd.remote.s32 $0x1  }
0xbe: {  	_ =	sfence.sel $0xFFFF  }
0xbf: {  	[dreg:$0x0] =	wrdreg $0xFFFFFFFF;
	(pc) =	sbr.abs _section_cstart, $3  }
0xc0: {  	[dreg:$0x1] =	wrdreg $0xFFFFFFFF  }
0xc1: {  	_ =	task.clear_ibuf [dreg:s6], $0x2FFFF;
	_ =	strace $0x9FFFFFFF  }
0xc2: {  	(tm) =	ssettm $0x7FFFFFFF  }
0xc3: {  	_ =	shalt  }
tec
execute0_lowered:
.L_overlay_start_1:
0x0: {  	(tag) =	ssettag $0x1  }
0x1: {  	s5 =	rddreg [dreg:$0x0]  }
0x2: {  	s1 =	rddreg [dreg:$0x1]  }
0x3: {  	s0 =	rddreg [dreg:$0x2];
	s2 =	simm.s32 $0x0;
	s4 =	srdreg.scid  }
0x4: {  	s12 =	stileid.u32;
	s18 =	simm.s32 $0x4200;
	s19 =	simm.s32 $0x1  }
0x5: {  	s20 =	simm.s32 $0x2;
	[smem:$0x7FF] =	sst s2;
	s8 =	smul.u32 $0x4E000, s12  }
0x6: {  	s9 =	sadd.s32 $0x6AC00, s5;
	s3 =	sadd.s32 $0x1CA00, s5;
	s23 =	smul.u32 $0xA0, s12  }
0x7: {  	s7 =	sand.u32 $0x1, s4;
	s4 =	sadd.s32 $0x1A200, s5;
	s24 =	smul.u32 $0x2700, s12  }
0x8: {  	s10 =	sadd.s32 $0x92C00, s5;
	s25 =	sshll.u32 s12, $0x6;
	s30 =	smul.u32 $0x1400, s12  }
0x9: {  	s15 =	sadd.s32 $0x138000, s1;
	p0 =	sne.s32 s12, $0x0;
	s11 =	smul.u32 $0xA00, s7  }
0xa: {  	_ =	strace $0x8000004D;
	s6 =	ssub.s32 $0x2, s7;
	s26 =	smul.u32 $0x138800, s7  }
0xb: {  	s5 =	sor.u32 $0x1C03, s25;
	s16 =	smul.u32 $0x27100, s7;
	s21 =	sshrl.u32 s6, $0x1  }
0xc: {  	s17 =	smul.u32 $0x14000, s7;
	s22 =	sshrl.u32 s8, $0x2;
	s13 =	ssub.s32 s6, s21  }
0xd: {  	s14 =	sadd.s32 s22, s1;
	s6 =	sadd.s32 s23, s11;
	s11 =	sshrl.u32 s26, $0x3  }
0xe: {  	s28 =	sadd.s32 s24, s16;
	s31 =	sadd.s32 s17, s9;
	s16 =	simm.s32 $0x200  }
0xf: {  	s17 =	simm.s32 $0x100;
	s21 =	simm.s32 $0x180;
	s22 =	simm.s32 $0x0  }
0x10: {  	s6 =	sshll.u32 s6, $0x5;
	s29 =	sadd.s32 s10, s11;
	s7 =	sadd.s32 s10, s28  }
0x11: {  	s11 =	sadd.s32 s30, s31;
	s12 =	sshrl.u32 s14, $0x3;
	s14 =	sshrl.u32 @!p0 s15, $0x3  }
0x12: {  	s15 =	simm.s32 $0x80;
	s6 =	sadd.s32 s9, s6;
	s8 =	sadd.s32 $0x27000, s29  }
0x13: {  	s9 =	smax.u32 s13, $0x1;
	s13 =	simm.s32 $0x3;
	s10 =	sadd.s32 $0x13E0, s6  }
.LBB2_1:
0x14: {  	[spmem:s12], [sflag:s5] =	dma.local [hbm:s4], $0x2700  }
0x15: {  	_ =	swait.ge [sflag:s13], $0x2700  }
0x16: {  	[sflag:s13] =	ssyncset.done $0x0  }
0x17: {  	s23 =	simm.s32 @!p0 $0x3;
	[sflag:s13] =	ssyncadd.s32 $0xFFFFD900  }
0x18: {  	[spmem:s14], [sflag:s5] =	dma.local @!p0 [hbm:s4], $0x100  }
0x19: {  	_ =	swait.ge @!p0 [sflag:s23], $0x100  }
0x1a: {  	[sflag:s23] =	ssyncset.done @!p0 $0x0  }
0x1b: {  	[sflag:s23] =	ssyncadd.s32 @!p0 $0xFFFFFF00  }
0x1c: {  	[bflag:$0x0] =	sbarrier.arrive $0xFFFF  }
0x1d: {  	[tilespmem:s2], [sflag:$0x3] =	stream.linear.gather [hbm4b:s6+s2], $0x100, $0x38;
	[tilespmem:$0x1BB00] =	vst v63  }
0x1e: {  	_ =	swait.ge [sflag:s13], $0x100  }
0x1f: {  	[sflag:s13] =	ssyncset.done $0x0  }
0x20: {  	s31 =	sadd.s32 $0xFFFFEC40, s11;
	[sflag:s13] =	ssyncadd.s32 $0xFFFFFF00  }
0x21: {  	[tilespmem:s16], [sflag:$0x1] =	stream.indirect.gather [hbm4b:s3+s15], $0x80, s2, s15, $0xb8;
	[tilespmem:$0x1BB00] =	vst v63  }
0x22: {  	s24 =	sadd.s32 $0x13E0, s31  }
0x23: {  	[tilespmem:s17], [sflag:$0x3] =	stream.linear.gather [hbm4b:s24+s2], $0x100, $0x38;
	[tilespmem:$0x1BB00] =	vst v63  }
0x24: {  	_ =	swait.ge [sflag:s13], $0x100  }
0x25: {  	[sflag:s13] =	ssyncset.done $0x0  }
0x26: {  	[sflag:s13] =	ssyncadd.s32 $0xFFFFFF00  }
0x27: {  	[tilespmem:s18], [sflag:$0x2] =	stream.indirect.gather [hbm4b:s3+s15], $0x80, s17, s15, $0xb8;
	[tilespmem:$0x1BB00] =	vst v63  }
0x28: {  	_ =	swait.ge [sflag:s19], $0x4000  }
0x29: {  	[sflag:s19] =	ssyncset.done $0x0  }
0x2a: {  	[sflag:s19] =	ssyncadd.s32 $0xFFFFC000  }
0x2b: {  	[spmem:s1] =	stream.indirect.scatter.add.f32 [tilespmem:s16], [sflag:$0x3], $0x80, s15, s15, $0xb8;
	[tilespmem:$0x1BB00] =	vst v63  }
0x2c: {  	_ =	swait.ge [sflag:s13], $0x4000  }
0x2d: {  	[sflag:s13] =	ssyncset.done $0x0  }
0x2e: {  	s23 =	sadd.s32 $0x1400, s31;
	[sflag:s13] =	ssyncadd.s32 $0xFFFFC000  }
0x2f: {  	[tilespmem:s2], [sflag:$0x3] =	stream.linear.gather [hbm4b:s23+s2], $0x100, $0x38;
	[tilespmem:$0x1BB00] =	vst v63  }
0x30: {  	_ =	swait.ge [sflag:s13], $0x100  }
0x31: {  	[sflag:s13] =	ssyncset.done $0x0  }
0x32: {  	[sflag:s13] =	ssyncadd.s32 $0xFFFFFF00  }
0x33: {  	[tilespmem:s16], [sflag:$0x1] =	stream.indirect.gather [hbm4b:s3+s15], $0x80, s2, s15, $0xb8;
	[tilespmem:$0x1BB00] =	vst v63  }
0x34: {  	_ =	swait.ge [sflag:s20], $0x4000  }
0x35: {  	[sflag:s20] =	ssyncset.done $0x0  }
0x36: {  	[sflag:s20] =	ssyncadd.s32 $0xFFFFC000  }
0x37: {  	[spmem:s1] =	stream.indirect.scatter.add.f32 [tilespmem:s18], [sflag:$0x3], $0x80, s21, s15, $0xb8;
	[tilespmem:$0x1BB00] =	vst v63  }
0x38: {  	_ =	swait.ge [sflag:s13], $0x4000  }
0x39: {  	s24 =	simm.s32 $0xFFFFECC0;
	s23 =	sadd.s32 $0xFFFFEC80, s11;
	[sflag:s13] =	ssyncset.done $0x0  }
.LBB2_2:
0x3a: {  	s25 =	sadd.s32 $0x13E0, s23  }
0x3b: {  	[sflag:s13] =	ssyncadd.s32 $0xFFFFC000;
	s26 =	smov.u32 s24;
	s28 =	sadd.s32 $0x40, s24  }
0x3c: {  	[tilespmem:s17], [sflag:$0x3] =	stream.linear.gather [hbm4b:s25+s2], $0x100, $0x38;
	[tilespmem:$0x1BB00] =	vst v63  }
0x3d: {  	p1 =	sne.s32 s24, $0xFFFFFFC0;
	_ =	swait.ge [sflag:s13], $0x100  }
0x3e: {  	[sflag:s13] =	ssyncset.done $0x0  }
0x3f: {  	[sflag:s13] =	ssyncadd.s32 $0xFFFFFF00  }
0x40: {  	[tilespmem:s18], [sflag:$0x2] =	stream.indirect.gather [hbm4b:s3+s15], $0x80, s17, s15, $0xb8;
	[tilespmem:$0x1BB00] =	vst v63  }
0x41: {  	_ =	swait.ge [sflag:s19], $0x4000  }
0x42: {  	[sflag:s19] =	ssyncset.done $0x0  }
0x43: {  	[sflag:s19] =	ssyncadd.s32 $0xFFFFC000  }
0x44: {  	[spmem:s1] =	stream.indirect.scatter.add.f32 [tilespmem:s16], [sflag:$0x3], $0x80, s15, s15, $0xb8;
	[tilespmem:$0x1BB00] =	vst v63  }
0x45: {  	_ =	swait.ge [sflag:s13], $0x4000  }
0x46: {  	[sflag:s13] =	ssyncset.done $0x0  }
0x47: {  	s23 =	sadd.s32 $0x1400, s23;
	[sflag:s13] =	ssyncadd.s32 $0xFFFFC000  }
0x48: {  	[tilespmem:s2], [sflag:$0x3] =	stream.linear.gather [hbm4b:s23+s2], $0x100, $0x38;
	[tilespmem:$0x1BB00] =	vst v63  }
0x49: {  	_ =	swait.ge [sflag:s13], $0x100  }
0x4a: {  	[sflag:s13] =	ssyncset.done $0x0  }
0x4b: {  	[sflag:s13] =	ssyncadd.s32 $0xFFFFFF00  }
0x4c: {  	[tilespmem:s16], [sflag:$0x1] =	stream.indirect.gather [hbm4b:s3+s15], $0x80, s2, s15, $0xb8;
	[tilespmem:$0x1BB00] =	vst v63  }
0x4d: {  	_ =	swait.ge [sflag:s20], $0x4000  }
.Ltmp0:
0x4e: {  	[sflag:s20] =	ssyncset.done $0x0;
	(pc) =	sbr.rel @p1 .LBB2_2-.Ltmp0, $4  }
0x4f: {  	[sflag:s20] =	ssyncadd.s32 $0xFFFFC000  }
0x50: {  	[spmem:s1] =	stream.indirect.scatter.add.f32 [tilespmem:s18], [sflag:$0x3], $0x80, s21, s15, $0xb8;
	[tilespmem:$0x1BB00] =	vst v63  }
0x51: {  	_ =	swait.ge [sflag:s13], $0x4000  }
0x52: {  	s24 =	smov.u32 s28;
	s23 =	sadd.s32 s26, s11;
	[sflag:s13] =	ssyncset.done $0x0  }
0x53: {  	s24 =	sadd.s32 $0x13E0, s23;
	[sflag:s13] =	ssyncadd.s32 $0xFFFFC000  }
0x54: {  	[tilespmem:s17], [sflag:$0x3] =	stream.linear.gather [hbm4b:s24+s2], $0x100, $0x38;
	[tilespmem:$0x1BB00] =	vst v63  }
0x55: {  	_ =	swait.ge [sflag:s13], $0x100  }
0x56: {  	[sflag:s13] =	ssyncset.done $0x0  }
0x57: {  	[sflag:s13] =	ssyncadd.s32 $0xFFFFFF00  }
0x58: {  	[tilespmem:s18], [sflag:$0x2] =	stream.indirect.gather [hbm4b:s3+s15], $0x80, s17, s15, $0xb8;
	[tilespmem:$0x1BB00] =	vst v63  }
0x59: {  	_ =	swait.ge [sflag:s19], $0x4000  }
0x5a: {  	[sflag:s19] =	ssyncset.done $0x0  }
0x5b: {  	[sflag:s19] =	ssyncadd.s32 $0xFFFFC000  }
0x5c: {  	[spmem:s1] =	stream.indirect.scatter.add.f32 [tilespmem:s16], [sflag:$0x3], $0x80, s15, s15, $0xb8;
	[tilespmem:$0x1BB00] =	vst v63  }
0x5d: {  	_ =	swait.ge [sflag:s13], $0x4000  }
0x5e: {  	[sflag:s13] =	ssyncset.done $0x0  }
0x5f: {  	s31 =	sadd.s32 $0x1400, s23;
	[sflag:s13] =	ssyncadd.s32 $0xFFFFC000  }
0x60: {  	[tilespmem:s2], [sflag:$0x3] =	stream.linear.gather [hbm4b:s31+s2], $0x100, $0x38;
	[tilespmem:$0x1BB00] =	vst v63  }
0x61: {  	_ =	swait.ge [sflag:s13], $0x100  }
0x62: {  	[sflag:s13] =	ssyncset.done $0x0  }
0x63: {  	[sflag:s13] =	ssyncadd.s32 $0xFFFFFF00  }
0x64: {  	[tilespmem:s16], [sflag:$0x1] =	stream.indirect.gather [hbm4b:s3+s15], $0x80, s2, s15, $0xb8;
	[tilespmem:$0x1BB00] =	vst v63  }
0x65: {  	_ =	swait.ge [sflag:s20], $0x4000  }
0x66: {  	[sflag:s20] =	ssyncset.done $0x0  }
0x67: {  	[sflag:s20] =	ssyncadd.s32 $0xFFFFC000  }
0x68: {  	[spmem:s1] =	stream.indirect.scatter.add.f32 [tilespmem:s18], [sflag:$0x3], $0x80, s21, s15, $0xb8;
	[tilespmem:$0x1BB00] =	vst v63  }
0x69: {  	_ =	swait.ge [sflag:s13], $0x4000  }
0x6a: {  	[sflag:s13] =	ssyncset.done $0x0  }
0x6b: {  	[sflag:s13] =	ssyncadd.s32 $0xFFFFC000  }
0x6c: {  	[tilespmem:s17], [sflag:$0x3] =	stream.linear.gather [hbm4b:s10+s2], $0x100, $0x38;
	[tilespmem:$0x1BB00] =	vst v63  }
0x6d: {  	_ =	swait.ge [sflag:s13], $0x100  }
0x6e: {  	[sflag:s13] =	ssyncset.done $0x0  }
0x6f: {  	[sflag:s13] =	ssyncadd.s32 $0xFFFFFF00  }
0x70: {  	[tilespmem:s18], [sflag:$0x2] =	stream.indirect.gather [hbm4b:s3+s15], $0x80, s17, s15, $0xb8;
	[tilespmem:$0x1BB00] =	vst v63  }
0x71: {  	_ =	swait.ge [sflag:s19], $0x4000  }
0x72: {  	[sflag:s19] =	ssyncset.done $0x0  }
0x73: {  	[sflag:s19] =	ssyncadd.s32 $0xFFFFC000  }
0x74: {  	[spmem:s1] =	stream.indirect.scatter.add.f32 [tilespmem:s16], [sflag:$0x3], $0x80, s15, s15, $0xb8;
	[tilespmem:$0x1BB00] =	vst v63  }
0x75: {  	_ =	swait.ge [sflag:s13], $0x4000  }
0x76: {  	[sflag:s13] =	ssyncset.done $0x0  }
0x77: {  	[sflag:s13] =	ssyncadd.s32 $0xFFFFC000  }
0x78: {  	_ =	swait.ge [sflag:s20], $0x4000  }
0x79: {  	[sflag:s20] =	ssyncset.done $0x0  }
0x7a: {  	[sflag:s20] =	ssyncadd.s32 $0xFFFFC000  }
0x7b: {  	[spmem:s1] =	stream.indirect.scatter.add.f32 [tilespmem:s18], [sflag:$0x3], $0x80, s21, s15, $0xb8;
	[tilespmem:$0x1BB00] =	vst v63  }
0x7c: {  	_ =	swait.ge [sflag:s13], $0x4000  }
0x7d: {  	[sflag:s13] =	ssyncset.done $0x0  }
0x7e: {  	[sflag:s13] =	ssyncadd.s32 $0xFFFFC000  }
0x7f: {  	[bflag:$0x0] =	sbarrier.arrive $0xFFFF  }
0x80: {  	[hbm:s7], [sflag:s5] =	dma.local [spmem:s12], $0x2700  }
0x81: {  	s22 =	sadd.s32 $0x1, s22;
	_ =	swait.ge [sflag:s13], $0x2700  }
0x82: {  	p1 =	sne.s32 s22, s9;
	[sflag:s13] =	ssyncset.done $0x0  }
.Ltmp1:
0x83: {  	s23 =	simm.s32 @!p0 $0x3;
	[sflag:s13] =	ssyncadd.s32 $0xFFFFD900;
	(pc) =	sbr.rel @p1 .LBB2_1-.Ltmp1, $4  }
0x84: {  	[hbm:s8], [sflag:s5] =	dma.local @!p0 [spmem:s14], $0x100  }
0x85: {  	_ =	swait.ge @!p0 [sflag:s23], $0x100  }
0x86: {  	[sflag:s23] =	ssyncset.done @!p0 $0x0  }
0x87: {  	[sflag:s23] =	ssyncadd.s32 @!p0 $0xFFFFFF00  }
0x88: {  	_ =	sfence.sel $0x180000  }
0x89: {  	[bflag:$0x0] =	sbarrier.arrive $0xFFFF  }
0x8a: {  	_ =	strace $0x9000004D  }
0x8b: {  	s0 =	sadd.s32 @!p0 $0x100000, s0;
	[bflag:$0x2] =	sbarrier.arrive $0xFFFF  }
0x8c: {  	[sflag:s0] =	ssyncadd.tile.s32 @!p0 $0x1;
	_ =	shalt  }
.Lfunc_end2:
_tile_overlayer_lowered:
.L_overlay_start_2:
0x8d: {  	(tag) =	ssettag $0x2  }
0x8e: {  	s0 =	rddreg [dreg:$0x0];
	s2 =	stileid.u32  }
0x8f: {  	s1 =	rddreg [dreg:$0x1];
	p0 =	sne.s32 s2, $0x0  }
0x90: {  	s3 =	rddreg [dreg:$0x2];
	[bflag:$0x3] =	sbarrier.arrive $0xFFFF;
	s2 =	simm.s32 @!p0 $0x1C03  }
0x91: {  	[timem:s3], [sflag:s2] =	dma.local @!p0 [hbm:s0], s1  }
0x92: {  	s0 =	simm.s32 @!p0 $0x3  }
0x93: {  	_ =	swait.ge @!p0 [sflag:s0], s1  }
0x94: {  	s1 =	ssub.s32 @!p0 $0x0, s1;
	[sflag:s0] =	ssyncset.done @!p0 $0x0  }
0x95: {  	[sflag:s0] =	ssyncadd.s32 @!p0 s1  }
0x96: {  	[bflag:$0x3] =	sbarrier.arrive $0xFFFF  }
0x97: {  	_ =	shalt  }

</sc_bundles>
